<compile_context>
chip_gen: v7x
topology: tpu7x:2x2x1
jax: 0.10.2.dev20260603
libtpu: 0.0.44.dev20260713+nightly
codegen_flags: <defaults>
</compile_context>

<pallas_src>
import functools

import jax
import jax.numpy as jnp
from jax import lax
from jax.experimental import pallas as pl
from jax.experimental.pallas import tpu as pltpu
from jax.experimental.pallas import tpu_sc as plsc

N = 10000
NP = 10240
E = 320000
D = 128
G = 128
NCLS = 10
NC = 2
NS = 16
NW = NC * NS
EP = 327680
CH = 128
DH = D // 2
EPT = EP // NS
NCH = EPT // CH
EPW = EP // NW
NCHD = EPW // CH
RPT = NP // NS
RB = 1280
GR = NP // RB
ERC = EP // CH


def _sc_mesh():
    return plsc.VectorSubcoreMesh(core_axis_name="c", subcore_axis_name="s")


def _deg_sc(dstp2):

    @functools.partial(
        pl.kernel,
        out_type=jax.ShapeDtypeStruct((NC * NP, 16), jnp.float32),
        mesh=_sc_mesh(),
        scratch_types=[
            pltpu.VMEM((NCHD, CH), jnp.int32),
            pltpu.VMEM((CH, 16), jnp.float32),
            pltpu.VMEM((RPT, 16), jnp.float32),
            pltpu.VMEM_SHARED((NP, 16), jnp.float32),
            [pltpu.SemaphoreType.DMA] * 3,
        ],
        compiler_params=pltpu.CompilerParams(use_tc_tiling_on_sc=False),
    )
    def k(dst_hbm, out_hbm, didx, ones_v, hv, histsh, sems):
        cid = lax.axis_index("c")
        sid = lax.axis_index("s")
        wid = cid * NS + sid
        z16 = jnp.zeros((16,), jnp.float32)
        one0 = jnp.where(lax.iota(jnp.int32, 16) == 0,
                         jnp.float32(1.0), jnp.float32(0.0))

        pltpu.sync_copy(dst_hbm.at[pl.ds(wid * NCHD, NCHD)], didx)

        def initrow(r, c):
            ones_v[r] = one0
            return c
        lax.fori_loop(0, CH, initrow, 0)

        def zrow(r, c):
            hv[r] = z16
            return c
        lax.fori_loop(0, RPT, zrow, 0)
        pltpu.sync_copy(hv, histsh.at[pl.ds(sid * RPT, RPT)])
        plsc.subcore_barrier()

        def fire(j, c):
            pltpu.async_copy(ones_v, histsh.at[didx.at[j]], sems[0],
                             add=True)
            return c
        lax.fori_loop(0, NCHD, fire, 0)

        def drain(j, c):
            pltpu.make_async_copy(
                out_hbm.at[pl.ds(0, CH)], ones_v, sems[0]).wait()
            return c
        lax.fori_loop(0, NCHD, drain, 0)
        plsc.subcore_barrier()

        pltpu.sync_copy(histsh.at[pl.ds(sid * RPT, RPT)], hv)
        pltpu.sync_copy(hv, out_hbm.at[pl.ds(cid * NP + sid * RPT, RPT)])

    return k(dstp2)


def _scatter_sc(us, srcpp, dstp2):

    NB = 5
    AH = 2
    NG = NCH // NB

    @functools.partial(
        pl.kernel,
        out_type=jax.ShapeDtypeStruct((NC * NP, DH), jnp.float32),
        mesh=_sc_mesh(),
        scratch_types=[
            pltpu.VMEM((NCH, CH), jnp.int32),
            pltpu.VMEM((NCH, CH), jnp.int32),
            pltpu.VMEM((NB * CH, DH), jnp.float32),
            pltpu.VMEM_SHARED((NP, DH), jnp.float32),
            [pltpu.SemaphoreType.DMA] * NB,
            [pltpu.SemaphoreType.DMA] * NB,
        ],
        compiler_params=pltpu.CompilerParams(use_tc_tiling_on_sc=False),
    )
    def k(u_hbm, src_hbm, dst_hbm, out_hbm, sidx, didx, rows, zsh,
          gsems, ssems):
        cid = lax.axis_index("c")
        sid = lax.axis_index("s")
        z16 = jnp.zeros((16,), jnp.float32)
        roff = cid * NP

        def rbuf(b):
            return rows.at[pl.ds(b * CH, CH)]

        def gfire(jj, bb):
            pltpu.async_copy(u_hbm.at[sidx.at[jj]], rbuf(bb), gsems[bb])

        def gwait(b):
            pltpu.make_async_copy(
                u_hbm.at[pl.ds(0, CH)], rbuf(b), gsems[b]).wait()

        def swait(b):
            pltpu.make_async_copy(
                u_hbm.at[pl.ds(0, CH)], rbuf(b), ssems[b]).wait()

        pltpu.sync_copy(src_hbm.at[pl.ds(sid * NCH, NCH)], sidx)
        pltpu.sync_copy(dst_hbm.at[pl.ds(sid * NCH, NCH)], didx)

        def adjr(r, c):
            def adjc(kk, c2):
                s = pl.ds(kk * 16, 16)
                sidx[r, s] = sidx[r, s] + roff
                return c2
            return lax.fori_loop(0, CH // 16, adjc, c)
        lax.fori_loop(0, NCH, adjr, 0)

        def zr(r, c):
            def zc(cc, c2):
                rows[r, pl.ds(cc * 16, 16)] = z16
                return c2
            return lax.fori_loop(0, DH // 16, zc, c)
        lax.fori_loop(0, CH, zr, 0)
        for kk in range(RPT // CH):
            pltpu.sync_copy(rbuf(0), zsh.at[pl.ds(sid * RPT + kk * CH, CH)])
        plsc.subcore_barrier()

        for b in range(AH):
            gfire(b, b)

        def group(g, c):
            for b in range(NB):
                j = g * NB + b
                gwait(b)
                pltpu.async_copy(rbuf(b), zsh.at[didx.at[j]], ssems[b],
                                 add=True)
                jj = j + AH
                bb = (b + AH) % NB

                @pl.when(jj < NCH)
                def _():
                    @pl.when(jj >= NB)
                    def _():
                        swait(bb)
                    gfire(jj, bb)
            return c
        lax.fori_loop(0, NG, group, 0)
        for b in range(NB):
            swait(b)
        plsc.subcore_barrier()

        for kk in range(RPT // CH):
            r0 = sid * RPT + kk * CH
            pltpu.sync_copy(zsh.at[pl.ds(r0, CH)], rbuf(kk % NB))
            pltpu.sync_copy(rbuf(kk % NB), out_hbm.at[pl.ds(roff + r0, CH)])

    return k(us, srcpp, dstp2)


def _dis_block(dT_blk, i):
    deg = 1.0 + jnp.sum(dT_blk, axis=1, keepdims=True)
    rows = i * RB + lax.broadcasted_iota(jnp.int32, (RB, 1), 0)
    return jnp.where(rows < N, lax.rsqrt(deg), 0.0)


def _tc_u0(xp, degT, W0):
    def body(x_ref, dT_ref, w_ref, o_ref):
        i = pl.program_id(0)
        dis = _dis_block(dT_ref[...], i)
        o_ref[...] = dis * jnp.dot(x_ref[...], w_ref[...],
                                   preferred_element_type=jnp.float32)

    return pl.pallas_call(
        body,
        grid=(GR,),
        in_specs=[
            pl.BlockSpec((RB, D), lambda i: (i, 0)),
            pl.BlockSpec((RB, 32), lambda i: (i, 0)),
            pl.BlockSpec((D, D), lambda i: (0, 0)),
        ],
        out_specs=pl.BlockSpec((RB, D), lambda i: (i, 0)),
        out_shape=jax.ShapeDtypeStruct((NP, D), jnp.float32),
    )(xp, degT, W0)


def _tc_layer(z, u, degT, b_prev, W_next):
    def body(z_ref, u_ref, dT_ref, b_ref, w_ref, o_ref):
        i = pl.program_id(0)
        dis = _dis_block(dT_ref[...], i)
        h = jnp.maximum(dis * (z_ref[...] + u_ref[...]) + b_ref[...], 0.0)
        o_ref[...] = dis * jnp.dot(h, w_ref[...],
                                   preferred_element_type=jnp.float32)

    return pl.pallas_call(
        body,
        grid=(GR,),
        in_specs=[
            pl.BlockSpec((RB, D), lambda i: (i, 0)),
            pl.BlockSpec((RB, D), lambda i: (i, 0)),
            pl.BlockSpec((RB, 32), lambda i: (i, 0)),
            pl.BlockSpec((1, D), lambda i: (0, 0)),
            pl.BlockSpec((D, D), lambda i: (0, 0)),
        ],
        out_specs=pl.BlockSpec((RB, D), lambda i: (i, 0)),
        out_shape=jax.ShapeDtypeStruct((NP, D), jnp.float32),
    )(z, u, degT, b_prev, W_next)


def _tc_pool(z, u, degT, b_prev, batch2):
    def body(z_ref, u_ref, dT_ref, b_ref, bt_ref, o_ref):
        i = pl.program_id(0)
        dis = _dis_block(dT_ref[...], i)
        h = jnp.maximum(dis * (z_ref[...] + u_ref[...]) + b_ref[...], 0.0)
        oneh = (bt_ref[...] ==
                lax.broadcasted_iota(jnp.int32, (RB, G), 1)).astype(jnp.float32)
        part = lax.dot_general(oneh, h, (((0,), (0,)), ((), ())),
                               preferred_element_type=jnp.float32)

        @pl.when(i == 0)
        def _():
            o_ref[...] = jnp.zeros_like(o_ref)

        o_ref[...] += part

    return pl.pallas_call(
        body,
        grid=(GR,),
        in_specs=[
            pl.BlockSpec((RB, D), lambda i: (i, 0)),
            pl.BlockSpec((RB, D), lambda i: (i, 0)),
            pl.BlockSpec((RB, 32), lambda i: (i, 0)),
            pl.BlockSpec((1, D), lambda i: (0, 0)),
            pl.BlockSpec((RB, 1), lambda i: (i, 0)),
        ],
        out_specs=pl.BlockSpec((G, D), lambda i: (0, 0)),
        out_shape=jax.ShapeDtypeStruct((G, D), jnp.float32),
    )(z, u, degT, b_prev, batch2)


def _tc_head(p, ws):
    def body(p_ref, w1, b1r, g1r, be1r, w2, b2r, g2r, be2r,
             w3, b3r, g3r, be3r, w4, b4r, o_ref):
        def bn(a, gr, ber):
            mean = jnp.mean(a, axis=0, keepdims=True)
            var = jnp.mean((a - mean) ** 2, axis=0, keepdims=True)
            return gr * (a - mean) / jnp.sqrt(var + 1e-5) + ber

        def lin(h, wr, br):
            return jnp.dot(h, wr[...],
                           preferred_element_type=jnp.float32) + br[...]

        h = jnp.maximum(bn(lin(p_ref[...], w1, b1r), g1r[...], be1r[...]), 0.0)
        h = jnp.maximum(bn(lin(h, w2, b2r), g2r[...], be2r[...]), 0.0)
        h = jnp.maximum(bn(lin(h, w3, b3r), g3r[...], be3r[...]), 0.0)
        a = lin(h, w4, b4r)
        lanes = lax.broadcasted_iota(jnp.int32, (G, D), 1)
        am = jnp.where(lanes < NCLS, a, -1e30)
        m = jnp.max(am, axis=1, keepdims=True)
        s = jnp.sum(jnp.exp(am - m), axis=1, keepdims=True)
        o_ref[...] = (a - m) - jnp.log(s)

    full = pl.BlockSpec((D, D), lambda: (0, 0))
    row = pl.BlockSpec((1, D), lambda: (0, 0))
    specs = [pl.BlockSpec((G, D), lambda: (0, 0))]
    for _ in range(3):
        specs += [full, row, row, row]
    specs += [full, row]
    return pl.pallas_call(
        body,
        in_specs=specs,
        out_specs=pl.BlockSpec((G, D), lambda: (0, 0)),
        out_shape=jax.ShapeDtypeStruct((G, D), jnp.float32),
    )(p, *ws)


def _pad_w(w):
    out = jnp.zeros((D, D), jnp.float32)
    return out.at[: w.shape[0], : w.shape[1]].set(w)


def _pad_row(v):
    return jnp.pad(v, (0, D - v.shape[0])).reshape(1, D)


def kernel(x, edge_index, batch, W_g0, b_g0, W_g1, b_g1, W1, b1, g1, be1,
           W2, b2, g2, be2, W3, b3, g3, be3, W4, b4):
    ei = edge_index.astype(jnp.int32)
    pad_e = EP - E
    srcp2 = jnp.concatenate(
        [ei[0], jnp.full((pad_e,), N, jnp.int32)]).reshape(ERC, CH)
    dstp2 = jnp.concatenate(
        [ei[1], jnp.full((pad_e,), N, jnp.int32)]).reshape(ERC, CH)
    xp = jnp.pad(x, ((0, NP - N), (0, 0)))
    batch2 = jnp.pad(batch.astype(jnp.int32), (0, NP - N),
                     constant_values=G).reshape(NP, 1)

    degpart = _deg_sc(dstp2)
    degT = jnp.concatenate([degpart[:NP], degpart[NP:]], axis=1)

    def scatter(u):
        us = jnp.concatenate([u[:, :DH], u[:, DH:]], axis=0)
        zs = _scatter_sc(us, srcp2, dstp2)
        return jnp.concatenate([zs[:NP], zs[NP:]], axis=1)

    u0 = _tc_u0(xp, degT, W_g0)
    z0 = scatter(u0)
    u1 = _tc_layer(z0, u0, degT, b_g0.reshape(1, D), W_g1)
    z1 = scatter(u1)
    p = _tc_pool(z1, u1, degT, b_g1.reshape(1, D), batch2)

    ws = [
        _pad_w(W1), _pad_row(b1), _pad_row(g1), _pad_row(be1),
        _pad_w(W2), _pad_row(b2), _pad_row(g2), _pad_row(be2),
        _pad_w(W3), _pad_row(b3), _pad_row(g3), _pad_row(be3),
        _pad_w(W4), _pad_row(b4),
    ]
    out = _tc_head(p, ws)
    return out[:, :NCLS]

# --- scband reference (transcript-rebuilt; emitter-appended) ---
"""Pipeline reference for scband-gcn-81655918232022 (READ-ONLY COPY).

The authoritative reference and input builder live on the scoring server;
editing this copy changes nothing except your own understanding.
"""

import jax, jax.numpy as jnp
import numpy as np

N_NODES = 10000
N_EDGES = 320000
D_FEAT = 128
HIDDEN_CHANNELS = 128
HIDDEN = 128
NUM_CLASSES = 10
NUM_GRAPHS = 128


def gcn_conv(x, edge_index, W, b):
    # PyG GCNConv: add self-loops, symmetric normalization, scatter-add aggregation
    n = x.shape[0]
    loop = jnp.arange(n, dtype=edge_index.dtype)
    src = jnp.concatenate([edge_index[0], loop])
    dst = jnp.concatenate([edge_index[1], loop])
    deg = jnp.zeros((n,), dtype=x.dtype).at[dst].add(1.0)
    dis = jnp.where(deg > 0, jax.lax.rsqrt(jnp.maximum(deg, 1e-12)), 0.0)
    norm = dis[src] * dis[dst]
    xw = x @ W
    msg = xw[src] * norm[:, None]
    out = jnp.zeros_like(xw).at[dst].add(msg)
    return out + b


def batch_norm(x, gamma, beta, eps=1e-5):
    mean = jnp.mean(x, axis=0)
    var = jnp.var(x, axis=0)
    return gamma * (x - mean) / jnp.sqrt(var + eps) + beta


def setup_inputs(seed: int = 0):
    key = jax.random.key(seed)
    ks = jax.random.split(key, 16)
    s = 0.05
    inp = {}
    inp["x"] = jax.random.normal(ks[0], (N_NODES, D_FEAT), dtype=jnp.float32)
    inp["edge_index"] = jax.random.randint(ks[1], (2, N_EDGES), 0, N_NODES)
    inp["batch"] = jnp.sort(jax.random.randint(ks[2], (N_NODES,), 0, NUM_GRAPHS))
    inp["W_g0"] = jax.random.normal(ks[3], (D_FEAT, HIDDEN_CHANNELS), dtype=jnp.float32) * s
    inp["b_g0"] = jnp.zeros((HIDDEN_CHANNELS,), dtype=jnp.float32)
    inp["W_g1"] = jax.random.normal(ks[4], (HIDDEN_CHANNELS, HIDDEN_CHANNELS), dtype=jnp.float32) * s
    inp["b_g1"] = jnp.zeros((HIDDEN_CHANNELS,), dtype=jnp.float32)
    inp["W1"] = jax.random.normal(ks[5], (HIDDEN_CHANNELS, HIDDEN), dtype=jnp.float32) * s
    inp["b1"] = jnp.zeros((HIDDEN,), dtype=jnp.float32)
    inp["g1"] = jnp.ones((HIDDEN,), dtype=jnp.float32)
    inp["be1"] = jnp.zeros((HIDDEN,), dtype=jnp.float32)
    inp["W2"] = jax.random.normal(ks[6], (HIDDEN, HIDDEN // 2), dtype=jnp.float32) * s
    inp["b2"] = jnp.zeros((HIDDEN // 2,), dtype=jnp.float32)
    inp["g2"] = jnp.ones((HIDDEN // 2,), dtype=jnp.float32)
    inp["be2"] = jnp.zeros((HIDDEN // 2,), dtype=jnp.float32)
    inp["W3"] = jax.random.normal(ks[7], (HIDDEN // 2, HIDDEN // 2), dtype=jnp.float32) * s
    inp["b3"] = jnp.zeros((HIDDEN // 2,), dtype=jnp.float32)
    inp["g3"] = jnp.ones((HIDDEN // 2,), dtype=jnp.float32)
    inp["be3"] = jnp.zeros((HIDDEN // 2,), dtype=jnp.float32)
    inp["W4"] = jax.random.normal(ks[8], (HIDDEN // 2, NUM_CLASSES), dtype=jnp.float32) * s
    inp["b4"] = jnp.zeros((NUM_CLASSES,), dtype=jnp.float32)
    return inp


def reference(x, edge_index, batch, W_g0, b_g0, W_g1, b_g1, W1, b1, g1, be1, W2, b2, g2, be2, W3, b3, g3, be3, W4, b4):
    # GCN stack with relu, as in forward loop over self.convs
    h = jax.nn.relu(gcn_conv(x, edge_index, W_g0, b_g0))
    h = jax.nn.relu(gcn_conv(h, edge_index, W_g1, b_g1))
    # global_add_pool(x, batch)
    p = jax.ops.segment_sum(h, batch, num_segments=NUM_GRAPHS)
    # MLP head: Linear -> BN -> ReLU (dropout = identity in eval) x3, then final Linear
    h = jax.nn.relu(batch_norm(p @ W1 + b1, g1, be1))
    h = jax.nn.relu(batch_norm(h @ W2 + b2, g2, be2))
    h = jax.nn.relu(batch_norm(h @ W3 + b3, g3, be3))
    h = h @ W4 + b4
    # softmax = LogSoftmax(dim=1)
    return jax.nn.log_softmax(h, axis=1)

if __name__ == "__main__":
    import jax
    _d = setup_inputs()
    print(jax.jit(kernel)(*tuple(_d.values())))

</pallas_src>

<mosaic_0001>
#map = affine_map<(d0, d1) -> (0, 0)>
module attributes {stable_mosaic.version = 14 : i64} {
  func.func @k(%arg0: i32, %arg1: i32, %arg2: memref<20480x64xf32, #tpu.memory_space<hbm>>, %arg3: memref<2560x128xi32, #tpu.memory_space<hbm>>, %arg4: memref<2560x128xi32, #tpu.memory_space<hbm>>, %arg5: memref<20480x64xf32, #tpu.memory_space<hbm>>, %arg6: memref<160x128xi32, #tpu.memory_space<vmem>>, %arg7: memref<160x128xi32, #tpu.memory_space<vmem>>, %arg8: memref<640x64xf32, #tpu.memory_space<vmem>>, %arg9: memref<10240x64xf32, #tpu.memory_space<vmem_shared>>, %arg10: memref<!tpu.dma_semaphore, #tpu.memory_space<semaphore_mem>>, %arg11: memref<!tpu.dma_semaphore, #tpu.memory_space<semaphore_mem>>, %arg12: memref<!tpu.dma_semaphore, #tpu.memory_space<semaphore_mem>>, %arg13: memref<!tpu.dma_semaphore, #tpu.memory_space<semaphore_mem>>, %arg14: memref<!tpu.dma_semaphore, #tpu.memory_space<semaphore_mem>>, %arg15: memref<!tpu.dma_semaphore, #tpu.memory_space<semaphore_mem>>, %arg16: memref<!tpu.dma_semaphore, #tpu.memory_space<semaphore_mem>>, %arg17: memref<!tpu.dma_semaphore, #tpu.memory_space<semaphore_mem>>, %arg18: memref<!tpu.dma_semaphore, #tpu.memory_space<semaphore_mem>>, %arg19: memref<!tpu.dma_semaphore, #tpu.memory_space<semaphore_mem>>) attributes {dimension_semantics = [#tpu.dimension_semantics<core_parallel>, #tpu.dimension_semantics<subcore_parallel>], iteration_bounds = array<i64: 2, 16>, scalar_prefetch = 0 : i64, scratch_operands = 14 : i64, tpu.core_type = #tpu.core_type<sc_vector_subcore>, window_params = [{transform_indices = #map}, {transform_indices = #map}, {transform_indices = #map}, {transform_indices = #map}]} {
    %broadcast_in_dim3A = arith.constant 0.000000e+00 : f32
    %broadcast_in_dim3A_0 = vector.broadcast %broadcast_in_dim3A : f32 to vector<16xf32>
    %mul3A = arith.constant 10240 : i32
    %mul3A_1 = arith.muli %arg0, %mul3A : i32
    %mul3A_2 = arith.constant 160 : i32
    %mul3A_3 = arith.muli %arg1, %mul3A_2 : i32
    "tpu.region"() ({
      %run_scoped3A = tpu.sem_alloc : memref<!tpu.dma_semaphore, #tpu.memory_space<semaphore_mem>>
      %dma_start3A_146 = arith.constant 0 : i32
      %dma_start3A_147 = tpu.memref_slice %arg3[%mul3A_3, %dma_start3A_146] : memref<2560x128xi32, #tpu.memory_space<hbm>> -> memref<160x128xi32, #tpu.memory_space<hbm>>
      %dma_start3A_148 = arith.constant 0 : i32
      %dma_start3A_149 = tpu.memref_slice %arg3[%mul3A_3, %dma_start3A_148] : memref<2560x128xi32, #tpu.memory_space<hbm>> -> memref<160x128xi32, #tpu.memory_space<hbm>>
      tpu.enqueue_dma source(%dma_start3A_149 : memref<160x128xi32, #tpu.memory_space<hbm>>) target(%arg6 : memref<160x128xi32, #tpu.memory_space<vmem>>) target_semaphore(%run_scoped3A : memref<!tpu.dma_semaphore, #tpu.memory_space<semaphore_mem>>)
      %dma_wait3A_150 = arith.constant 0 : i32
      %dma_wait3A_151 = tpu.memref_slice %arg3[%mul3A_3, %dma_wait3A_150] : memref<2560x128xi32, #tpu.memory_space<hbm>> -> memref<160x128xi32, #tpu.memory_space<hbm>>
      %dma_wait3A_152 = arith.constant 0 : i32
      %dma_wait3A_153 = tpu.memref_slice %arg3[%mul3A_3, %dma_wait3A_152] : memref<2560x128xi32, #tpu.memory_space<hbm>> -> memref<160x128xi32, #tpu.memory_space<hbm>>
      tpu.wait_dma2 semaphore(%run_scoped3A : memref<!tpu.dma_semaphore, #tpu.memory_space<semaphore_mem>>) src(%dma_wait3A_153 : memref<160x128xi32, #tpu.memory_space<hbm>>) dst(%arg6 : memref<160x128xi32, #tpu.memory_space<vmem>>)
      tpu.yield
    }) : () -> ()
    %mul3A_4 = arith.constant 160 : i32
    %mul3A_5 = arith.muli %arg1, %mul3A_4 : i32
    "tpu.region"() ({
      %run_scoped3A = tpu.sem_alloc : memref<!tpu.dma_semaphore, #tpu.memory_space<semaphore_mem>>
      %dma_start3A_146 = arith.constant 0 : i32
      %dma_start3A_147 = tpu.memref_slice %arg4[%mul3A_5, %dma_start3A_146] : memref<2560x128xi32, #tpu.memory_space<hbm>> -> memref<160x128xi32, #tpu.memory_space<hbm>>
      %dma_start3A_148 = arith.constant 0 : i32
      %dma_start3A_149 = tpu.memref_slice %arg4[%mul3A_5, %dma_start3A_148] : memref<2560x128xi32, #tpu.memory_space<hbm>> -> memref<160x128xi32, #tpu.memory_space<hbm>>
      tpu.enqueue_dma source(%dma_start3A_149 : memref<160x128xi32, #tpu.memory_space<hbm>>) target(%arg7 : memref<160x128xi32, #tpu.memory_space<vmem>>) target_semaphore(%run_scoped3A : memref<!tpu.dma_semaphore, #tpu.memory_space<semaphore_mem>>)
      %dma_wait3A_150 = arith.constant 0 : i32
      %dma_wait3A_151 = tpu.memref_slice %arg4[%mul3A_5, %dma_wait3A_150] : memref<2560x128xi32, #tpu.memory_space<hbm>> -> memref<160x128xi32, #tpu.memory_space<hbm>>
      %dma_wait3A_152 = arith.constant 0 : i32
      %dma_wait3A_153 = tpu.memref_slice %arg4[%mul3A_5, %dma_wait3A_152] : memref<2560x128xi32, #tpu.memory_space<hbm>> -> memref<160x128xi32, #tpu.memory_space<hbm>>
      tpu.wait_dma2 semaphore(%run_scoped3A : memref<!tpu.dma_semaphore, #tpu.memory_space<semaphore_mem>>) src(%dma_wait3A_153 : memref<160x128xi32, #tpu.memory_space<hbm>>) dst(%arg7 : memref<160x128xi32, #tpu.memory_space<vmem>>)
      tpu.yield
    }) : () -> ()
    %scan3A = arith.constant 0 : i32
    %scan3A_6 = arith.constant 0 : i32
    %scan3A_7 = arith.constant 160 : i32
    %scan3A_8 = arith.addi %scan3A_6, %scan3A_7 : i32
    %scan3A_9 = arith.constant 1 : i32
    scf.for %scan3A_146 = %scan3A_6 to %scan3A_8 step %scan3A_9  : i32 {
      %scan3A_147 = arith.constant 0 : i32
      %scan3A_148 = arith.constant 8 : i32
      %scan3A_149 = arith.addi %scan3A_147, %scan3A_148 : i32
      %scan3A_150 = arith.constant 1 : i32
      scf.for %scan3A_152 = %scan3A_147 to %scan3A_149 step %scan3A_150  : i32 {
        %mul3A_153 = arith.constant 16 : i32
        %mul3A_154 = arith.muli %scan3A_152, %mul3A_153 : i32
        %get3A = arith.index_cast %scan3A_146 : i32 to index
        %get3A_155 = arith.index_cast %mul3A_154 : i32 to index
        %get3A_156 = tpu.vector_load %arg6[%get3A, %get3A_155] {strides = array<i32>} : memref<160x128xi32, #tpu.memory_space<vmem>>, vector<1x16xi32>,
        %get3A_157 = vector.shape_cast %get3A_156 : vector<1x16xi32> to vector<16xi32>
        %add3A_158 = vector.broadcast %mul3A_1 : i32 to vector<16xi32>
        %add3A_159 = arith.addi %get3A_157, %add3A_158 : vector<16xi32>
        %swap3A = arith.index_cast %scan3A_146 : i32 to index
        %swap3A_160 = arith.index_cast %mul3A_154 : i32 to index
        %swap3A_161 = tpu.vector_load %arg6[%swap3A, %swap3A_160] {strides = array<i32>} : memref<160x128xi32, #tpu.memory_space<vmem>>, vector<1x16xi32>,
        %swap3A_162 = vector.shape_cast %swap3A_161 : vector<1x16xi32> to vector<16xi32>
        %swap3A_163 = vector.shape_cast %add3A_159 : vector<16xi32> to vector<1x16xi32>
        tpu.vector_store %arg6[%swap3A, %swap3A_160], %swap3A_163 {strides = array<i32>} : memref<160x128xi32, #tpu.memory_space<vmem>>, vector<1x16xi32>,
      }
      %scan3A_151 = arith.constant 8 : i32
    }
    %scan3A_10 = arith.constant 160 : i32
    %scan3A_11 = arith.constant 0 : i32
    %scan3A_12 = arith.constant 0 : i32
    %scan3A_13 = arith.constant 128 : i32
    %scan3A_14 = arith.addi %scan3A_12, %scan3A_13 : i32
    %scan3A_15 = arith.constant 1 : i32
    scf.for %scan3A_146 = %scan3A_12 to %scan3A_14 step %scan3A_15  : i32 {
      %scan3A_147 = arith.constant 0 : i32
      %scan3A_148 = arith.constant 4 : i32
      %scan3A_149 = arith.addi %scan3A_147, %scan3A_148 : i32
      %scan3A_150 = arith.constant 1 : i32
      scf.for %scan3A_152 = %scan3A_147 to %scan3A_149 step %scan3A_150  : i32 {
        %mul3A_153 = arith.constant 16 : i32
        %mul3A_154 = arith.muli %scan3A_152, %mul3A_153 : i32
        %swap3A = arith.index_cast %scan3A_146 : i32 to index
        %swap3A_155 = arith.index_cast %mul3A_154 : i32 to index
        %swap3A_156 = tpu.vector_load %arg8[%swap3A, %swap3A_155] {strides = array<i32>} : memref<640x64xf32, #tpu.memory_space<vmem>>, vector<1x16xf32>,
        %swap3A_157 = vector.shape_cast %swap3A_156 : vector<1x16xf32> to vector<16xf32>
        %swap3A_158 = vector.shape_cast %broadcast_in_dim3A_0 : vector<16xf32> to vector<1x16xf32>
        tpu.vector_store %arg8[%swap3A, %swap3A_155], %swap3A_158 {strides = array<i32>} : memref<640x64xf32, #tpu.memory_space<vmem>>, vector<1x16xf32>,
      }
      %scan3A_151 = arith.constant 4 : i32
    }
    %scan3A_16 = arith.constant 128 : i32
    %mul3A_17 = arith.constant 640 : i32
    %mul3A_18 = arith.muli %arg1, %mul3A_17 : i32
    %add3A = arith.constant 0 : i32
    %add3A_19 = arith.addi %mul3A_18, %add3A : i32
    "tpu.region"() ({
      %run_scoped3A = tpu.sem_alloc : memref<!tpu.dma_semaphore, #tpu.memory_space<semaphore_mem>>
      %dma_start3A_146 = arith.constant 0 : i32
      %dma_start3A_147 = arith.constant 0 : i32
      %dma_start3A_148 = tpu.memref_slice %arg8[%dma_start3A_146, %dma_start3A_147] : memref<640x64xf32, #tpu.memory_space<vmem>> -> memref<128x64xf32, #tpu.memory_space<vmem>>
      %dma_start3A_149 = arith.constant 0 : i32
      %dma_start3A_150 = tpu.memref_slice %arg9[%add3A_19, %dma_start3A_149] : memref<10240x64xf32, #tpu.memory_space<vmem_shared>> -> memref<128x64xf32, #tpu.memory_space<vmem_shared>>
      %dma_start3A_151 = arith.constant 0 : i32
      %dma_start3A_152 = tpu.memref_slice %arg9[%add3A_19, %dma_start3A_151] : memref<10240x64xf32, #tpu.memory_space<vmem_shared>> -> memref<128x64xf32, #tpu.memory_space<vmem_shared>>
      %dma_start3A_153 = arith.constant 0 : i32
      %dma_start3A_154 = arith.constant 0 : i32
      %dma_start3A_155 = tpu.memref_slice %arg8[%dma_start3A_153, %dma_start3A_154] : memref<640x64xf32, #tpu.memory_space<vmem>> -> memref<128x64xf32, #tpu.memory_space<vmem>>
      tpu.enqueue_dma source(%dma_start3A_155 : memref<128x64xf32, #tpu.memory_space<vmem>>) target(%dma_start3A_152 : memref<128x64xf32, #tpu.memory_space<vmem_shared>>) target_semaphore(%run_scoped3A : memref<!tpu.dma_semaphore, #tpu.memory_space<semaphore_mem>>)
      %dma_wait3A_156 = arith.constant 0 : i32
      %dma_wait3A_157 = arith.constant 0 : i32
      %dma_wait3A_158 = tpu.memref_slice %arg8[%dma_wait3A_156, %dma_wait3A_157] : memref<640x64xf32, #tpu.memory_space<vmem>> -> memref<128x64xf32, #tpu.memory_space<vmem>>
      %dma_wait3A_159 = arith.constant 0 : i32
      %dma_wait3A_160 = tpu.memref_slice %arg9[%add3A_19, %dma_wait3A_159] : memref<10240x64xf32, #tpu.memory_space<vmem_shared>> -> memref<128x64xf32, #tpu.memory_space<vmem_shared>>
      %dma_wait3A_161 = arith.constant 0 : i32
      %dma_wait3A_162 = tpu.memref_slice %arg9[%add3A_19, %dma_wait3A_161] : memref<10240x64xf32, #tpu.memory_space<vmem_shared>> -> memref<128x64xf32, #tpu.memory_space<vmem_shared>>
      %dma_wait3A_163 = arith.constant 0 : i32
      %dma_wait3A_164 = arith.constant 0 : i32
      %dma_wait3A_165 = tpu.memref_slice %arg8[%dma_wait3A_163, %dma_wait3A_164] : memref<640x64xf32, #tpu.memory_space<vmem>> -> memref<128x64xf32, #tpu.memory_space<vmem>>
      tpu.wait_dma2 semaphore(%run_scoped3A : memref<!tpu.dma_semaphore, #tpu.memory_space<semaphore_mem>>) src(%dma_wait3A_165 : memref<128x64xf32, #tpu.memory_space<vmem>>) dst(%dma_wait3A_162 : memref<128x64xf32, #tpu.memory_space<vmem_shared>>)
      tpu.yield
    }) : () -> ()
    %mul3A_20 = arith.constant 640 : i32
    %mul3A_21 = arith.muli %arg1, %mul3A_20 : i32
    %add3A_22 = arith.constant 128 : i32
    %add3A_23 = arith.addi %mul3A_21, %add3A_22 : i32
    "tpu.region"() ({
      %run_scoped3A = tpu.sem_alloc : memref<!tpu.dma_semaphore, #tpu.memory_space<semaphore_mem>>
      %dma_start3A_146 = arith.constant 0 : i32
      %dma_start3A_147 = arith.constant 0 : i32
      %dma_start3A_148 = tpu.memref_slice %arg8[%dma_start3A_146, %dma_start3A_147] : memref<640x64xf32, #tpu.memory_space<vmem>> -> memref<128x64xf32, #tpu.memory_space<vmem>>
      %dma_start3A_149 = arith.constant 0 : i32
      %dma_start3A_150 = tpu.memref_slice %arg9[%add3A_23, %dma_start3A_149] : memref<10240x64xf32, #tpu.memory_space<vmem_shared>> -> memref<128x64xf32, #tpu.memory_space<vmem_shared>>
      %dma_start3A_151 = arith.constant 0 : i32
      %dma_start3A_152 = tpu.memref_slice %arg9[%add3A_23, %dma_start3A_151] : memref<10240x64xf32, #tpu.memory_space<vmem_shared>> -> memref<128x64xf32, #tpu.memory_space<vmem_shared>>
      %dma_start3A_153 = arith.constant 0 : i32
      %dma_start3A_154 = arith.constant 0 : i32
      %dma_start3A_155 = tpu.memref_slice %arg8[%dma_start3A_153, %dma_start3A_154] : memref<640x64xf32, #tpu.memory_space<vmem>> -> memref<128x64xf32, #tpu.memory_space<vmem>>
      tpu.enqueue_dma source(%dma_start3A_155 : memref<128x64xf32, #tpu.memory_space<vmem>>) target(%dma_start3A_152 : memref<128x64xf32, #tpu.memory_space<vmem_shared>>) target_semaphore(%run_scoped3A : memref<!tpu.dma_semaphore, #tpu.memory_space<semaphore_mem>>)
      %dma_wait3A_156 = arith.constant 0 : i32
      %dma_wait3A_157 = arith.constant 0 : i32
      %dma_wait3A_158 = tpu.memref_slice %arg8[%dma_wait3A_156, %dma_wait3A_157] : memref<640x64xf32, #tpu.memory_space<vmem>> -> memref<128x64xf32, #tpu.memory_space<vmem>>
      %dma_wait3A_159 = arith.constant 0 : i32
      %dma_wait3A_160 = tpu.memref_slice %arg9[%add3A_23, %dma_wait3A_159] : memref<10240x64xf32, #tpu.memory_space<vmem_shared>> -> memref<128x64xf32, #tpu.memory_space<vmem_shared>>
      %dma_wait3A_161 = arith.constant 0 : i32
      %dma_wait3A_162 = tpu.memref_slice %arg9[%add3A_23, %dma_wait3A_161] : memref<10240x64xf32, #tpu.memory_space<vmem_shared>> -> memref<128x64xf32, #tpu.memory_space<vmem_shared>>
      %dma_wait3A_163 = arith.constant 0 : i32
      %dma_wait3A_164 = arith.constant 0 : i32
      %dma_wait3A_165 = tpu.memref_slice %arg8[%dma_wait3A_163, %dma_wait3A_164] : memref<640x64xf32, #tpu.memory_space<vmem>> -> memref<128x64xf32, #tpu.memory_space<vmem>>
      tpu.wait_dma2 semaphore(%run_scoped3A : memref<!tpu.dma_semaphore, #tpu.memory_space<semaphore_mem>>) src(%dma_wait3A_165 : memref<128x64xf32, #tpu.memory_space<vmem>>) dst(%dma_wait3A_162 : memref<128x64xf32, #tpu.memory_space<vmem_shared>>)
      tpu.yield
    }) : () -> ()
    %mul3A_24 = arith.constant 640 : i32
    %mul3A_25 = arith.muli %arg1, %mul3A_24 : i32
    %add3A_26 = arith.constant 256 : i32
    %add3A_27 = arith.addi %mul3A_25, %add3A_26 : i32
    "tpu.region"() ({
      %run_scoped3A = tpu.sem_alloc : memref<!tpu.dma_semaphore, #tpu.memory_space<semaphore_mem>>
      %dma_start3A_146 = arith.constant 0 : i32
      %dma_start3A_147 = arith.constant 0 : i32
      %dma_start3A_148 = tpu.memref_slice %arg8[%dma_start3A_146, %dma_start3A_147] : memref<640x64xf32, #tpu.memory_space<vmem>> -> memref<128x64xf32, #tpu.memory_space<vmem>>
      %dma_start3A_149 = arith.constant 0 : i32
      %dma_start3A_150 = tpu.memref_slice %arg9[%add3A_27, %dma_start3A_149] : memref<10240x64xf32, #tpu.memory_space<vmem_shared>> -> memref<128x64xf32, #tpu.memory_space<vmem_shared>>
      %dma_start3A_151 = arith.constant 0 : i32
      %dma_start3A_152 = tpu.memref_slice %arg9[%add3A_27, %dma_start3A_151] : memref<10240x64xf32, #tpu.memory_space<vmem_shared>> -> memref<128x64xf32, #tpu.memory_space<vmem_shared>>
      %dma_start3A_153 = arith.constant 0 : i32
      %dma_start3A_154 = arith.constant 0 : i32
      %dma_start3A_155 = tpu.memref_slice %arg8[%dma_start3A_153, %dma_start3A_154] : memref<640x64xf32, #tpu.memory_space<vmem>> -> memref<128x64xf32, #tpu.memory_space<vmem>>
      tpu.enqueue_dma source(%dma_start3A_155 : memref<128x64xf32, #tpu.memory_space<vmem>>) target(%dma_start3A_152 : memref<128x64xf32, #tpu.memory_space<vmem_shared>>) target_semaphore(%run_scoped3A : memref<!tpu.dma_semaphore, #tpu.memory_space<semaphore_mem>>)
      %dma_wait3A_156 = arith.constant 0 : i32
      %dma_wait3A_157 = arith.constant 0 : i32
      %dma_wait3A_158 = tpu.memref_slice %arg8[%dma_wait3A_156, %dma_wait3A_157] : memref<640x64xf32, #tpu.memory_space<vmem>> -> memref<128x64xf32, #tpu.memory_space<vmem>>
      %dma_wait3A_159 = arith.constant 0 : i32
      %dma_wait3A_160 = tpu.memref_slice %arg9[%add3A_27, %dma_wait3A_159] : memref<10240x64xf32, #tpu.memory_space<vmem_shared>> -> memref<128x64xf32, #tpu.memory_space<vmem_shared>>
      %dma_wait3A_161 = arith.constant 0 : i32
      %dma_wait3A_162 = tpu.memref_slice %arg9[%add3A_27, %dma_wait3A_161] : memref<10240x64xf32, #tpu.memory_space<vmem_shared>> -> memref<128x64xf32, #tpu.memory_space<vmem_shared>>
      %dma_wait3A_163 = arith.constant 0 : i32
      %dma_wait3A_164 = arith.constant 0 : i32
      %dma_wait3A_165 = tpu.memref_slice %arg8[%dma_wait3A_163, %dma_wait3A_164] : memref<640x64xf32, #tpu.memory_space<vmem>> -> memref<128x64xf32, #tpu.memory_space<vmem>>
      tpu.wait_dma2 semaphore(%run_scoped3A : memref<!tpu.dma_semaphore, #tpu.memory_space<semaphore_mem>>) src(%dma_wait3A_165 : memref<128x64xf32, #tpu.memory_space<vmem>>) dst(%dma_wait3A_162 : memref<128x64xf32, #tpu.memory_space<vmem_shared>>)
      tpu.yield
    }) : () -> ()
    %mul3A_28 = arith.constant 640 : i32
    %mul3A_29 = arith.muli %arg1, %mul3A_28 : i32
    %add3A_30 = arith.constant 384 : i32
    %add3A_31 = arith.addi %mul3A_29, %add3A_30 : i32
    "tpu.region"() ({
      %run_scoped3A = tpu.sem_alloc : memref<!tpu.dma_semaphore, #tpu.memory_space<semaphore_mem>>
      %dma_start3A_146 = arith.constant 0 : i32
      %dma_start3A_147 = arith.constant 0 : i32
      %dma_start3A_148 = tpu.memref_slice %arg8[%dma_start3A_146, %dma_start3A_147] : memref<640x64xf32, #tpu.memory_space<vmem>> -> memref<128x64xf32, #tpu.memory_space<vmem>>
      %dma_start3A_149 = arith.constant 0 : i32
      %dma_start3A_150 = tpu.memref_slice %arg9[%add3A_31, %dma_start3A_149] : memref<10240x64xf32, #tpu.memory_space<vmem_shared>> -> memref<128x64xf32, #tpu.memory_space<vmem_shared>>
      %dma_start3A_151 = arith.constant 0 : i32
      %dma_start3A_152 = tpu.memref_slice %arg9[%add3A_31, %dma_start3A_151] : memref<10240x64xf32, #tpu.memory_space<vmem_shared>> -> memref<128x64xf32, #tpu.memory_space<vmem_shared>>
      %dma_start3A_153 = arith.constant 0 : i32
      %dma_start3A_154 = arith.constant 0 : i32
      %dma_start3A_155 = tpu.memref_slice %arg8[%dma_start3A_153, %dma_start3A_154] : memref<640x64xf32, #tpu.memory_space<vmem>> -> memref<128x64xf32, #tpu.memory_space<vmem>>
      tpu.enqueue_dma source(%dma_start3A_155 : memref<128x64xf32, #tpu.memory_space<vmem>>) target(%dma_start3A_152 : memref<128x64xf32, #tpu.memory_space<vmem_shared>>) target_semaphore(%run_scoped3A : memref<!tpu.dma_semaphore, #tpu.memory_space<semaphore_mem>>)
      %dma_wait3A_156 = arith.constant 0 : i32
      %dma_wait3A_157 = arith.constant 0 : i32
      %dma_wait3A_158 = tpu.memref_slice %arg8[%dma_wait3A_156, %dma_wait3A_157] : memref<640x64xf32, #tpu.memory_space<vmem>> -> memref<128x64xf32, #tpu.memory_space<vmem>>
      %dma_wait3A_159 = arith.constant 0 : i32
      %dma_wait3A_160 = tpu.memref_slice %arg9[%add3A_31, %dma_wait3A_159] : memref<10240x64xf32, #tpu.memory_space<vmem_shared>> -> memref<128x64xf32, #tpu.memory_space<vmem_shared>>
      %dma_wait3A_161 = arith.constant 0 : i32
      %dma_wait3A_162 = tpu.memref_slice %arg9[%add3A_31, %dma_wait3A_161] : memref<10240x64xf32, #tpu.memory_space<vmem_shared>> -> memref<128x64xf32, #tpu.memory_space<vmem_shared>>
      %dma_wait3A_163 = arith.constant 0 : i32
      %dma_wait3A_164 = arith.constant 0 : i32
      %dma_wait3A_165 = tpu.memref_slice %arg8[%dma_wait3A_163, %dma_wait3A_164] : memref<640x64xf32, #tpu.memory_space<vmem>> -> memref<128x64xf32, #tpu.memory_space<vmem>>
      tpu.wait_dma2 semaphore(%run_scoped3A : memref<!tpu.dma_semaphore, #tpu.memory_space<semaphore_mem>>) src(%dma_wait3A_165 : memref<128x64xf32, #tpu.memory_space<vmem>>) dst(%dma_wait3A_162 : memref<128x64xf32, #tpu.memory_space<vmem_shared>>)
      tpu.yield
    }) : () -> ()
    %mul3A_32 = arith.constant 640 : i32
    %mul3A_33 = arith.muli %arg1, %mul3A_32 : i32
    %add3A_34 = arith.constant 512 : i32
    %add3A_35 = arith.addi %mul3A_33, %add3A_34 : i32
    "tpu.region"() ({
      %run_scoped3A = tpu.sem_alloc : memref<!tpu.dma_semaphore, #tpu.memory_space<semaphore_mem>>
      %dma_start3A_146 = arith.constant 0 : i32
      %dma_start3A_147 = arith.constant 0 : i32
      %dma_start3A_148 = tpu.memref_slice %arg8[%dma_start3A_146, %dma_start3A_147] : memref<640x64xf32, #tpu.memory_space<vmem>> -> memref<128x64xf32, #tpu.memory_space<vmem>>
      %dma_start3A_149 = arith.constant 0 : i32
      %dma_start3A_150 = tpu.memref_slice %arg9[%add3A_35, %dma_start3A_149] : memref<10240x64xf32, #tpu.memory_space<vmem_shared>> -> memref<128x64xf32, #tpu.memory_space<vmem_shared>>
      %dma_start3A_151 = arith.constant 0 : i32
      %dma_start3A_152 = tpu.memref_slice %arg9[%add3A_35, %dma_start3A_151] : memref<10240x64xf32, #tpu.memory_space<vmem_shared>> -> memref<128x64xf32, #tpu.memory_space<vmem_shared>>
      %dma_start3A_153 = arith.constant 0 : i32
      %dma_start3A_154 = arith.constant 0 : i32
      %dma_start3A_155 = tpu.memref_slice %arg8[%dma_start3A_153, %dma_start3A_154] : memref<640x64xf32, #tpu.memory_space<vmem>> -> memref<128x64xf32, #tpu.memory_space<vmem>>
      tpu.enqueue_dma source(%dma_start3A_155 : memref<128x64xf32, #tpu.memory_space<vmem>>) target(%dma_start3A_152 : memref<128x64xf32, #tpu.memory_space<vmem_shared>>) target_semaphore(%run_scoped3A : memref<!tpu.dma_semaphore, #tpu.memory_space<semaphore_mem>>)
      %dma_wait3A_156 = arith.constant 0 : i32
      %dma_wait3A_157 = arith.constant 0 : i32
      %dma_wait3A_158 = tpu.memref_slice %arg8[%dma_wait3A_156, %dma_wait3A_157] : memref<640x64xf32, #tpu.memory_space<vmem>> -> memref<128x64xf32, #tpu.memory_space<vmem>>
      %dma_wait3A_159 = arith.constant 0 : i32
      %dma_wait3A_160 = tpu.memref_slice %arg9[%add3A_35, %dma_wait3A_159] : memref<10240x64xf32, #tpu.memory_space<vmem_shared>> -> memref<128x64xf32, #tpu.memory_space<vmem_shared>>
      %dma_wait3A_161 = arith.constant 0 : i32
      %dma_wait3A_162 = tpu.memref_slice %arg9[%add3A_35, %dma_wait3A_161] : memref<10240x64xf32, #tpu.memory_space<vmem_shared>> -> memref<128x64xf32, #tpu.memory_space<vmem_shared>>
      %dma_wait3A_163 = arith.constant 0 : i32
      %dma_wait3A_164 = arith.constant 0 : i32
      %dma_wait3A_165 = tpu.memref_slice %arg8[%dma_wait3A_163, %dma_wait3A_164] : memref<640x64xf32, #tpu.memory_space<vmem>> -> memref<128x64xf32, #tpu.memory_space<vmem>>
      tpu.wait_dma2 semaphore(%run_scoped3A : memref<!tpu.dma_semaphore, #tpu.memory_space<semaphore_mem>>) src(%dma_wait3A_165 : memref<128x64xf32, #tpu.memory_space<vmem>>) dst(%dma_wait3A_162 : memref<128x64xf32, #tpu.memory_space<vmem_shared>>)
      tpu.yield
    }) : () -> ()
    %barrier3A = arith.constant 0 : index
    tpu.barrier barrier_id(%barrier3A)
    %dma_start3A = arith.constant 0 : i32
    %dma_start3A_36 = arith.constant 0 : i32
    %dma_start3A_37 = arith.constant 0 : i32
    %dma_start3A_38 = tpu.memref_slice %arg8[%dma_start3A_36, %dma_start3A_37] : memref<640x64xf32, #tpu.memory_space<vmem>> -> memref<128x64xf32, #tpu.memory_space<vmem>>
    %dma_start3A_39 = arith.constant 0 : i32
    %dma_start3A_40 = tpu.memref_slice %arg6[%dma_start3A, %dma_start3A_39] : memref<160x128xi32, #tpu.memory_space<vmem>> -> memref<1x128xi32, #tpu.memory_space<vmem>>
    %dma_start3A_41 = tpu.memref_squeeze %dma_start3A_40 : memref<1x128xi32, #tpu.memory_space<vmem>> -> memref<128xi32, #tpu.memory_space<vmem>>
    %dma_start3A_42 = arith.constant 0 : i32
    %dma_start3A_43 = arith.constant 0 : i32
    %dma_start3A_44 = tpu.memref_slice %arg2[%dma_start3A_42, %dma_start3A_43] : memref<20480x64xf32, #tpu.memory_space<hbm>> -> memref<20480x64xf32, #tpu.memory_space<hbm>>
    tpu.enqueue_indirect_dma source(%dma_start3A_44 : memref<20480x64xf32, #tpu.memory_space<hbm>>) target(%dma_start3A_38 : memref<128x64xf32, #tpu.memory_space<vmem>>) offsets(%dma_start3A_41 : memref<128xi32, #tpu.memory_space<vmem>>) semaphore(%arg10 : memref<!tpu.dma_semaphore, #tpu.memory_space<semaphore_mem>>)
    %dma_start3A_45 = arith.constant 1 : i32
    %dma_start3A_46 = arith.constant 128 : i32
    %dma_start3A_47 = arith.constant 0 : i32
    %dma_start3A_48 = tpu.memref_slice %arg8[%dma_start3A_46, %dma_start3A_47] : memref<640x64xf32, #tpu.memory_space<vmem>> -> memref<128x64xf32, #tpu.memory_space<vmem>>
    %dma_start3A_49 = arith.constant 0 : i32
    %dma_start3A_50 = tpu.memref_slice %arg6[%dma_start3A_45, %dma_start3A_49] : memref<160x128xi32, #tpu.memory_space<vmem>> -> memref<1x128xi32, #tpu.memory_space<vmem>>
    %dma_start3A_51 = tpu.memref_squeeze %dma_start3A_50 : memref<1x128xi32, #tpu.memory_space<vmem>> -> memref<128xi32, #tpu.memory_space<vmem>>
    %dma_start3A_52 = arith.constant 0 : i32
    %dma_start3A_53 = arith.constant 0 : i32
    %dma_start3A_54 = tpu.memref_slice %arg2[%dma_start3A_52, %dma_start3A_53] : memref<20480x64xf32, #tpu.memory_space<hbm>> -> memref<20480x64xf32, #tpu.memory_space<hbm>>
    tpu.enqueue_indirect_dma source(%dma_start3A_54 : memref<20480x64xf32, #tpu.memory_space<hbm>>) target(%dma_start3A_48 : memref<128x64xf32, #tpu.memory_space<vmem>>) offsets(%dma_start3A_51 : memref<128xi32, #tpu.memory_space<vmem>>) semaphore(%arg11 : memref<!tpu.dma_semaphore, #tpu.memory_space<semaphore_mem>>)
    %scan3A_55 = arith.constant 0 : i32
    %scan3A_56 = arith.constant 0 : i32
    %scan3A_57 = arith.constant 32 : i32
    %scan3A_58 = arith.addi %scan3A_56, %scan3A_57 : i32
    %scan3A_59 = arith.constant 1 : i32
    scf.for %scan3A_146 = %scan3A_56 to %scan3A_58 step %scan3A_59  : i32 {
      %mul3A_147 = arith.constant 5 : i32
      %mul3A_148 = arith.muli %scan3A_146, %mul3A_147 : i32
      %add3A_149 = arith.constant 0 : i32
      %add3A_150 = arith.addi %mul3A_148, %add3A_149 : i32
      %dma_wait3A_151 = arith.constant 0 : i32
      %dma_wait3A_152 = arith.constant 0 : i32
      %dma_wait3A_153 = tpu.memref_slice %arg8[%dma_wait3A_151, %dma_wait3A_152] : memref<640x64xf32, #tpu.memory_space<vmem>> -> memref<128x64xf32, #tpu.memory_space<vmem>>
      %dma_wait3A_154 = arith.constant 0 : i32
      %dma_wait3A_155 = arith.constant 0 : i32
      %dma_wait3A_156 = tpu.memref_slice %arg2[%dma_wait3A_154, %dma_wait3A_155] : memref<20480x64xf32, #tpu.memory_space<hbm>> -> memref<128x64xf32, #tpu.memory_space<hbm>>
      %dma_wait3A_157 = arith.constant 0 : i32
      %dma_wait3A_158 = arith.constant 0 : i32
      %dma_wait3A_159 = tpu.memref_slice %arg8[%dma_wait3A_157, %dma_wait3A_158] : memref<640x64xf32, #tpu.memory_space<vmem>> -> memref<128x64xf32, #tpu.memory_space<vmem>>
      %dma_wait3A_160 = arith.constant 0 : i32
      %dma_wait3A_161 = arith.constant 0 : i32
      %dma_wait3A_162 = tpu.memref_slice %arg2[%dma_wait3A_160, %dma_wait3A_161] : memref<20480x64xf32, #tpu.memory_space<hbm>> -> memref<128x64xf32, #tpu.memory_space<hbm>>
      tpu.wait_dma2 semaphore(%arg10 : memref<!tpu.dma_semaphore, #tpu.memory_space<semaphore_mem>>) src(%dma_wait3A_162 : memref<128x64xf32, #tpu.memory_space<hbm>>) dst(%dma_wait3A_159 : memref<128x64xf32, #tpu.memory_space<vmem>>)
      %dma_start3A_163 = arith.constant 0 : i32
      %dma_start3A_164 = arith.constant 0 : i32
      %dma_start3A_165 = tpu.memref_slice %arg8[%dma_start3A_163, %dma_start3A_164] : memref<640x64xf32, #tpu.memory_space<vmem>> -> memref<128x64xf32, #tpu.memory_space<vmem>>
      %dma_start3A_166 = arith.constant 0 : i32
      %dma_start3A_167 = tpu.memref_slice %arg7[%add3A_150, %dma_start3A_166] : memref<160x128xi32, #tpu.memory_space<vmem>> -> memref<1x128xi32, #tpu.memory_space<vmem>>
      %dma_start3A_168 = tpu.memref_squeeze %dma_start3A_167 : memref<1x128xi32, #tpu.memory_space<vmem>> -> memref<128xi32, #tpu.memory_space<vmem>>
      %dma_start3A_169 = arith.constant 0 : i32
      %dma_start3A_170 = arith.constant 0 : i32
      %dma_start3A_171 = tpu.memref_slice %arg9[%dma_start3A_169, %dma_start3A_170] : memref<10240x64xf32, #tpu.memory_space<vmem_shared>> -> memref<10240x64xf32, #tpu.memory_space<vmem_shared>>
      tpu.enqueue_indirect_dma source(%dma_start3A_165 : memref<128x64xf32, #tpu.memory_space<vmem>>) target(%dma_start3A_171 : memref<10240x64xf32, #tpu.memory_space<vmem_shared>>) offsets(%dma_start3A_168 : memref<128xi32, #tpu.memory_space<vmem>>) semaphore(%arg15 : memref<!tpu.dma_semaphore, #tpu.memory_space<semaphore_mem>>) {add = true}
      %add3A_172 = arith.constant 2 : i32
      %add3A_173 = arith.addi %add3A_150, %add3A_172 : i32
      %lt3A = arith.constant 160 : i32
      %lt3A_174 = arith.cmpi slt, %add3A_173, %lt3A : i32
      %convert_element_type3A = arith.extui %lt3A_174 : i1 to i32
      %cond3A = arith.constant 0 : i32
      %cond3A_175 = arith.cmpi ne, %convert_element_type3A, %cond3A : i32
      scf.if %cond3A_175 {
        %ge3A = arith.constant 5 : i32
        %ge3A_304 = arith.cmpi sge, %add3A_173, %ge3A : i32
        %convert_element_type3A_305 = arith.extui %ge3A_304 : i1 to i32
        %cond3A_306 = arith.constant 0 : i32
        %cond3A_307 = arith.cmpi ne, %convert_element_type3A_305, %cond3A_306 : i32
        scf.if %cond3A_307 {
          %dma_wait3A_317 = arith.constant 256 : i32
          %dma_wait3A_318 = arith.constant 0 : i32
          %dma_wait3A_319 = tpu.memref_slice %arg8[%dma_wait3A_317, %dma_wait3A_318] : memref<640x64xf32, #tpu.memory_space<vmem>> -> memref<128x64xf32, #tpu.memory_space<vmem>>
          %dma_wait3A_320 = arith.constant 0 : i32
          %dma_wait3A_321 = arith.constant 0 : i32
          %dma_wait3A_322 = tpu.memref_slice %arg2[%dma_wait3A_320, %dma_wait3A_321] : memref<20480x64xf32, #tpu.memory_space<hbm>> -> memref<128x64xf32, #tpu.memory_space<hbm>>
          %dma_wait3A_323 = arith.constant 256 : i32
          %dma_wait3A_324 = arith.constant 0 : i32
          %dma_wait3A_325 = tpu.memref_slice %arg8[%dma_wait3A_323, %dma_wait3A_324] : memref<640x64xf32, #tpu.memory_space<vmem>> -> memref<128x64xf32, #tpu.memory_space<vmem>>
          %dma_wait3A_326 = arith.constant 0 : i32
          %dma_wait3A_327 = arith.constant 0 : i32
          %dma_wait3A_328 = tpu.memref_slice %arg2[%dma_wait3A_326, %dma_wait3A_327] : memref<20480x64xf32, #tpu.memory_space<hbm>> -> memref<128x64xf32, #tpu.memory_space<hbm>>
          tpu.wait_dma2 semaphore(%arg17 : memref<!tpu.dma_semaphore, #tpu.memory_space<semaphore_mem>>) src(%dma_wait3A_328 : memref<128x64xf32, #tpu.memory_space<hbm>>) dst(%dma_wait3A_325 : memref<128x64xf32, #tpu.memory_space<vmem>>)
        } else {
        }
        %dma_start3A_308 = arith.constant 256 : i32
        %dma_start3A_309 = arith.constant 0 : i32
        %dma_start3A_310 = tpu.memref_slice %arg8[%dma_start3A_308, %dma_start3A_309] : memref<640x64xf32, #tpu.memory_space<vmem>> -> memref<128x64xf32, #tpu.memory_space<vmem>>
        %dma_start3A_311 = arith.constant 0 : i32
        %dma_start3A_312 = tpu.memref_slice %arg6[%add3A_173, %dma_start3A_311] : memref<160x128xi32, #tpu.memory_space<vmem>> -> memref<1x128xi32, #tpu.memory_space<vmem>>
        %dma_start3A_313 = tpu.memref_squeeze %dma_start3A_312 : memref<1x128xi32, #tpu.memory_space<vmem>> -> memref<128xi32, #tpu.memory_space<vmem>>
        %dma_start3A_314 = arith.constant 0 : i32
        %dma_start3A_315 = arith.constant 0 : i32
        %dma_start3A_316 = tpu.memref_slice %arg2[%dma_start3A_314, %dma_start3A_315] : memref<20480x64xf32, #tpu.memory_space<hbm>> -> memref<20480x64xf32, #tpu.memory_space<hbm>>
        tpu.enqueue_indirect_dma source(%dma_start3A_316 : memref<20480x64xf32, #tpu.memory_space<hbm>>) target(%dma_start3A_310 : memref<128x64xf32, #tpu.memory_space<vmem>>) offsets(%dma_start3A_313 : memref<128xi32, #tpu.memory_space<vmem>>) semaphore(%arg12 : memref<!tpu.dma_semaphore, #tpu.memory_space<semaphore_mem>>)
      } else {
      }
      %mul3A_176 = arith.constant 5 : i32
      %mul3A_177 = arith.muli %scan3A_146, %mul3A_176 : i32
      %add3A_178 = arith.constant 1 : i32
      %add3A_179 = arith.addi %mul3A_177, %add3A_178 : i32
      %dma_wait3A_180 = arith.constant 128 : i32
      %dma_wait3A_181 = arith.constant 0 : i32
      %dma_wait3A_182 = tpu.memref_slice %arg8[%dma_wait3A_180, %dma_wait3A_181] : memref<640x64xf32, #tpu.memory_space<vmem>> -> memref<128x64xf32, #tpu.memory_space<vmem>>
      %dma_wait3A_183 = arith.constant 0 : i32
      %dma_wait3A_184 = arith.constant 0 : i32
      %dma_wait3A_185 = tpu.memref_slice %arg2[%dma_wait3A_183, %dma_wait3A_184] : memref<20480x64xf32, #tpu.memory_space<hbm>> -> memref<128x64xf32, #tpu.memory_space<hbm>>
      %dma_wait3A_186 = arith.constant 128 : i32
      %dma_wait3A_187 = arith.constant 0 : i32
      %dma_wait3A_188 = tpu.memref_slice %arg8[%dma_wait3A_186, %dma_wait3A_187] : memref<640x64xf32, #tpu.memory_space<vmem>> -> memref<128x64xf32, #tpu.memory_space<vmem>>
      %dma_wait3A_189 = arith.constant 0 : i32
      %dma_wait3A_190 = arith.constant 0 : i32
      %dma_wait3A_191 = tpu.memref_slice %arg2[%dma_wait3A_189, %dma_wait3A_190] : memref<20480x64xf32, #tpu.memory_space<hbm>> -> memref<128x64xf32, #tpu.memory_space<hbm>>
      tpu.wait_dma2 semaphore(%arg11 : memref<!tpu.dma_semaphore, #tpu.memory_space<semaphore_mem>>) src(%dma_wait3A_191 : memref<128x64xf32, #tpu.memory_space<hbm>>) dst(%dma_wait3A_188 : memref<128x64xf32, #tpu.memory_space<vmem>>)
      %dma_start3A_192 = arith.constant 128 : i32
      %dma_start3A_193 = arith.constant 0 : i32
      %dma_start3A_194 = tpu.memref_slice %arg8[%dma_start3A_192, %dma_start3A_193] : memref<640x64xf32, #tpu.memory_space<vmem>> -> memref<128x64xf32, #tpu.memory_space<vmem>>
      %dma_start3A_195 = arith.constant 0 : i32
      %dma_start3A_196 = tpu.memref_slice %arg7[%add3A_179, %dma_start3A_195] : memref<160x128xi32, #tpu.memory_space<vmem>> -> memref<1x128xi32, #tpu.memory_space<vmem>>
      %dma_start3A_197 = tpu.memref_squeeze %dma_start3A_196 : memref<1x128xi32, #tpu.memory_space<vmem>> -> memref<128xi32, #tpu.memory_space<vmem>>
      %dma_start3A_198 = arith.constant 0 : i32
      %dma_start3A_199 = arith.constant 0 : i32
      %dma_start3A_200 = tpu.memref_slice %arg9[%dma_start3A_198, %dma_start3A_199] : memref<10240x64xf32, #tpu.memory_space<vmem_shared>> -> memref<10240x64xf32, #tpu.memory_space<vmem_shared>>
      tpu.enqueue_indirect_dma source(%dma_start3A_194 : memref<128x64xf32, #tpu.memory_space<vmem>>) target(%dma_start3A_200 : memref<10240x64xf32, #tpu.memory_space<vmem_shared>>) offsets(%dma_start3A_197 : memref<128xi32, #tpu.memory_space<vmem>>) semaphore(%arg16 : memref<!tpu.dma_semaphore, #tpu.memory_space<semaphore_mem>>) {add = true}
      %add3A_201 = arith.constant 2 : i32
      %add3A_202 = arith.addi %add3A_179, %add3A_201 : i32
      %lt3A_203 = arith.constant 160 : i32
      %lt3A_204 = arith.cmpi slt, %add3A_202, %lt3A_203 : i32
      %convert_element_type3A_205 = arith.extui %lt3A_204 : i1 to i32
      %cond3A_206 = arith.constant 0 : i32
      %cond3A_207 = arith.cmpi ne, %convert_element_type3A_205, %cond3A_206 : i32
      scf.if %cond3A_207 {
        %ge3A = arith.constant 5 : i32
        %ge3A_304 = arith.cmpi sge, %add3A_202, %ge3A : i32
        %convert_element_type3A_305 = arith.extui %ge3A_304 : i1 to i32
        %cond3A_306 = arith.constant 0 : i32
        %cond3A_307 = arith.cmpi ne, %convert_element_type3A_305, %cond3A_306 : i32
        scf.if %cond3A_307 {
          %dma_wait3A_317 = arith.constant 384 : i32
          %dma_wait3A_318 = arith.constant 0 : i32
          %dma_wait3A_319 = tpu.memref_slice %arg8[%dma_wait3A_317, %dma_wait3A_318] : memref<640x64xf32, #tpu.memory_space<vmem>> -> memref<128x64xf32, #tpu.memory_space<vmem>>
          %dma_wait3A_320 = arith.constant 0 : i32
          %dma_wait3A_321 = arith.constant 0 : i32
          %dma_wait3A_322 = tpu.memref_slice %arg2[%dma_wait3A_320, %dma_wait3A_321] : memref<20480x64xf32, #tpu.memory_space<hbm>> -> memref<128x64xf32, #tpu.memory_space<hbm>>
          %dma_wait3A_323 = arith.constant 384 : i32
          %dma_wait3A_324 = arith.constant 0 : i32
          %dma_wait3A_325 = tpu.memref_slice %arg8[%dma_wait3A_323, %dma_wait3A_324] : memref<640x64xf32, #tpu.memory_space<vmem>> -> memref<128x64xf32, #tpu.memory_space<vmem>>
          %dma_wait3A_326 = arith.constant 0 : i32
          %dma_wait3A_327 = arith.constant 0 : i32
          %dma_wait3A_328 = tpu.memref_slice %arg2[%dma_wait3A_326, %dma_wait3A_327] : memref<20480x64xf32, #tpu.memory_space<hbm>> -> memref<128x64xf32, #tpu.memory_space<hbm>>
          tpu.wait_dma2 semaphore(%arg18 : memref<!tpu.dma_semaphore, #tpu.memory_space<semaphore_mem>>) src(%dma_wait3A_328 : memref<128x64xf32, #tpu.memory_space<hbm>>) dst(%dma_wait3A_325 : memref<128x64xf32, #tpu.memory_space<vmem>>)
        } else {
        }
        %dma_start3A_308 = arith.constant 384 : i32
        %dma_start3A_309 = arith.constant 0 : i32
        %dma_start3A_310 = tpu.memref_slice %arg8[%dma_start3A_308, %dma_start3A_309] : memref<640x64xf32, #tpu.memory_space<vmem>> -> memref<128x64xf32, #tpu.memory_space<vmem>>
        %dma_start3A_311 = arith.constant 0 : i32
        %dma_start3A_312 = tpu.memref_slice %arg6[%add3A_202, %dma_start3A_311] : memref<160x128xi32, #tpu.memory_space<vmem>> -> memref<1x128xi32, #tpu.memory_space<vmem>>
        %dma_start3A_313 = tpu.memref_squeeze %dma_start3A_312 : memref<1x128xi32, #tpu.memory_space<vmem>> -> memref<128xi32, #tpu.memory_space<vmem>>
        %dma_start3A_314 = arith.constant 0 : i32
        %dma_start3A_315 = arith.constant 0 : i32
        %dma_start3A_316 = tpu.memref_slice %arg2[%dma_start3A_314, %dma_start3A_315] : memref<20480x64xf32, #tpu.memory_space<hbm>> -> memref<20480x64xf32, #tpu.memory_space<hbm>>
        tpu.enqueue_indirect_dma source(%dma_start3A_316 : memref<20480x64xf32, #tpu.memory_space<hbm>>) target(%dma_start3A_310 : memref<128x64xf32, #tpu.memory_space<vmem>>) offsets(%dma_start3A_313 : memref<128xi32, #tpu.memory_space<vmem>>) semaphore(%arg13 : memref<!tpu.dma_semaphore, #tpu.memory_space<semaphore_mem>>)
      } else {
      }
      %mul3A_208 = arith.constant 5 : i32
      %mul3A_209 = arith.muli %scan3A_146, %mul3A_208 : i32
      %add3A_210 = arith.constant 2 : i32
      %add3A_211 = arith.addi %mul3A_209, %add3A_210 : i32
      %dma_wait3A_212 = arith.constant 256 : i32
      %dma_wait3A_213 = arith.constant 0 : i32
      %dma_wait3A_214 = tpu.memref_slice %arg8[%dma_wait3A_212, %dma_wait3A_213] : memref<640x64xf32, #tpu.memory_space<vmem>> -> memref<128x64xf32, #tpu.memory_space<vmem>>
      %dma_wait3A_215 = arith.constant 0 : i32
      %dma_wait3A_216 = arith.constant 0 : i32
      %dma_wait3A_217 = tpu.memref_slice %arg2[%dma_wait3A_215, %dma_wait3A_216] : memref<20480x64xf32, #tpu.memory_space<hbm>> -> memref<128x64xf32, #tpu.memory_space<hbm>>
      %dma_wait3A_218 = arith.constant 256 : i32
      %dma_wait3A_219 = arith.constant 0 : i32
      %dma_wait3A_220 = tpu.memref_slice %arg8[%dma_wait3A_218, %dma_wait3A_219] : memref<640x64xf32, #tpu.memory_space<vmem>> -> memref<128x64xf32, #tpu.memory_space<vmem>>
      %dma_wait3A_221 = arith.constant 0 : i32
      %dma_wait3A_222 = arith.constant 0 : i32
      %dma_wait3A_223 = tpu.memref_slice %arg2[%dma_wait3A_221, %dma_wait3A_222] : memref<20480x64xf32, #tpu.memory_space<hbm>> -> memref<128x64xf32, #tpu.memory_space<hbm>>
      tpu.wait_dma2 semaphore(%arg12 : memref<!tpu.dma_semaphore, #tpu.memory_space<semaphore_mem>>) src(%dma_wait3A_223 : memref<128x64xf32, #tpu.memory_space<hbm>>) dst(%dma_wait3A_220 : memref<128x64xf32, #tpu.memory_space<vmem>>)
      %dma_start3A_224 = arith.constant 256 : i32
      %dma_start3A_225 = arith.constant 0 : i32
      %dma_start3A_226 = tpu.memref_slice %arg8[%dma_start3A_224, %dma_start3A_225] : memref<640x64xf32, #tpu.memory_space<vmem>> -> memref<128x64xf32, #tpu.memory_space<vmem>>
      %dma_start3A_227 = arith.constant 0 : i32
      %dma_start3A_228 = tpu.memref_slice %arg7[%add3A_211, %dma_start3A_227] : memref<160x128xi32, #tpu.memory_space<vmem>> -> memref<1x128xi32, #tpu.memory_space<vmem>>
      %dma_start3A_229 = tpu.memref_squeeze %dma_start3A_228 : memref<1x128xi32, #tpu.memory_space<vmem>> -> memref<128xi32, #tpu.memory_space<vmem>>
      %dma_start3A_230 = arith.constant 0 : i32
      %dma_start3A_231 = arith.constant 0 : i32
      %dma_start3A_232 = tpu.memref_slice %arg9[%dma_start3A_230, %dma_start3A_231] : memref<10240x64xf32, #tpu.memory_space<vmem_shared>> -> memref<10240x64xf32, #tpu.memory_space<vmem_shared>>
      tpu.enqueue_indirect_dma source(%dma_start3A_226 : memref<128x64xf32, #tpu.memory_space<vmem>>) target(%dma_start3A_232 : memref<10240x64xf32, #tpu.memory_space<vmem_shared>>) offsets(%dma_start3A_229 : memref<128xi32, #tpu.memory_space<vmem>>) semaphore(%arg17 : memref<!tpu.dma_semaphore, #tpu.memory_space<semaphore_mem>>) {add = true}
      %add3A_233 = arith.constant 2 : i32
      %add3A_234 = arith.addi %add3A_211, %add3A_233 : i32
      %lt3A_235 = arith.constant 160 : i32
      %lt3A_236 = arith.cmpi slt, %add3A_234, %lt3A_235 : i32
      %convert_element_type3A_237 = arith.extui %lt3A_236 : i1 to i32
      %cond3A_238 = arith.constant 0 : i32
      %cond3A_239 = arith.cmpi ne, %convert_element_type3A_237, %cond3A_238 : i32
      scf.if %cond3A_239 {
        %ge3A = arith.constant 5 : i32
        %ge3A_304 = arith.cmpi sge, %add3A_234, %ge3A : i32
        %convert_element_type3A_305 = arith.extui %ge3A_304 : i1 to i32
        %cond3A_306 = arith.constant 0 : i32
        %cond3A_307 = arith.cmpi ne, %convert_element_type3A_305, %cond3A_306 : i32
        scf.if %cond3A_307 {
          %dma_wait3A_317 = arith.constant 512 : i32
          %dma_wait3A_318 = arith.constant 0 : i32
          %dma_wait3A_319 = tpu.memref_slice %arg8[%dma_wait3A_317, %dma_wait3A_318] : memref<640x64xf32, #tpu.memory_space<vmem>> -> memref<128x64xf32, #tpu.memory_space<vmem>>
          %dma_wait3A_320 = arith.constant 0 : i32
          %dma_wait3A_321 = arith.constant 0 : i32
          %dma_wait3A_322 = tpu.memref_slice %arg2[%dma_wait3A_320, %dma_wait3A_321] : memref<20480x64xf32, #tpu.memory_space<hbm>> -> memref<128x64xf32, #tpu.memory_space<hbm>>
          %dma_wait3A_323 = arith.constant 512 : i32
          %dma_wait3A_324 = arith.constant 0 : i32
          %dma_wait3A_325 = tpu.memref_slice %arg8[%dma_wait3A_323, %dma_wait3A_324] : memref<640x64xf32, #tpu.memory_space<vmem>> -> memref<128x64xf32, #tpu.memory_space<vmem>>
          %dma_wait3A_326 = arith.constant 0 : i32
          %dma_wait3A_327 = arith.constant 0 : i32
          %dma_wait3A_328 = tpu.memref_slice %arg2[%dma_wait3A_326, %dma_wait3A_327] : memref<20480x64xf32, #tpu.memory_space<hbm>> -> memref<128x64xf32, #tpu.memory_space<hbm>>
          tpu.wait_dma2 semaphore(%arg19 : memref<!tpu.dma_semaphore, #tpu.memory_space<semaphore_mem>>) src(%dma_wait3A_328 : memref<128x64xf32, #tpu.memory_space<hbm>>) dst(%dma_wait3A_325 : memref<128x64xf32, #tpu.memory_space<vmem>>)
        } else {
        }
        %dma_start3A_308 = arith.constant 512 : i32
        %dma_start3A_309 = arith.constant 0 : i32
        %dma_start3A_310 = tpu.memref_slice %arg8[%dma_start3A_308, %dma_start3A_309] : memref<640x64xf32, #tpu.memory_space<vmem>> -> memref<128x64xf32, #tpu.memory_space<vmem>>
        %dma_start3A_311 = arith.constant 0 : i32
        %dma_start3A_312 = tpu.memref_slice %arg6[%add3A_234, %dma_start3A_311] : memref<160x128xi32, #tpu.memory_space<vmem>> -> memref<1x128xi32, #tpu.memory_space<vmem>>
        %dma_start3A_313 = tpu.memref_squeeze %dma_start3A_312 : memref<1x128xi32, #tpu.memory_space<vmem>> -> memref<128xi32, #tpu.memory_space<vmem>>
        %dma_start3A_314 = arith.constant 0 : i32
        %dma_start3A_315 = arith.constant 0 : i32
        %dma_start3A_316 = tpu.memref_slice %arg2[%dma_start3A_314, %dma_start3A_315] : memref<20480x64xf32, #tpu.memory_space<hbm>> -> memref<20480x64xf32, #tpu.memory_space<hbm>>
        tpu.enqueue_indirect_dma source(%dma_start3A_316 : memref<20480x64xf32, #tpu.memory_space<hbm>>) target(%dma_start3A_310 : memref<128x64xf32, #tpu.memory_space<vmem>>) offsets(%dma_start3A_313 : memref<128xi32, #tpu.memory_space<vmem>>) semaphore(%arg14 : memref<!tpu.dma_semaphore, #tpu.memory_space<semaphore_mem>>)
      } else {
      }
      %mul3A_240 = arith.constant 5 : i32
      %mul3A_241 = arith.muli %scan3A_146, %mul3A_240 : i32
      %add3A_242 = arith.constant 3 : i32
      %add3A_243 = arith.addi %mul3A_241, %add3A_242 : i32
      %dma_wait3A_244 = arith.constant 384 : i32
      %dma_wait3A_245 = arith.constant 0 : i32
      %dma_wait3A_246 = tpu.memref_slice %arg8[%dma_wait3A_244, %dma_wait3A_245] : memref<640x64xf32, #tpu.memory_space<vmem>> -> memref<128x64xf32, #tpu.memory_space<vmem>>
      %dma_wait3A_247 = arith.constant 0 : i32
      %dma_wait3A_248 = arith.constant 0 : i32
      %dma_wait3A_249 = tpu.memref_slice %arg2[%dma_wait3A_247, %dma_wait3A_248] : memref<20480x64xf32, #tpu.memory_space<hbm>> -> memref<128x64xf32, #tpu.memory_space<hbm>>
      %dma_wait3A_250 = arith.constant 384 : i32
      %dma_wait3A_251 = arith.constant 0 : i32
      %dma_wait3A_252 = tpu.memref_slice %arg8[%dma_wait3A_250, %dma_wait3A_251] : memref<640x64xf32, #tpu.memory_space<vmem>> -> memref<128x64xf32, #tpu.memory_space<vmem>>
      %dma_wait3A_253 = arith.constant 0 : i32
      %dma_wait3A_254 = arith.constant 0 : i32
      %dma_wait3A_255 = tpu.memref_slice %arg2[%dma_wait3A_253, %dma_wait3A_254] : memref<20480x64xf32, #tpu.memory_space<hbm>> -> memref<128x64xf32, #tpu.memory_space<hbm>>
      tpu.wait_dma2 semaphore(%arg13 : memref<!tpu.dma_semaphore, #tpu.memory_space<semaphore_mem>>) src(%dma_wait3A_255 : memref<128x64xf32, #tpu.memory_space<hbm>>) dst(%dma_wait3A_252 : memref<128x64xf32, #tpu.memory_space<vmem>>)
      %dma_start3A_256 = arith.constant 384 : i32
      %dma_start3A_257 = arith.constant 0 : i32
      %dma_start3A_258 = tpu.memref_slice %arg8[%dma_start3A_256, %dma_start3A_257] : memref<640x64xf32, #tpu.memory_space<vmem>> -> memref<128x64xf32, #tpu.memory_space<vmem>>
      %dma_start3A_259 = arith.constant 0 : i32
      %dma_start3A_260 = tpu.memref_slice %arg7[%add3A_243, %dma_start3A_259] : memref<160x128xi32, #tpu.memory_space<vmem>> -> memref<1x128xi32, #tpu.memory_space<vmem>>
      %dma_start3A_261 = tpu.memref_squeeze %dma_start3A_260 : memref<1x128xi32, #tpu.memory_space<vmem>> -> memref<128xi32, #tpu.memory_space<vmem>>
      %dma_start3A_262 = arith.constant 0 : i32
      %dma_start3A_263 = arith.constant 0 : i32
      %dma_start3A_264 = tpu.memref_slice %arg9[%dma_start3A_262, %dma_start3A_263] : memref<10240x64xf32, #tpu.memory_space<vmem_shared>> -> memref<10240x64xf32, #tpu.memory_space<vmem_shared>>
      tpu.enqueue_indirect_dma source(%dma_start3A_258 : memref<128x64xf32, #tpu.memory_space<vmem>>) target(%dma_start3A_264 : memref<10240x64xf32, #tpu.memory_space<vmem_shared>>) offsets(%dma_start3A_261 : memref<128xi32, #tpu.memory_space<vmem>>) semaphore(%arg18 : memref<!tpu.dma_semaphore, #tpu.memory_space<semaphore_mem>>) {add = true}
      %add3A_265 = arith.constant 2 : i32
      %add3A_266 = arith.addi %add3A_243, %add3A_265 : i32
      %lt3A_267 = arith.constant 160 : i32
      %lt3A_268 = arith.cmpi slt, %add3A_266, %lt3A_267 : i32
      %convert_element_type3A_269 = arith.extui %lt3A_268 : i1 to i32
      %cond3A_270 = arith.constant 0 : i32
      %cond3A_271 = arith.cmpi ne, %convert_element_type3A_269, %cond3A_270 : i32
      scf.if %cond3A_271 {
        %ge3A = arith.constant 5 : i32
        %ge3A_304 = arith.cmpi sge, %add3A_266, %ge3A : i32
        %convert_element_type3A_305 = arith.extui %ge3A_304 : i1 to i32
        %cond3A_306 = arith.constant 0 : i32
        %cond3A_307 = arith.cmpi ne, %convert_element_type3A_305, %cond3A_306 : i32
        scf.if %cond3A_307 {
          %dma_wait3A_317 = arith.constant 0 : i32
          %dma_wait3A_318 = arith.constant 0 : i32
          %dma_wait3A_319 = tpu.memref_slice %arg8[%dma_wait3A_317, %dma_wait3A_318] : memref<640x64xf32, #tpu.memory_space<vmem>> -> memref<128x64xf32, #tpu.memory_space<vmem>>
          %dma_wait3A_320 = arith.constant 0 : i32
          %dma_wait3A_321 = arith.constant 0 : i32
          %dma_wait3A_322 = tpu.memref_slice %arg2[%dma_wait3A_320, %dma_wait3A_321] : memref<20480x64xf32, #tpu.memory_space<hbm>> -> memref<128x64xf32, #tpu.memory_space<hbm>>
          %dma_wait3A_323 = arith.constant 0 : i32
          %dma_wait3A_324 = arith.constant 0 : i32
          %dma_wait3A_325 = tpu.memref_slice %arg8[%dma_wait3A_323, %dma_wait3A_324] : memref<640x64xf32, #tpu.memory_space<vmem>> -> memref<128x64xf32, #tpu.memory_space<vmem>>
          %dma_wait3A_326 = arith.constant 0 : i32
          %dma_wait3A_327 = arith.constant 0 : i32
          %dma_wait3A_328 = tpu.memref_slice %arg2[%dma_wait3A_326, %dma_wait3A_327] : memref<20480x64xf32, #tpu.memory_space<hbm>> -> memref<128x64xf32, #tpu.memory_space<hbm>>
          tpu.wait_dma2 semaphore(%arg15 : memref<!tpu.dma_semaphore, #tpu.memory_space<semaphore_mem>>) src(%dma_wait3A_328 : memref<128x64xf32, #tpu.memory_space<hbm>>) dst(%dma_wait3A_325 : memref<128x64xf32, #tpu.memory_space<vmem>>)
        } else {
        }
        %dma_start3A_308 = arith.constant 0 : i32
        %dma_start3A_309 = arith.constant 0 : i32
        %dma_start3A_310 = tpu.memref_slice %arg8[%dma_start3A_308, %dma_start3A_309] : memref<640x64xf32, #tpu.memory_space<vmem>> -> memref<128x64xf32, #tpu.memory_space<vmem>>
        %dma_start3A_311 = arith.constant 0 : i32
        %dma_start3A_312 = tpu.memref_slice %arg6[%add3A_266, %dma_start3A_311] : memref<160x128xi32, #tpu.memory_space<vmem>> -> memref<1x128xi32, #tpu.memory_space<vmem>>
        %dma_start3A_313 = tpu.memref_squeeze %dma_start3A_312 : memref<1x128xi32, #tpu.memory_space<vmem>> -> memref<128xi32, #tpu.memory_space<vmem>>
        %dma_start3A_314 = arith.constant 0 : i32
        %dma_start3A_315 = arith.constant 0 : i32
        %dma_start3A_316 = tpu.memref_slice %arg2[%dma_start3A_314, %dma_start3A_315] : memref<20480x64xf32, #tpu.memory_space<hbm>> -> memref<20480x64xf32, #tpu.memory_space<hbm>>
        tpu.enqueue_indirect_dma source(%dma_start3A_316 : memref<20480x64xf32, #tpu.memory_space<hbm>>) target(%dma_start3A_310 : memref<128x64xf32, #tpu.memory_space<vmem>>) offsets(%dma_start3A_313 : memref<128xi32, #tpu.memory_space<vmem>>) semaphore(%arg10 : memref<!tpu.dma_semaphore, #tpu.memory_space<semaphore_mem>>)
      } else {
      }
      %mul3A_272 = arith.constant 5 : i32
      %mul3A_273 = arith.muli %scan3A_146, %mul3A_272 : i32
      %add3A_274 = arith.constant 4 : i32
      %add3A_275 = arith.addi %mul3A_273, %add3A_274 : i32
      %dma_wait3A_276 = arith.constant 512 : i32
      %dma_wait3A_277 = arith.constant 0 : i32
      %dma_wait3A_278 = tpu.memref_slice %arg8[%dma_wait3A_276, %dma_wait3A_277] : memref<640x64xf32, #tpu.memory_space<vmem>> -> memref<128x64xf32, #tpu.memory_space<vmem>>
      %dma_wait3A_279 = arith.constant 0 : i32
      %dma_wait3A_280 = arith.constant 0 : i32
      %dma_wait3A_281 = tpu.memref_slice %arg2[%dma_wait3A_279, %dma_wait3A_280] : memref<20480x64xf32, #tpu.memory_space<hbm>> -> memref<128x64xf32, #tpu.memory_space<hbm>>
      %dma_wait3A_282 = arith.constant 512 : i32
      %dma_wait3A_283 = arith.constant 0 : i32
      %dma_wait3A_284 = tpu.memref_slice %arg8[%dma_wait3A_282, %dma_wait3A_283] : memref<640x64xf32, #tpu.memory_space<vmem>> -> memref<128x64xf32, #tpu.memory_space<vmem>>
      %dma_wait3A_285 = arith.constant 0 : i32
      %dma_wait3A_286 = arith.constant 0 : i32
      %dma_wait3A_287 = tpu.memref_slice %arg2[%dma_wait3A_285, %dma_wait3A_286] : memref<20480x64xf32, #tpu.memory_space<hbm>> -> memref<128x64xf32, #tpu.memory_space<hbm>>
      tpu.wait_dma2 semaphore(%arg14 : memref<!tpu.dma_semaphore, #tpu.memory_space<semaphore_mem>>) src(%dma_wait3A_287 : memref<128x64xf32, #tpu.memory_space<hbm>>) dst(%dma_wait3A_284 : memref<128x64xf32, #tpu.memory_space<vmem>>)
      %dma_start3A_288 = arith.constant 512 : i32
      %dma_start3A_289 = arith.constant 0 : i32
      %dma_start3A_290 = tpu.memref_slice %arg8[%dma_start3A_288, %dma_start3A_289] : memref<640x64xf32, #tpu.memory_space<vmem>> -> memref<128x64xf32, #tpu.memory_space<vmem>>
      %dma_start3A_291 = arith.constant 0 : i32
      %dma_start3A_292 = tpu.memref_slice %arg7[%add3A_275, %dma_start3A_291] : memref<160x128xi32, #tpu.memory_space<vmem>> -> memref<1x128xi32, #tpu.memory_space<vmem>>
      %dma_start3A_293 = tpu.memref_squeeze %dma_start3A_292 : memref<1x128xi32, #tpu.memory_space<vmem>> -> memref<128xi32, #tpu.memory_space<vmem>>
      %dma_start3A_294 = arith.constant 0 : i32
      %dma_start3A_295 = arith.constant 0 : i32
      %dma_start3A_296 = tpu.memref_slice %arg9[%dma_start3A_294, %dma_start3A_295] : memref<10240x64xf32, #tpu.memory_space<vmem_shared>> -> memref<10240x64xf32, #tpu.memory_space<vmem_shared>>
      tpu.enqueue_indirect_dma source(%dma_start3A_290 : memref<128x64xf32, #tpu.memory_space<vmem>>) target(%dma_start3A_296 : memref<10240x64xf32, #tpu.memory_space<vmem_shared>>) offsets(%dma_start3A_293 : memref<128xi32, #tpu.memory_space<vmem>>) semaphore(%arg19 : memref<!tpu.dma_semaphore, #tpu.memory_space<semaphore_mem>>) {add = true}
      %add3A_297 = arith.constant 2 : i32
      %add3A_298 = arith.addi %add3A_275, %add3A_297 : i32
      %lt3A_299 = arith.constant 160 : i32
      %lt3A_300 = arith.cmpi slt, %add3A_298, %lt3A_299 : i32
      %convert_element_type3A_301 = arith.extui %lt3A_300 : i1 to i32
      %cond3A_302 = arith.constant 0 : i32
      %cond3A_303 = arith.cmpi ne, %convert_element_type3A_301, %cond3A_302 : i32
      scf.if %cond3A_303 {
        %ge3A = arith.constant 5 : i32
        %ge3A_304 = arith.cmpi sge, %add3A_298, %ge3A : i32
        %convert_element_type3A_305 = arith.extui %ge3A_304 : i1 to i32
        %cond3A_306 = arith.constant 0 : i32
        %cond3A_307 = arith.cmpi ne, %convert_element_type3A_305, %cond3A_306 : i32
        scf.if %cond3A_307 {
          %dma_wait3A_317 = arith.constant 128 : i32
          %dma_wait3A_318 = arith.constant 0 : i32
          %dma_wait3A_319 = tpu.memref_slice %arg8[%dma_wait3A_317, %dma_wait3A_318] : memref<640x64xf32, #tpu.memory_space<vmem>> -> memref<128x64xf32, #tpu.memory_space<vmem>>
          %dma_wait3A_320 = arith.constant 0 : i32
          %dma_wait3A_321 = arith.constant 0 : i32
          %dma_wait3A_322 = tpu.memref_slice %arg2[%dma_wait3A_320, %dma_wait3A_321] : memref<20480x64xf32, #tpu.memory_space<hbm>> -> memref<128x64xf32, #tpu.memory_space<hbm>>
          %dma_wait3A_323 = arith.constant 128 : i32
          %dma_wait3A_324 = arith.constant 0 : i32
          %dma_wait3A_325 = tpu.memref_slice %arg8[%dma_wait3A_323, %dma_wait3A_324] : memref<640x64xf32, #tpu.memory_space<vmem>> -> memref<128x64xf32, #tpu.memory_space<vmem>>
          %dma_wait3A_326 = arith.constant 0 : i32
          %dma_wait3A_327 = arith.constant 0 : i32
          %dma_wait3A_328 = tpu.memref_slice %arg2[%dma_wait3A_326, %dma_wait3A_327] : memref<20480x64xf32, #tpu.memory_space<hbm>> -> memref<128x64xf32, #tpu.memory_space<hbm>>
          tpu.wait_dma2 semaphore(%arg16 : memref<!tpu.dma_semaphore, #tpu.memory_space<semaphore_mem>>) src(%dma_wait3A_328 : memref<128x64xf32, #tpu.memory_space<hbm>>) dst(%dma_wait3A_325 : memref<128x64xf32, #tpu.memory_space<vmem>>)
        } else {
        }
        %dma_start3A_308 = arith.constant 128 : i32
        %dma_start3A_309 = arith.constant 0 : i32
        %dma_start3A_310 = tpu.memref_slice %arg8[%dma_start3A_308, %dma_start3A_309] : memref<640x64xf32, #tpu.memory_space<vmem>> -> memref<128x64xf32, #tpu.memory_space<vmem>>
        %dma_start3A_311 = arith.constant 0 : i32
        %dma_start3A_312 = tpu.memref_slice %arg6[%add3A_298, %dma_start3A_311] : memref<160x128xi32, #tpu.memory_space<vmem>> -> memref<1x128xi32, #tpu.memory_space<vmem>>
        %dma_start3A_313 = tpu.memref_squeeze %dma_start3A_312 : memref<1x128xi32, #tpu.memory_space<vmem>> -> memref<128xi32, #tpu.memory_space<vmem>>
        %dma_start3A_314 = arith.constant 0 : i32
        %dma_start3A_315 = arith.constant 0 : i32
        %dma_start3A_316 = tpu.memref_slice %arg2[%dma_start3A_314, %dma_start3A_315] : memref<20480x64xf32, #tpu.memory_space<hbm>> -> memref<20480x64xf32, #tpu.memory_space<hbm>>
        tpu.enqueue_indirect_dma source(%dma_start3A_316 : memref<20480x64xf32, #tpu.memory_space<hbm>>) target(%dma_start3A_310 : memref<128x64xf32, #tpu.memory_space<vmem>>) offsets(%dma_start3A_313 : memref<128xi32, #tpu.memory_space<vmem>>) semaphore(%arg11 : memref<!tpu.dma_semaphore, #tpu.memory_space<semaphore_mem>>)
      } else {
      }
    }
    %scan3A_60 = arith.constant 32 : i32
    %dma_wait3A = arith.constant 0 : i32
    %dma_wait3A_61 = arith.constant 0 : i32
    %dma_wait3A_62 = tpu.memref_slice %arg8[%dma_wait3A, %dma_wait3A_61] : memref<640x64xf32, #tpu.memory_space<vmem>> -> memref<128x64xf32, #tpu.memory_space<vmem>>
    %dma_wait3A_63 = arith.constant 0 : i32
    %dma_wait3A_64 = arith.constant 0 : i32
    %dma_wait3A_65 = tpu.memref_slice %arg2[%dma_wait3A_63, %dma_wait3A_64] : memref<20480x64xf32, #tpu.memory_space<hbm>> -> memref<128x64xf32, #tpu.memory_space<hbm>>
    %dma_wait3A_66 = arith.constant 0 : i32
    %dma_wait3A_67 = arith.constant 0 : i32
    %dma_wait3A_68 = tpu.memref_slice %arg8[%dma_wait3A_66, %dma_wait3A_67] : memref<640x64xf32, #tpu.memory_space<vmem>> -> memref<128x64xf32, #tpu.memory_space<vmem>>
    %dma_wait3A_69 = arith.constant 0 : i32
    %dma_wait3A_70 = arith.constant 0 : i32
    %dma_wait3A_71 = tpu.memref_slice %arg2[%dma_wait3A_69, %dma_wait3A_70] : memref<20480x64xf32, #tpu.memory_space<hbm>> -> memref<128x64xf32, #tpu.memory_space<hbm>>
    tpu.wait_dma2 semaphore(%arg15 : memref<!tpu.dma_semaphore, #tpu.memory_space<semaphore_mem>>) src(%dma_wait3A_71 : memref<128x64xf32, #tpu.memory_space<hbm>>) dst(%dma_wait3A_68 : memref<128x64xf32, #tpu.memory_space<vmem>>)
    %dma_wait3A_72 = arith.constant 128 : i32
    %dma_wait3A_73 = arith.constant 0 : i32
    %dma_wait3A_74 = tpu.memref_slice %arg8[%dma_wait3A_72, %dma_wait3A_73] : memref<640x64xf32, #tpu.memory_space<vmem>> -> memref<128x64xf32, #tpu.memory_space<vmem>>
    %dma_wait3A_75 = arith.constant 0 : i32
    %dma_wait3A_76 = arith.constant 0 : i32
    %dma_wait3A_77 = tpu.memref_slice %arg2[%dma_wait3A_75, %dma_wait3A_76] : memref<20480x64xf32, #tpu.memory_space<hbm>> -> memref<128x64xf32, #tpu.memory_space<hbm>>
    %dma_wait3A_78 = arith.constant 128 : i32
    %dma_wait3A_79 = arith.constant 0 : i32
    %dma_wait3A_80 = tpu.memref_slice %arg8[%dma_wait3A_78, %dma_wait3A_79] : memref<640x64xf32, #tpu.memory_space<vmem>> -> memref<128x64xf32, #tpu.memory_space<vmem>>
    %dma_wait3A_81 = arith.constant 0 : i32
    %dma_wait3A_82 = arith.constant 0 : i32
    %dma_wait3A_83 = tpu.memref_slice %arg2[%dma_wait3A_81, %dma_wait3A_82] : memref<20480x64xf32, #tpu.memory_space<hbm>> -> memref<128x64xf32, #tpu.memory_space<hbm>>
    tpu.wait_dma2 semaphore(%arg16 : memref<!tpu.dma_semaphore, #tpu.memory_space<semaphore_mem>>) src(%dma_wait3A_83 : memref<128x64xf32, #tpu.memory_space<hbm>>) dst(%dma_wait3A_80 : memref<128x64xf32, #tpu.memory_space<vmem>>)
    %dma_wait3A_84 = arith.constant 256 : i32
    %dma_wait3A_85 = arith.constant 0 : i32
    %dma_wait3A_86 = tpu.memref_slice %arg8[%dma_wait3A_84, %dma_wait3A_85] : memref<640x64xf32, #tpu.memory_space<vmem>> -> memref<128x64xf32, #tpu.memory_space<vmem>>
    %dma_wait3A_87 = arith.constant 0 : i32
    %dma_wait3A_88 = arith.constant 0 : i32
    %dma_wait3A_89 = tpu.memref_slice %arg2[%dma_wait3A_87, %dma_wait3A_88] : memref<20480x64xf32, #tpu.memory_space<hbm>> -> memref<128x64xf32, #tpu.memory_space<hbm>>
    %dma_wait3A_90 = arith.constant 256 : i32
    %dma_wait3A_91 = arith.constant 0 : i32
    %dma_wait3A_92 = tpu.memref_slice %arg8[%dma_wait3A_90, %dma_wait3A_91] : memref<640x64xf32, #tpu.memory_space<vmem>> -> memref<128x64xf32, #tpu.memory_space<vmem>>
    %dma_wait3A_93 = arith.constant 0 : i32
    %dma_wait3A_94 = arith.constant 0 : i32
    %dma_wait3A_95 = tpu.memref_slice %arg2[%dma_wait3A_93, %dma_wait3A_94] : memref<20480x64xf32, #tpu.memory_space<hbm>> -> memref<128x64xf32, #tpu.memory_space<hbm>>
    tpu.wait_dma2 semaphore(%arg17 : memref<!tpu.dma_semaphore, #tpu.memory_space<semaphore_mem>>) src(%dma_wait3A_95 : memref<128x64xf32, #tpu.memory_space<hbm>>) dst(%dma_wait3A_92 : memref<128x64xf32, #tpu.memory_space<vmem>>)
    %dma_wait3A_96 = arith.constant 384 : i32
    %dma_wait3A_97 = arith.constant 0 : i32
    %dma_wait3A_98 = tpu.memref_slice %arg8[%dma_wait3A_96, %dma_wait3A_97] : memref<640x64xf32, #tpu.memory_space<vmem>> -> memref<128x64xf32, #tpu.memory_space<vmem>>
    %dma_wait3A_99 = arith.constant 0 : i32
    %dma_wait3A_100 = arith.constant 0 : i32
    %dma_wait3A_101 = tpu.memref_slice %arg2[%dma_wait3A_99, %dma_wait3A_100] : memref<20480x64xf32, #tpu.memory_space<hbm>> -> memref<128x64xf32, #tpu.memory_space<hbm>>
    %dma_wait3A_102 = arith.constant 384 : i32
    %dma_wait3A_103 = arith.constant 0 : i32
    %dma_wait3A_104 = tpu.memref_slice %arg8[%dma_wait3A_102, %dma_wait3A_103] : memref<640x64xf32, #tpu.memory_space<vmem>> -> memref<128x64xf32, #tpu.memory_space<vmem>>
    %dma_wait3A_105 = arith.constant 0 : i32
    %dma_wait3A_106 = arith.constant 0 : i32
    %dma_wait3A_107 = tpu.memref_slice %arg2[%dma_wait3A_105, %dma_wait3A_106] : memref<20480x64xf32, #tpu.memory_space<hbm>> -> memref<128x64xf32, #tpu.memory_space<hbm>>
    tpu.wait_dma2 semaphore(%arg18 : memref<!tpu.dma_semaphore, #tpu.memory_space<semaphore_mem>>) src(%dma_wait3A_107 : memref<128x64xf32, #tpu.memory_space<hbm>>) dst(%dma_wait3A_104 : memref<128x64xf32, #tpu.memory_space<vmem>>)
    %dma_wait3A_108 = arith.constant 512 : i32
    %dma_wait3A_109 = arith.constant 0 : i32
    %dma_wait3A_110 = tpu.memref_slice %arg8[%dma_wait3A_108, %dma_wait3A_109] : memref<640x64xf32, #tpu.memory_space<vmem>> -> memref<128x64xf32, #tpu.memory_space<vmem>>
    %dma_wait3A_111 = arith.constant 0 : i32
    %dma_wait3A_112 = arith.constant 0 : i32
    %dma_wait3A_113 = tpu.memref_slice %arg2[%dma_wait3A_111, %dma_wait3A_112] : memref<20480x64xf32, #tpu.memory_space<hbm>> -> memref<128x64xf32, #tpu.memory_space<hbm>>
    %dma_wait3A_114 = arith.constant 512 : i32
    %dma_wait3A_115 = arith.constant 0 : i32
    %dma_wait3A_116 = tpu.memref_slice %arg8[%dma_wait3A_114, %dma_wait3A_115] : memref<640x64xf32, #tpu.memory_space<vmem>> -> memref<128x64xf32, #tpu.memory_space<vmem>>
    %dma_wait3A_117 = arith.constant 0 : i32
    %dma_wait3A_118 = arith.constant 0 : i32
    %dma_wait3A_119 = tpu.memref_slice %arg2[%dma_wait3A_117, %dma_wait3A_118] : memref<20480x64xf32, #tpu.memory_space<hbm>> -> memref<128x64xf32, #tpu.memory_space<hbm>>
    tpu.wait_dma2 semaphore(%arg19 : memref<!tpu.dma_semaphore, #tpu.memory_space<semaphore_mem>>) src(%dma_wait3A_119 : memref<128x64xf32, #tpu.memory_space<hbm>>) dst(%dma_wait3A_116 : memref<128x64xf32, #tpu.memory_space<vmem>>)
    %barrier3A_120 = arith.constant 0 : index
    tpu.barrier barrier_id(%barrier3A_120)
    %mul3A_121 = arith.constant 640 : i32
    %mul3A_122 = arith.muli %arg1, %mul3A_121 : i32
    %add3A_123 = arith.constant 0 : i32
    %add3A_124 = arith.addi %mul3A_122, %add3A_123 : i32
    "tpu.region"() ({
      %run_scoped3A = tpu.sem_alloc : memref<!tpu.dma_semaphore, #tpu.memory_space<semaphore_mem>>
      %dma_start3A_146 = arith.constant 0 : i32
      %dma_start3A_147 = arith.constant 0 : i32
      %dma_start3A_148 = tpu.memref_slice %arg8[%dma_start3A_146, %dma_start3A_147] : memref<640x64xf32, #tpu.memory_space<vmem>> -> memref<128x64xf32, #tpu.memory_space<vmem>>
      %dma_start3A_149 = arith.constant 0 : i32
      %dma_start3A_150 = tpu.memref_slice %arg9[%add3A_124, %dma_start3A_149] : memref<10240x64xf32, #tpu.memory_space<vmem_shared>> -> memref<128x64xf32, #tpu.memory_space<vmem_shared>>
      %dma_start3A_151 = arith.constant 0 : i32
      %dma_start3A_152 = arith.constant 0 : i32
      %dma_start3A_153 = tpu.memref_slice %arg8[%dma_start3A_151, %dma_start3A_152] : memref<640x64xf32, #tpu.memory_space<vmem>> -> memref<128x64xf32, #tpu.memory_space<vmem>>
      %dma_start3A_154 = arith.constant 0 : i32
      %dma_start3A_155 = tpu.memref_slice %arg9[%add3A_124, %dma_start3A_154] : memref<10240x64xf32, #tpu.memory_space<vmem_shared>> -> memref<128x64xf32, #tpu.memory_space<vmem_shared>>
      tpu.enqueue_dma source(%dma_start3A_155 : memref<128x64xf32, #tpu.memory_space<vmem_shared>>) target(%dma_start3A_153 : memref<128x64xf32, #tpu.memory_space<vmem>>) target_semaphore(%run_scoped3A : memref<!tpu.dma_semaphore, #tpu.memory_space<semaphore_mem>>)
      %dma_wait3A_156 = arith.constant 0 : i32
      %dma_wait3A_157 = arith.constant 0 : i32
      %dma_wait3A_158 = tpu.memref_slice %arg8[%dma_wait3A_156, %dma_wait3A_157] : memref<640x64xf32, #tpu.memory_space<vmem>> -> memref<128x64xf32, #tpu.memory_space<vmem>>
      %dma_wait3A_159 = arith.constant 0 : i32
      %dma_wait3A_160 = tpu.memref_slice %arg9[%add3A_124, %dma_wait3A_159] : memref<10240x64xf32, #tpu.memory_space<vmem_shared>> -> memref<128x64xf32, #tpu.memory_space<vmem_shared>>
      %dma_wait3A_161 = arith.constant 0 : i32
      %dma_wait3A_162 = arith.constant 0 : i32
      %dma_wait3A_163 = tpu.memref_slice %arg8[%dma_wait3A_161, %dma_wait3A_162] : memref<640x64xf32, #tpu.memory_space<vmem>> -> memref<128x64xf32, #tpu.memory_space<vmem>>
      %dma_wait3A_164 = arith.constant 0 : i32
      %dma_wait3A_165 = tpu.memref_slice %arg9[%add3A_124, %dma_wait3A_164] : memref<10240x64xf32, #tpu.memory_space<vmem_shared>> -> memref<128x64xf32, #tpu.memory_space<vmem_shared>>
      tpu.wait_dma2 semaphore(%run_scoped3A : memref<!tpu.dma_semaphore, #tpu.memory_space<semaphore_mem>>) src(%dma_wait3A_165 : memref<128x64xf32, #tpu.memory_space<vmem_shared>>) dst(%dma_wait3A_163 : memref<128x64xf32, #tpu.memory_space<vmem>>)
      tpu.yield
    }) : () -> ()
    %add3A_125 = arith.addi %mul3A_1, %add3A_124 : i32
    "tpu.region"() ({
      %run_scoped3A = tpu.sem_alloc : memref<!tpu.dma_semaphore, #tpu.memory_space<semaphore_mem>>
      %dma_start3A_146 = arith.constant 0 : i32
      %dma_start3A_147 = arith.constant 0 : i32
      %dma_start3A_148 = tpu.memref_slice %arg8[%dma_start3A_146, %dma_start3A_147] : memref<640x64xf32, #tpu.memory_space<vmem>> -> memref<128x64xf32, #tpu.memory_space<vmem>>
      %dma_start3A_149 = arith.constant 0 : i32
      %dma_start3A_150 = tpu.memref_slice %arg5[%add3A_125, %dma_start3A_149] : memref<20480x64xf32, #tpu.memory_space<hbm>> -> memref<128x64xf32, #tpu.memory_space<hbm>>
      %dma_start3A_151 = arith.constant 0 : i32
      %dma_start3A_152 = tpu.memref_slice %arg5[%add3A_125, %dma_start3A_151] : memref<20480x64xf32, #tpu.memory_space<hbm>> -> memref<128x64xf32, #tpu.memory_space<hbm>>
      %dma_start3A_153 = arith.constant 0 : i32
      %dma_start3A_154 = arith.constant 0 : i32
      %dma_start3A_155 = tpu.memref_slice %arg8[%dma_start3A_153, %dma_start3A_154] : memref<640x64xf32, #tpu.memory_space<vmem>> -> memref<128x64xf32, #tpu.memory_space<vmem>>
      tpu.enqueue_dma source(%dma_start3A_155 : memref<128x64xf32, #tpu.memory_space<vmem>>) target(%dma_start3A_152 : memref<128x64xf32, #tpu.memory_space<hbm>>) target_semaphore(%run_scoped3A : memref<!tpu.dma_semaphore, #tpu.memory_space<semaphore_mem>>)
      %dma_wait3A_156 = arith.constant 0 : i32
      %dma_wait3A_157 = arith.constant 0 : i32
      %dma_wait3A_158 = tpu.memref_slice %arg8[%dma_wait3A_156, %dma_wait3A_157] : memref<640x64xf32, #tpu.memory_space<vmem>> -> memref<128x64xf32, #tpu.memory_space<vmem>>
      %dma_wait3A_159 = arith.constant 0 : i32
      %dma_wait3A_160 = tpu.memref_slice %arg5[%add3A_125, %dma_wait3A_159] : memref<20480x64xf32, #tpu.memory_space<hbm>> -> memref<128x64xf32, #tpu.memory_space<hbm>>
      %dma_wait3A_161 = arith.constant 0 : i32
      %dma_wait3A_162 = tpu.memref_slice %arg5[%add3A_125, %dma_wait3A_161] : memref<20480x64xf32, #tpu.memory_space<hbm>> -> memref<128x64xf32, #tpu.memory_space<hbm>>
      %dma_wait3A_163 = arith.constant 0 : i32
      %dma_wait3A_164 = arith.constant 0 : i32
      %dma_wait3A_165 = tpu.memref_slice %arg8[%dma_wait3A_163, %dma_wait3A_164] : memref<640x64xf32, #tpu.memory_space<vmem>> -> memref<128x64xf32, #tpu.memory_space<vmem>>
      tpu.wait_dma2 semaphore(%run_scoped3A : memref<!tpu.dma_semaphore, #tpu.memory_space<semaphore_mem>>) src(%dma_wait3A_165 : memref<128x64xf32, #tpu.memory_space<vmem>>) dst(%dma_wait3A_162 : memref<128x64xf32, #tpu.memory_space<hbm>>)
      tpu.yield
    }) : () -> ()
    %mul3A_126 = arith.constant 640 : i32
    %mul3A_127 = arith.muli %arg1, %mul3A_126 : i32
    %add3A_128 = arith.constant 128 : i32
    %add3A_129 = arith.addi %mul3A_127, %add3A_128 : i32
    "tpu.region"() ({
      %run_scoped3A = tpu.sem_alloc : memref<!tpu.dma_semaphore, #tpu.memory_space<semaphore_mem>>
      %dma_start3A_146 = arith.constant 128 : i32
      %dma_start3A_147 = arith.constant 0 : i32
      %dma_start3A_148 = tpu.memref_slice %arg8[%dma_start3A_146, %dma_start3A_147] : memref<640x64xf32, #tpu.memory_space<vmem>> -> memref<128x64xf32, #tpu.memory_space<vmem>>
      %dma_start3A_149 = arith.constant 0 : i32
      %dma_start3A_150 = tpu.memref_slice %arg9[%add3A_129, %dma_start3A_149] : memref<10240x64xf32, #tpu.memory_space<vmem_shared>> -> memref<128x64xf32, #tpu.memory_space<vmem_shared>>
      %dma_start3A_151 = arith.constant 128 : i32
      %dma_start3A_152 = arith.constant 0 : i32
      %dma_start3A_153 = tpu.memref_slice %arg8[%dma_start3A_151, %dma_start3A_152] : memref<640x64xf32, #tpu.memory_space<vmem>> -> memref<128x64xf32, #tpu.memory_space<vmem>>
      %dma_start3A_154 = arith.constant 0 : i32
      %dma_start3A_155 = tpu.memref_slice %arg9[%add3A_129, %dma_start3A_154] : memref<10240x64xf32, #tpu.memory_space<vmem_shared>> -> memref<128x64xf32, #tpu.memory_space<vmem_shared>>
      tpu.enqueue_dma source(%dma_start3A_155 : memref<128x64xf32, #tpu.memory_space<vmem_shared>>) target(%dma_start3A_153 : memref<128x64xf32, #tpu.memory_space<vmem>>) target_semaphore(%run_scoped3A : memref<!tpu.dma_semaphore, #tpu.memory_space<semaphore_mem>>)
      %dma_wait3A_156 = arith.constant 128 : i32
      %dma_wait3A_157 = arith.constant 0 : i32
      %dma_wait3A_158 = tpu.memref_slice %arg8[%dma_wait3A_156, %dma_wait3A_157] : memref<640x64xf32, #tpu.memory_space<vmem>> -> memref<128x64xf32, #tpu.memory_space<vmem>>
      %dma_wait3A_159 = arith.constant 0 : i32
      %dma_wait3A_160 = tpu.memref_slice %arg9[%add3A_129, %dma_wait3A_159] : memref<10240x64xf32, #tpu.memory_space<vmem_shared>> -> memref<128x64xf32, #tpu.memory_space<vmem_shared>>
      %dma_wait3A_161 = arith.constant 128 : i32
      %dma_wait3A_162 = arith.constant 0 : i32
      %dma_wait3A_163 = tpu.memref_slice %arg8[%dma_wait3A_161, %dma_wait3A_162] : memref<640x64xf32, #tpu.memory_space<vmem>> -> memref<128x64xf32, #tpu.memory_space<vmem>>
      %dma_wait3A_164 = arith.constant 0 : i32
      %dma_wait3A_165 = tpu.memref_slice %arg9[%add3A_129, %dma_wait3A_164] : memref<10240x64xf32, #tpu.memory_space<vmem_shared>> -> memref<128x64xf32, #tpu.memory_space<vmem_shared>>
      tpu.wait_dma2 semaphore(%run_scoped3A : memref<!tpu.dma_semaphore, #tpu.memory_space<semaphore_mem>>) src(%dma_wait3A_165 : memref<128x64xf32, #tpu.memory_space<vmem_shared>>) dst(%dma_wait3A_163 : memref<128x64xf32, #tpu.memory_space<vmem>>)
      tpu.yield
    }) : () -> ()
    %add3A_130 = arith.addi %mul3A_1, %add3A_129 : i32
    "tpu.region"() ({
      %run_scoped3A = tpu.sem_alloc : memref<!tpu.dma_semaphore, #tpu.memory_space<semaphore_mem>>
      %dma_start3A_146 = arith.constant 128 : i32
      %dma_start3A_147 = arith.constant 0 : i32
      %dma_start3A_148 = tpu.memref_slice %arg8[%dma_start3A_146, %dma_start3A_147] : memref<640x64xf32, #tpu.memory_space<vmem>> -> memref<128x64xf32, #tpu.memory_space<vmem>>
      %dma_start3A_149 = arith.constant 0 : i32
      %dma_start3A_150 = tpu.memref_slice %arg5[%add3A_130, %dma_start3A_149] : memref<20480x64xf32, #tpu.memory_space<hbm>> -> memref<128x64xf32, #tpu.memory_space<hbm>>
      %dma_start3A_151 = arith.constant 0 : i32
      %dma_start3A_152 = tpu.memref_slice %arg5[%add3A_130, %dma_start3A_151] : memref<20480x64xf32, #tpu.memory_space<hbm>> -> memref<128x64xf32, #tpu.memory_space<hbm>>
      %dma_start3A_153 = arith.constant 128 : i32
      %dma_start3A_154 = arith.constant 0 : i32
      %dma_start3A_155 = tpu.memref_slice %arg8[%dma_start3A_153, %dma_start3A_154] : memref<640x64xf32, #tpu.memory_space<vmem>> -> memref<128x64xf32, #tpu.memory_space<vmem>>
      tpu.enqueue_dma source(%dma_start3A_155 : memref<128x64xf32, #tpu.memory_space<vmem>>) target(%dma_start3A_152 : memref<128x64xf32, #tpu.memory_space<hbm>>) target_semaphore(%run_scoped3A : memref<!tpu.dma_semaphore, #tpu.memory_space<semaphore_mem>>)
      %dma_wait3A_156 = arith.constant 128 : i32
      %dma_wait3A_157 = arith.constant 0 : i32
      %dma_wait3A_158 = tpu.memref_slice %arg8[%dma_wait3A_156, %dma_wait3A_157] : memref<640x64xf32, #tpu.memory_space<vmem>> -> memref<128x64xf32, #tpu.memory_space<vmem>>
      %dma_wait3A_159 = arith.constant 0 : i32
      %dma_wait3A_160 = tpu.memref_slice %arg5[%add3A_130, %dma_wait3A_159] : memref<20480x64xf32, #tpu.memory_space<hbm>> -> memref<128x64xf32, #tpu.memory_space<hbm>>
      %dma_wait3A_161 = arith.constant 0 : i32
      %dma_wait3A_162 = tpu.memref_slice %arg5[%add3A_130, %dma_wait3A_161] : memref<20480x64xf32, #tpu.memory_space<hbm>> -> memref<128x64xf32, #tpu.memory_space<hbm>>
      %dma_wait3A_163 = arith.constant 128 : i32
      %dma_wait3A_164 = arith.constant 0 : i32
      %dma_wait3A_165 = tpu.memref_slice %arg8[%dma_wait3A_163, %dma_wait3A_164] : memref<640x64xf32, #tpu.memory_space<vmem>> -> memref<128x64xf32, #tpu.memory_space<vmem>>
      tpu.wait_dma2 semaphore(%run_scoped3A : memref<!tpu.dma_semaphore, #tpu.memory_space<semaphore_mem>>) src(%dma_wait3A_165 : memref<128x64xf32, #tpu.memory_space<vmem>>) dst(%dma_wait3A_162 : memref<128x64xf32, #tpu.memory_space<hbm>>)
      tpu.yield
    }) : () -> ()
    %mul3A_131 = arith.constant 640 : i32
    %mul3A_132 = arith.muli %arg1, %mul3A_131 : i32
    %add3A_133 = arith.constant 256 : i32
    %add3A_134 = arith.addi %mul3A_132, %add3A_133 : i32
    "tpu.region"() ({
      %run_scoped3A = tpu.sem_alloc : memref<!tpu.dma_semaphore, #tpu.memory_space<semaphore_mem>>
      %dma_start3A_146 = arith.constant 256 : i32
      %dma_start3A_147 = arith.constant 0 : i32
      %dma_start3A_148 = tpu.memref_slice %arg8[%dma_start3A_146, %dma_start3A_147] : memref<640x64xf32, #tpu.memory_space<vmem>> -> memref<128x64xf32, #tpu.memory_space<vmem>>
      %dma_start3A_149 = arith.constant 0 : i32
      %dma_start3A_150 = tpu.memref_slice %arg9[%add3A_134, %dma_start3A_149] : memref<10240x64xf32, #tpu.memory_space<vmem_shared>> -> memref<128x64xf32, #tpu.memory_space<vmem_shared>>
      %dma_start3A_151 = arith.constant 256 : i32
      %dma_start3A_152 = arith.constant 0 : i32
      %dma_start3A_153 = tpu.memref_slice %arg8[%dma_start3A_151, %dma_start3A_152] : memref<640x64xf32, #tpu.memory_space<vmem>> -> memref<128x64xf32, #tpu.memory_space<vmem>>
      %dma_start3A_154 = arith.constant 0 : i32
      %dma_start3A_155 = tpu.memref_slice %arg9[%add3A_134, %dma_start3A_154] : memref<10240x64xf32, #tpu.memory_space<vmem_shared>> -> memref<128x64xf32, #tpu.memory_space<vmem_shared>>
      tpu.enqueue_dma source(%dma_start3A_155 : memref<128x64xf32, #tpu.memory_space<vmem_shared>>) target(%dma_start3A_153 : memref<128x64xf32, #tpu.memory_space<vmem>>) target_semaphore(%run_scoped3A : memref<!tpu.dma_semaphore, #tpu.memory_space<semaphore_mem>>)
      %dma_wait3A_156 = arith.constant 256 : i32
      %dma_wait3A_157 = arith.constant 0 : i32
      %dma_wait3A_158 = tpu.memref_slice %arg8[%dma_wait3A_156, %dma_wait3A_157] : memref<640x64xf32, #tpu.memory_space<vmem>> -> memref<128x64xf32, #tpu.memory_space<vmem>>
      %dma_wait3A_159 = arith.constant 0 : i32
      %dma_wait3A_160 = tpu.memref_slice %arg9[%add3A_134, %dma_wait3A_159] : memref<10240x64xf32, #tpu.memory_space<vmem_shared>> -> memref<128x64xf32, #tpu.memory_space<vmem_shared>>
      %dma_wait3A_161 = arith.constant 256 : i32
      %dma_wait3A_162 = arith.constant 0 : i32
      %dma_wait3A_163 = tpu.memref_slice %arg8[%dma_wait3A_161, %dma_wait3A_162] : memref<640x64xf32, #tpu.memory_space<vmem>> -> memref<128x64xf32, #tpu.memory_space<vmem>>
      %dma_wait3A_164 = arith.constant 0 : i32
      %dma_wait3A_165 = tpu.memref_slice %arg9[%add3A_134, %dma_wait3A_164] : memref<10240x64xf32, #tpu.memory_space<vmem_shared>> -> memref<128x64xf32, #tpu.memory_space<vmem_shared>>
      tpu.wait_dma2 semaphore(%run_scoped3A : memref<!tpu.dma_semaphore, #tpu.memory_space<semaphore_mem>>) src(%dma_wait3A_165 : memref<128x64xf32, #tpu.memory_space<vmem_shared>>) dst(%dma_wait3A_163 : memref<128x64xf32, #tpu.memory_space<vmem>>)
      tpu.yield
    }) : () -> ()
    %add3A_135 = arith.addi %mul3A_1, %add3A_134 : i32
    "tpu.region"() ({
      %run_scoped3A = tpu.sem_alloc : memref<!tpu.dma_semaphore, #tpu.memory_space<semaphore_mem>>
      %dma_start3A_146 = arith.constant 256 : i32
      %dma_start3A_147 = arith.constant 0 : i32
      %dma_start3A_148 = tpu.memref_slice %arg8[%dma_start3A_146, %dma_start3A_147] : memref<640x64xf32, #tpu.memory_space<vmem>> -> memref<128x64xf32, #tpu.memory_space<vmem>>
      %dma_start3A_149 = arith.constant 0 : i32
      %dma_start3A_150 = tpu.memref_slice %arg5[%add3A_135, %dma_start3A_149] : memref<20480x64xf32, #tpu.memory_space<hbm>> -> memref<128x64xf32, #tpu.memory_space<hbm>>
      %dma_start3A_151 = arith.constant 0 : i32
      %dma_start3A_152 = tpu.memref_slice %arg5[%add3A_135, %dma_start3A_151] : memref<20480x64xf32, #tpu.memory_space<hbm>> -> memref<128x64xf32, #tpu.memory_space<hbm>>
      %dma_start3A_153 = arith.constant 256 : i32
      %dma_start3A_154 = arith.constant 0 : i32
      %dma_start3A_155 = tpu.memref_slice %arg8[%dma_start3A_153, %dma_start3A_154] : memref<640x64xf32, #tpu.memory_space<vmem>> -> memref<128x64xf32, #tpu.memory_space<vmem>>
      tpu.enqueue_dma source(%dma_start3A_155 : memref<128x64xf32, #tpu.memory_space<vmem>>) target(%dma_start3A_152 : memref<128x64xf32, #tpu.memory_space<hbm>>) target_semaphore(%run_scoped3A : memref<!tpu.dma_semaphore, #tpu.memory_space<semaphore_mem>>)
      %dma_wait3A_156 = arith.constant 256 : i32
      %dma_wait3A_157 = arith.constant 0 : i32
      %dma_wait3A_158 = tpu.memref_slice %arg8[%dma_wait3A_156, %dma_wait3A_157] : memref<640x64xf32, #tpu.memory_space<vmem>> -> memref<128x64xf32, #tpu.memory_space<vmem>>
      %dma_wait3A_159 = arith.constant 0 : i32
      %dma_wait3A_160 = tpu.memref_slice %arg5[%add3A_135, %dma_wait3A_159] : memref<20480x64xf32, #tpu.memory_space<hbm>> -> memref<128x64xf32, #tpu.memory_space<hbm>>
      %dma_wait3A_161 = arith.constant 0 : i32
      %dma_wait3A_162 = tpu.memref_slice %arg5[%add3A_135, %dma_wait3A_161] : memref<20480x64xf32, #tpu.memory_space<hbm>> -> memref<128x64xf32, #tpu.memory_space<hbm>>
      %dma_wait3A_163 = arith.constant 256 : i32
      %dma_wait3A_164 = arith.constant 0 : i32
      %dma_wait3A_165 = tpu.memref_slice %arg8[%dma_wait3A_163, %dma_wait3A_164] : memref<640x64xf32, #tpu.memory_space<vmem>> -> memref<128x64xf32, #tpu.memory_space<vmem>>
      tpu.wait_dma2 semaphore(%run_scoped3A : memref<!tpu.dma_semaphore, #tpu.memory_space<semaphore_mem>>) src(%dma_wait3A_165 : memref<128x64xf32, #tpu.memory_space<vmem>>) dst(%dma_wait3A_162 : memref<128x64xf32, #tpu.memory_space<hbm>>)
      tpu.yield
    }) : () -> ()
    %mul3A_136 = arith.constant 640 : i32
    %mul3A_137 = arith.muli %arg1, %mul3A_136 : i32
    %add3A_138 = arith.constant 384 : i32
    %add3A_139 = arith.addi %mul3A_137, %add3A_138 : i32
    "tpu.region"() ({
      %run_scoped3A = tpu.sem_alloc : memref<!tpu.dma_semaphore, #tpu.memory_space<semaphore_mem>>
      %dma_start3A_146 = arith.constant 384 : i32
      %dma_start3A_147 = arith.constant 0 : i32
      %dma_start3A_148 = tpu.memref_slice %arg8[%dma_start3A_146, %dma_start3A_147] : memref<640x64xf32, #tpu.memory_space<vmem>> -> memref<128x64xf32, #tpu.memory_space<vmem>>
      %dma_start3A_149 = arith.constant 0 : i32
      %dma_start3A_150 = tpu.memref_slice %arg9[%add3A_139, %dma_start3A_149] : memref<10240x64xf32, #tpu.memory_space<vmem_shared>> -> memref<128x64xf32, #tpu.memory_space<vmem_shared>>
      %dma_start3A_151 = arith.constant 384 : i32
      %dma_start3A_152 = arith.constant 0 : i32
      %dma_start3A_153 = tpu.memref_slice %arg8[%dma_start3A_151, %dma_start3A_152] : memref<640x64xf32, #tpu.memory_space<vmem>> -> memref<128x64xf32, #tpu.memory_space<vmem>>
      %dma_start3A_154 = arith.constant 0 : i32
      %dma_start3A_155 = tpu.memref_slice %arg9[%add3A_139, %dma_start3A_154] : memref<10240x64xf32, #tpu.memory_space<vmem_shared>> -> memref<128x64xf32, #tpu.memory_space<vmem_shared>>
      tpu.enqueue_dma source(%dma_start3A_155 : memref<128x64xf32, #tpu.memory_space<vmem_shared>>) target(%dma_start3A_153 : memref<128x64xf32, #tpu.memory_space<vmem>>) target_semaphore(%run_scoped3A : memref<!tpu.dma_semaphore, #tpu.memory_space<semaphore_mem>>)
      %dma_wait3A_156 = arith.constant 384 : i32
      %dma_wait3A_157 = arith.constant 0 : i32
      %dma_wait3A_158 = tpu.memref_slice %arg8[%dma_wait3A_156, %dma_wait3A_157] : memref<640x64xf32, #tpu.memory_space<vmem>> -> memref<128x64xf32, #tpu.memory_space<vmem>>
      %dma_wait3A_159 = arith.constant 0 : i32
      %dma_wait3A_160 = tpu.memref_slice %arg9[%add3A_139, %dma_wait3A_159] : memref<10240x64xf32, #tpu.memory_space<vmem_shared>> -> memref<128x64xf32, #tpu.memory_space<vmem_shared>>
      %dma_wait3A_161 = arith.constant 384 : i32
      %dma_wait3A_162 = arith.constant 0 : i32
      %dma_wait3A_163 = tpu.memref_slice %arg8[%dma_wait3A_161, %dma_wait3A_162] : memref<640x64xf32, #tpu.memory_space<vmem>> -> memref<128x64xf32, #tpu.memory_space<vmem>>
      %dma_wait3A_164 = arith.constant 0 : i32
      %dma_wait3A_165 = tpu.memref_slice %arg9[%add3A_139, %dma_wait3A_164] : memref<10240x64xf32, #tpu.memory_space<vmem_shared>> -> memref<128x64xf32, #tpu.memory_space<vmem_shared>>
      tpu.wait_dma2 semaphore(%run_scoped3A : memref<!tpu.dma_semaphore, #tpu.memory_space<semaphore_mem>>) src(%dma_wait3A_165 : memref<128x64xf32, #tpu.memory_space<vmem_shared>>) dst(%dma_wait3A_163 : memref<128x64xf32, #tpu.memory_space<vmem>>)
      tpu.yield
    }) : () -> ()
    %add3A_140 = arith.addi %mul3A_1, %add3A_139 : i32
    "tpu.region"() ({
      %run_scoped3A = tpu.sem_alloc : memref<!tpu.dma_semaphore, #tpu.memory_space<semaphore_mem>>
      %dma_start3A_146 = arith.constant 384 : i32
      %dma_start3A_147 = arith.constant 0 : i32
      %dma_start3A_148 = tpu.memref_slice %arg8[%dma_start3A_146, %dma_start3A_147] : memref<640x64xf32, #tpu.memory_space<vmem>> -> memref<128x64xf32, #tpu.memory_space<vmem>>
      %dma_start3A_149 = arith.constant 0 : i32
      %dma_start3A_150 = tpu.memref_slice %arg5[%add3A_140, %dma_start3A_149] : memref<20480x64xf32, #tpu.memory_space<hbm>> -> memref<128x64xf32, #tpu.memory_space<hbm>>
      %dma_start3A_151 = arith.constant 0 : i32
      %dma_start3A_152 = tpu.memref_slice %arg5[%add3A_140, %dma_start3A_151] : memref<20480x64xf32, #tpu.memory_space<hbm>> -> memref<128x64xf32, #tpu.memory_space<hbm>>
      %dma_start3A_153 = arith.constant 384 : i32
      %dma_start3A_154 = arith.constant 0 : i32
      %dma_start3A_155 = tpu.memref_slice %arg8[%dma_start3A_153, %dma_start3A_154] : memref<640x64xf32, #tpu.memory_space<vmem>> -> memref<128x64xf32, #tpu.memory_space<vmem>>
      tpu.enqueue_dma source(%dma_start3A_155 : memref<128x64xf32, #tpu.memory_space<vmem>>) target(%dma_start3A_152 : memref<128x64xf32, #tpu.memory_space<hbm>>) target_semaphore(%run_scoped3A : memref<!tpu.dma_semaphore, #tpu.memory_space<semaphore_mem>>)
      %dma_wait3A_156 = arith.constant 384 : i32
      %dma_wait3A_157 = arith.constant 0 : i32
      %dma_wait3A_158 = tpu.memref_slice %arg8[%dma_wait3A_156, %dma_wait3A_157] : memref<640x64xf32, #tpu.memory_space<vmem>> -> memref<128x64xf32, #tpu.memory_space<vmem>>
      %dma_wait3A_159 = arith.constant 0 : i32
      %dma_wait3A_160 = tpu.memref_slice %arg5[%add3A_140, %dma_wait3A_159] : memref<20480x64xf32, #tpu.memory_space<hbm>> -> memref<128x64xf32, #tpu.memory_space<hbm>>
      %dma_wait3A_161 = arith.constant 0 : i32
      %dma_wait3A_162 = tpu.memref_slice %arg5[%add3A_140, %dma_wait3A_161] : memref<20480x64xf32, #tpu.memory_space<hbm>> -> memref<128x64xf32, #tpu.memory_space<hbm>>
      %dma_wait3A_163 = arith.constant 384 : i32
      %dma_wait3A_164 = arith.constant 0 : i32
      %dma_wait3A_165 = tpu.memref_slice %arg8[%dma_wait3A_163, %dma_wait3A_164] : memref<640x64xf32, #tpu.memory_space<vmem>> -> memref<128x64xf32, #tpu.memory_space<vmem>>
      tpu.wait_dma2 semaphore(%run_scoped3A : memref<!tpu.dma_semaphore, #tpu.memory_space<semaphore_mem>>) src(%dma_wait3A_165 : memref<128x64xf32, #tpu.memory_space<vmem>>) dst(%dma_wait3A_162 : memref<128x64xf32, #tpu.memory_space<hbm>>)
      tpu.yield
    }) : () -> ()
    %mul3A_141 = arith.constant 640 : i32
    %mul3A_142 = arith.muli %arg1, %mul3A_141 : i32
    %add3A_143 = arith.constant 512 : i32
    %add3A_144 = arith.addi %mul3A_142, %add3A_143 : i32
    "tpu.region"() ({
      %run_scoped3A = tpu.sem_alloc : memref<!tpu.dma_semaphore, #tpu.memory_space<semaphore_mem>>
      %dma_start3A_146 = arith.constant 512 : i32
      %dma_start3A_147 = arith.constant 0 : i32
      %dma_start3A_148 = tpu.memref_slice %arg8[%dma_start3A_146, %dma_start3A_147] : memref<640x64xf32, #tpu.memory_space<vmem>> -> memref<128x64xf32, #tpu.memory_space<vmem>>
      %dma_start3A_149 = arith.constant 0 : i32
      %dma_start3A_150 = tpu.memref_slice %arg9[%add3A_144, %dma_start3A_149] : memref<10240x64xf32, #tpu.memory_space<vmem_shared>> -> memref<128x64xf32, #tpu.memory_space<vmem_shared>>
      %dma_start3A_151 = arith.constant 512 : i32
      %dma_start3A_152 = arith.constant 0 : i32
      %dma_start3A_153 = tpu.memref_slice %arg8[%dma_start3A_151, %dma_start3A_152] : memref<640x64xf32, #tpu.memory_space<vmem>> -> memref<128x64xf32, #tpu.memory_space<vmem>>
      %dma_start3A_154 = arith.constant 0 : i32
      %dma_start3A_155 = tpu.memref_slice %arg9[%add3A_144, %dma_start3A_154] : memref<10240x64xf32, #tpu.memory_space<vmem_shared>> -> memref<128x64xf32, #tpu.memory_space<vmem_shared>>
      tpu.enqueue_dma source(%dma_start3A_155 : memref<128x64xf32, #tpu.memory_space<vmem_shared>>) target(%dma_start3A_153 : memref<128x64xf32, #tpu.memory_space<vmem>>) target_semaphore(%run_scoped3A : memref<!tpu.dma_semaphore, #tpu.memory_space<semaphore_mem>>)
      %dma_wait3A_156 = arith.constant 512 : i32
      %dma_wait3A_157 = arith.constant 0 : i32
      %dma_wait3A_158 = tpu.memref_slice %arg8[%dma_wait3A_156, %dma_wait3A_157] : memref<640x64xf32, #tpu.memory_space<vmem>> -> memref<128x64xf32, #tpu.memory_space<vmem>>
      %dma_wait3A_159 = arith.constant 0 : i32
      %dma_wait3A_160 = tpu.memref_slice %arg9[%add3A_144, %dma_wait3A_159] : memref<10240x64xf32, #tpu.memory_space<vmem_shared>> -> memref<128x64xf32, #tpu.memory_space<vmem_shared>>
      %dma_wait3A_161 = arith.constant 512 : i32
      %dma_wait3A_162 = arith.constant 0 : i32
      %dma_wait3A_163 = tpu.memref_slice %arg8[%dma_wait3A_161, %dma_wait3A_162] : memref<640x64xf32, #tpu.memory_space<vmem>> -> memref<128x64xf32, #tpu.memory_space<vmem>>
      %dma_wait3A_164 = arith.constant 0 : i32
      %dma_wait3A_165 = tpu.memref_slice %arg9[%add3A_144, %dma_wait3A_164] : memref<10240x64xf32, #tpu.memory_space<vmem_shared>> -> memref<128x64xf32, #tpu.memory_space<vmem_shared>>
      tpu.wait_dma2 semaphore(%run_scoped3A : memref<!tpu.dma_semaphore, #tpu.memory_space<semaphore_mem>>) src(%dma_wait3A_165 : memref<128x64xf32, #tpu.memory_space<vmem_shared>>) dst(%dma_wait3A_163 : memref<128x64xf32, #tpu.memory_space<vmem>>)
      tpu.yield
    }) : () -> ()
    %add3A_145 = arith.addi %mul3A_1, %add3A_144 : i32
    "tpu.region"() ({
      %run_scoped3A = tpu.sem_alloc : memref<!tpu.dma_semaphore, #tpu.memory_space<semaphore_mem>>
      %dma_start3A_146 = arith.constant 512 : i32
      %dma_start3A_147 = arith.constant 0 : i32
      %dma_start3A_148 = tpu.memref_slice %arg8[%dma_start3A_146, %dma_start3A_147] : memref<640x64xf32, #tpu.memory_space<vmem>> -> memref<128x64xf32, #tpu.memory_space<vmem>>
      %dma_start3A_149 = arith.constant 0 : i32
      %dma_start3A_150 = tpu.memref_slice %arg5[%add3A_145, %dma_start3A_149] : memref<20480x64xf32, #tpu.memory_space<hbm>> -> memref<128x64xf32, #tpu.memory_space<hbm>>
      %dma_start3A_151 = arith.constant 0 : i32
      %dma_start3A_152 = tpu.memref_slice %arg5[%add3A_145, %dma_start3A_151] : memref<20480x64xf32, #tpu.memory_space<hbm>> -> memref<128x64xf32, #tpu.memory_space<hbm>>
      %dma_start3A_153 = arith.constant 512 : i32
      %dma_start3A_154 = arith.constant 0 : i32
      %dma_start3A_155 = tpu.memref_slice %arg8[%dma_start3A_153, %dma_start3A_154] : memref<640x64xf32, #tpu.memory_space<vmem>> -> memref<128x64xf32, #tpu.memory_space<vmem>>
      tpu.enqueue_dma source(%dma_start3A_155 : memref<128x64xf32, #tpu.memory_space<vmem>>) target(%dma_start3A_152 : memref<128x64xf32, #tpu.memory_space<hbm>>) target_semaphore(%run_scoped3A : memref<!tpu.dma_semaphore, #tpu.memory_space<semaphore_mem>>)
      %dma_wait3A_156 = arith.constant 512 : i32
      %dma_wait3A_157 = arith.constant 0 : i32
      %dma_wait3A_158 = tpu.memref_slice %arg8[%dma_wait3A_156, %dma_wait3A_157] : memref<640x64xf32, #tpu.memory_space<vmem>> -> memref<128x64xf32, #tpu.memory_space<vmem>>
      %dma_wait3A_159 = arith.constant 0 : i32
      %dma_wait3A_160 = tpu.memref_slice %arg5[%add3A_145, %dma_wait3A_159] : memref<20480x64xf32, #tpu.memory_space<hbm>> -> memref<128x64xf32, #tpu.memory_space<hbm>>
      %dma_wait3A_161 = arith.constant 0 : i32
      %dma_wait3A_162 = tpu.memref_slice %arg5[%add3A_145, %dma_wait3A_161] : memref<20480x64xf32, #tpu.memory_space<hbm>> -> memref<128x64xf32, #tpu.memory_space<hbm>>
      %dma_wait3A_163 = arith.constant 512 : i32
      %dma_wait3A_164 = arith.constant 0 : i32
      %dma_wait3A_165 = tpu.memref_slice %arg8[%dma_wait3A_163, %dma_wait3A_164] : memref<640x64xf32, #tpu.memory_space<vmem>> -> memref<128x64xf32, #tpu.memory_space<vmem>>
      tpu.wait_dma2 semaphore(%run_scoped3A : memref<!tpu.dma_semaphore, #tpu.memory_space<semaphore_mem>>) src(%dma_wait3A_165 : memref<128x64xf32, #tpu.memory_space<vmem>>) dst(%dma_wait3A_162 : memref<128x64xf32, #tpu.memory_space<hbm>>)
      tpu.yield
    }) : () -> ()
    return
  }
}

#map = affine_map<(d0, d1) -> (0, 0)>
module attributes {stable_mosaic.version = 14 : i64} {
  func.func @k(%arg0: i32, %arg1: i32, %arg2: memref<20480x64xf32, #tpu.memory_space<hbm>>, %arg3: memref<2560x128xi32, #tpu.memory_space<hbm>>, %arg4: memref<2560x128xi32, #tpu.memory_space<hbm>>, %arg5: memref<20480x64xf32, #tpu.memory_space<hbm>>, %arg6: memref<160x128xi32, #tpu.memory_space<vmem>>, %arg7: memref<160x128xi32, #tpu.memory_space<vmem>>, %arg8: memref<640x64xf32, #tpu.memory_space<vmem>>, %arg9: memref<10240x64xf32, #tpu.memory_space<vmem_shared>>, %arg10: memref<!tpu.dma_semaphore, #tpu.memory_space<semaphore_mem>>, %arg11: memref<!tpu.dma_semaphore, #tpu.memory_space<semaphore_mem>>, %arg12: memref<!tpu.dma_semaphore, #tpu.memory_space<semaphore_mem>>, %arg13: memref<!tpu.dma_semaphore, #tpu.memory_space<semaphore_mem>>, %arg14: memref<!tpu.dma_semaphore, #tpu.memory_space<semaphore_mem>>, %arg15: memref<!tpu.dma_semaphore, #tpu.memory_space<semaphore_mem>>, %arg16: memref<!tpu.dma_semaphore, #tpu.memory_space<semaphore_mem>>, %arg17: memref<!tpu.dma_semaphore, #tpu.memory_space<semaphore_mem>>, %arg18: memref<!tpu.dma_semaphore, #tpu.memory_space<semaphore_mem>>, %arg19: memref<!tpu.dma_semaphore, #tpu.memory_space<semaphore_mem>>) attributes {dimension_semantics = [#tpu.dimension_semantics<core_parallel>, #tpu.dimension_semantics<subcore_parallel>], iteration_bounds = array<i64: 2, 16>, scalar_prefetch = 0 : i64, scratch_operands = 14 : i64, tpu.core_type = #tpu.core_type<sc_vector_subcore>, window_params = [{transform_indices = #map}, {transform_indices = #map}, {transform_indices = #map}, {transform_indices = #map}]} {
    %broadcast_in_dim3A = arith.constant 0.000000e+00 : f32
    %broadcast_in_dim3A_0 = vector.broadcast %broadcast_in_dim3A : f32 to vector<16xf32>
    %mul3A = arith.constant 10240 : i32
    %mul3A_1 = arith.muli %arg0, %mul3A : i32
    %mul3A_2 = arith.constant 160 : i32
    %mul3A_3 = arith.muli %arg1, %mul3A_2 : i32
    "tpu.region"() ({
      %run_scoped3A = tpu.sem_alloc : memref<!tpu.dma_semaphore, #tpu.memory_space<semaphore_mem>>
      %dma_start3A_146 = arith.constant 0 : i32
      %dma_start3A_147 = tpu.memref_slice %arg3[%mul3A_3, %dma_start3A_146] : memref<2560x128xi32, #tpu.memory_space<hbm>> -> memref<160x128xi32, #tpu.memory_space<hbm>>
      %dma_start3A_148 = arith.constant 0 : i32
      %dma_start3A_149 = tpu.memref_slice %arg3[%mul3A_3, %dma_start3A_148] : memref<2560x128xi32, #tpu.memory_space<hbm>> -> memref<160x128xi32, #tpu.memory_space<hbm>>
      tpu.enqueue_dma source(%dma_start3A_149 : memref<160x128xi32, #tpu.memory_space<hbm>>) target(%arg6 : memref<160x128xi32, #tpu.memory_space<vmem>>) target_semaphore(%run_scoped3A : memref<!tpu.dma_semaphore, #tpu.memory_space<semaphore_mem>>)
      %dma_wait3A_150 = arith.constant 0 : i32
      %dma_wait3A_151 = tpu.memref_slice %arg3[%mul3A_3, %dma_wait3A_150] : memref<2560x128xi32, #tpu.memory_space<hbm>> -> memref<160x128xi32, #tpu.memory_space<hbm>>
      %dma_wait3A_152 = arith.constant 0 : i32
      %dma_wait3A_153 = tpu.memref_slice %arg3[%mul3A_3, %dma_wait3A_152] : memref<2560x128xi32, #tpu.memory_space<hbm>> -> memref<160x128xi32, #tpu.memory_space<hbm>>
      tpu.wait_dma2 semaphore(%run_scoped3A : memref<!tpu.dma_semaphore, #tpu.memory_space<semaphore_mem>>) src(%dma_wait3A_153 : memref<160x128xi32, #tpu.memory_space<hbm>>) dst(%arg6 : memref<160x128xi32, #tpu.memory_space<vmem>>)
      tpu.yield
    }) : () -> ()
    %mul3A_4 = arith.constant 160 : i32
    %mul3A_5 = arith.muli %arg1, %mul3A_4 : i32
    "tpu.region"() ({
      %run_scoped3A = tpu.sem_alloc : memref<!tpu.dma_semaphore, #tpu.memory_space<semaphore_mem>>
      %dma_start3A_146 = arith.constant 0 : i32
      %dma_start3A_147 = tpu.memref_slice %arg4[%mul3A_5, %dma_start3A_146] : memref<2560x128xi32, #tpu.memory_space<hbm>> -> memref<160x128xi32, #tpu.memory_space<hbm>>
      %dma_start3A_148 = arith.constant 0 : i32
      %dma_start3A_149 = tpu.memref_slice %arg4[%mul3A_5, %dma_start3A_148] : memref<2560x128xi32, #tpu.memory_space<hbm>> -> memref<160x128xi32, #tpu.memory_space<hbm>>
      tpu.enqueue_dma source(%dma_start3A_149 : memref<160x128xi32, #tpu.memory_space<hbm>>) target(%arg7 : memref<160x128xi32, #tpu.memory_space<vmem>>) target_semaphore(%run_scoped3A : memref<!tpu.dma_semaphore, #tpu.memory_space<semaphore_mem>>)
      %dma_wait3A_150 = arith.constant 0 : i32
      %dma_wait3A_151 = tpu.memref_slice %arg4[%mul3A_5, %dma_wait3A_150] : memref<2560x128xi32, #tpu.memory_space<hbm>> -> memref<160x128xi32, #tpu.memory_space<hbm>>
      %dma_wait3A_152 = arith.constant 0 : i32
      %dma_wait3A_153 = tpu.memref_slice %arg4[%mul3A_5, %dma_wait3A_152] : memref<2560x128xi32, #tpu.memory_space<hbm>> -> memref<160x128xi32, #tpu.memory_space<hbm>>
      tpu.wait_dma2 semaphore(%run_scoped3A : memref<!tpu.dma_semaphore, #tpu.memory_space<semaphore_mem>>) src(%dma_wait3A_153 : memref<160x128xi32, #tpu.memory_space<hbm>>) dst(%arg7 : memref<160x128xi32, #tpu.memory_space<vmem>>)
      tpu.yield
    }) : () -> ()
    %scan3A = arith.constant 0 : i32
    %scan3A_6 = arith.constant 0 : i32
    %scan3A_7 = arith.constant 160 : i32
    %scan3A_8 = arith.addi %scan3A_6, %scan3A_7 : i32
    %scan3A_9 = arith.constant 1 : i32
    scf.for %scan3A_146 = %scan3A_6 to %scan3A_8 step %scan3A_9  : i32 {
      %scan3A_147 = arith.constant 0 : i32
      %scan3A_148 = arith.constant 8 : i32
      %scan3A_149 = arith.addi %scan3A_147, %scan3A_148 : i32
      %scan3A_150 = arith.constant 1 : i32
      scf.for %scan3A_152 = %scan3A_147 to %scan3A_149 step %scan3A_150  : i32 {
        %mul3A_153 = arith.constant 16 : i32
        %mul3A_154 = arith.muli %scan3A_152, %mul3A_153 : i32
        %get3A = arith.index_cast %scan3A_146 : i32 to index
        %get3A_155 = arith.index_cast %mul3A_154 : i32 to index
        %get3A_156 = tpu.vector_load %arg6[%get3A, %get3A_155] {strides = array<i32>} : memref<160x128xi32, #tpu.memory_space<vmem>>, vector<1x16xi32>,
        %get3A_157 = vector.shape_cast %get3A_156 : vector<1x16xi32> to vector<16xi32>
        %add3A_158 = vector.broadcast %mul3A_1 : i32 to vector<16xi32>
        %add3A_159 = arith.addi %get3A_157, %add3A_158 : vector<16xi32>
        %swap3A = arith.index_cast %scan3A_146 : i32 to index
        %swap3A_160 = arith.index_cast %mul3A_154 : i32 to index
        %swap3A_161 = tpu.vector_load %arg6[%swap3A, %swap3A_160] {strides = array<i32>} : memref<160x128xi32, #tpu.memory_space<vmem>>, vector<1x16xi32>,
        %swap3A_162 = vector.shape_cast %swap3A_161 : vector<1x16xi32> to vector<16xi32>
        %swap3A_163 = vector.shape_cast %add3A_159 : vector<16xi32> to vector<1x16xi32>
        tpu.vector_store %arg6[%swap3A, %swap3A_160], %swap3A_163 {strides = array<i32>} : memref<160x128xi32, #tpu.memory_space<vmem>>, vector<1x16xi32>,
      }
      %scan3A_151 = arith.constant 8 : i32
    }
    %scan3A_10 = arith.constant 160 : i32
    %scan3A_11 = arith.constant 0 : i32
    %scan3A_12 = arith.constant 0 : i32
    %scan3A_13 = arith.constant 128 : i32
    %scan3A_14 = arith.addi %scan3A_12, %scan3A_13 : i32
    %scan3A_15 = arith.constant 1 : i32
    scf.for %scan3A_146 = %scan3A_12 to %scan3A_14 step %scan3A_15  : i32 {
      %scan3A_147 = arith.constant 0 : i32
      %scan3A_148 = arith.constant 4 : i32
      %scan3A_149 = arith.addi %scan3A_147, %scan3A_148 : i32
      %scan3A_150 = arith.constant 1 : i32
      scf.for %scan3A_152 = %scan3A_147 to %scan3A_149 step %scan3A_150  : i32 {
        %mul3A_153 = arith.constant 16 : i32
        %mul3A_154 = arith.muli %scan3A_152, %mul3A_153 : i32
        %swap3A = arith.index_cast %scan3A_146 : i32 to index
        %swap3A_155 = arith.index_cast %mul3A_154 : i32 to index
        %swap3A_156 = tpu.vector_load %arg8[%swap3A, %swap3A_155] {strides = array<i32>} : memref<640x64xf32, #tpu.memory_space<vmem>>, vector<1x16xf32>,
        %swap3A_157 = vector.shape_cast %swap3A_156 : vector<1x16xf32> to vector<16xf32>
        %swap3A_158 = vector.shape_cast %broadcast_in_dim3A_0 : vector<16xf32> to vector<1x16xf32>
        tpu.vector_store %arg8[%swap3A, %swap3A_155], %swap3A_158 {strides = array<i32>} : memref<640x64xf32, #tpu.memory_space<vmem>>, vector<1x16xf32>,
      }
      %scan3A_151 = arith.constant 4 : i32
    }
    %scan3A_16 = arith.constant 128 : i32
    %mul3A_17 = arith.constant 640 : i32
    %mul3A_18 = arith.muli %arg1, %mul3A_17 : i32
    %add3A = arith.constant 0 : i32
    %add3A_19 = arith.addi %mul3A_18, %add3A : i32
    "tpu.region"() ({
      %run_scoped3A = tpu.sem_alloc : memref<!tpu.dma_semaphore, #tpu.memory_space<semaphore_mem>>
      %dma_start3A_146 = arith.constant 0 : i32
      %dma_start3A_147 = arith.constant 0 : i32
      %dma_start3A_148 = tpu.memref_slice %arg8[%dma_start3A_146, %dma_start3A_147] : memref<640x64xf32, #tpu.memory_space<vmem>> -> memref<128x64xf32, #tpu.memory_space<vmem>>
      %dma_start3A_149 = arith.constant 0 : i32
      %dma_start3A_150 = tpu.memref_slice %arg9[%add3A_19, %dma_start3A_149] : memref<10240x64xf32, #tpu.memory_space<vmem_shared>> -> memref<128x64xf32, #tpu.memory_space<vmem_shared>>
      %dma_start3A_151 = arith.constant 0 : i32
      %dma_start3A_152 = tpu.memref_slice %arg9[%add3A_19, %dma_start3A_151] : memref<10240x64xf32, #tpu.memory_space<vmem_shared>> -> memref<128x64xf32, #tpu.memory_space<vmem_shared>>
      %dma_start3A_153 = arith.constant 0 : i32
      %dma_start3A_154 = arith.constant 0 : i32
      %dma_start3A_155 = tpu.memref_slice %arg8[%dma_start3A_153, %dma_start3A_154] : memref<640x64xf32, #tpu.memory_space<vmem>> -> memref<128x64xf32, #tpu.memory_space<vmem>>
      tpu.enqueue_dma source(%dma_start3A_155 : memref<128x64xf32, #tpu.memory_space<vmem>>) target(%dma_start3A_152 : memref<128x64xf32, #tpu.memory_space<vmem_shared>>) target_semaphore(%run_scoped3A : memref<!tpu.dma_semaphore, #tpu.memory_space<semaphore_mem>>)
      %dma_wait3A_156 = arith.constant 0 : i32
      %dma_wait3A_157 = arith.constant 0 : i32
      %dma_wait3A_158 = tpu.memref_slice %arg8[%dma_wait3A_156, %dma_wait3A_157] : memref<640x64xf32, #tpu.memory_space<vmem>> -> memref<128x64xf32, #tpu.memory_space<vmem>>
      %dma_wait3A_159 = arith.constant 0 : i32
      %dma_wait3A_160 = tpu.memref_slice %arg9[%add3A_19, %dma_wait3A_159] : memref<10240x64xf32, #tpu.memory_space<vmem_shared>> -> memref<128x64xf32, #tpu.memory_space<vmem_shared>>
      %dma_wait3A_161 = arith.constant 0 : i32
      %dma_wait3A_162 = tpu.memref_slice %arg9[%add3A_19, %dma_wait3A_161] : memref<10240x64xf32, #tpu.memory_space<vmem_shared>> -> memref<128x64xf32, #tpu.memory_space<vmem_shared>>
      %dma_wait3A_163 = arith.constant 0 : i32
      %dma_wait3A_164 = arith.constant 0 : i32
      %dma_wait3A_165 = tpu.memref_slice %arg8[%dma_wait3A_163, %dma_wait3A_164] : memref<640x64xf32, #tpu.memory_space<vmem>> -> memref<128x64xf32, #tpu.memory_space<vmem>>
      tpu.wait_dma2 semaphore(%run_scoped3A : memref<!tpu.dma_semaphore, #tpu.memory_space<semaphore_mem>>) src(%dma_wait3A_165 : memref<128x64xf32, #tpu.memory_space<vmem>>) dst(%dma_wait3A_162 : memref<128x64xf32, #tpu.memory_space<vmem_shared>>)
      tpu.yield
    }) : () -> ()
    %mul3A_20 = arith.constant 640 : i32
    %mul3A_21 = arith.muli %arg1, %mul3A_20 : i32
    %add3A_22 = arith.constant 128 : i32
    %add3A_23 = arith.addi %mul3A_21, %add3A_22 : i32
    "tpu.region"() ({
      %run_scoped3A = tpu.sem_alloc : memref<!tpu.dma_semaphore, #tpu.memory_space<semaphore_mem>>
      %dma_start3A_146 = arith.constant 0 : i32
      %dma_start3A_147 = arith.constant 0 : i32
      %dma_start3A_148 = tpu.memref_slice %arg8[%dma_start3A_146, %dma_start3A_147] : memref<640x64xf32, #tpu.memory_space<vmem>> -> memref<128x64xf32, #tpu.memory_space<vmem>>
      %dma_start3A_149 = arith.constant 0 : i32
      %dma_start3A_150 = tpu.memref_slice %arg9[%add3A_23, %dma_start3A_149] : memref<10240x64xf32, #tpu.memory_space<vmem_shared>> -> memref<128x64xf32, #tpu.memory_space<vmem_shared>>
      %dma_start3A_151 = arith.constant 0 : i32
      %dma_start3A_152 = tpu.memref_slice %arg9[%add3A_23, %dma_start3A_151] : memref<10240x64xf32, #tpu.memory_space<vmem_shared>> -> memref<128x64xf32, #tpu.memory_space<vmem_shared>>
      %dma_start3A_153 = arith.constant 0 : i32
      %dma_start3A_154 = arith.constant 0 : i32
      %dma_start3A_155 = tpu.memref_slice %arg8[%dma_start3A_153, %dma_start3A_154] : memref<640x64xf32, #tpu.memory_space<vmem>> -> memref<128x64xf32, #tpu.memory_space<vmem>>
      tpu.enqueue_dma source(%dma_start3A_155 : memref<128x64xf32, #tpu.memory_space<vmem>>) target(%dma_start3A_152 : memref<128x64xf32, #tpu.memory_space<vmem_shared>>) target_semaphore(%run_scoped3A : memref<!tpu.dma_semaphore, #tpu.memory_space<semaphore_mem>>)
      %dma_wait3A_156 = arith.constant 0 : i32
      %dma_wait3A_157 = arith.constant 0 : i32
      %dma_wait3A_158 = tpu.memref_slice %arg8[%dma_wait3A_156, %dma_wait3A_157] : memref<640x64xf32, #tpu.memory_space<vmem>> -> memref<128x64xf32, #tpu.memory_space<vmem>>
      %dma_wait3A_159 = arith.constant 0 : i32
      %dma_wait3A_160 = tpu.memref_slice %arg9[%add3A_23, %dma_wait3A_159] : memref<10240x64xf32, #tpu.memory_space<vmem_shared>> -> memref<128x64xf32, #tpu.memory_space<vmem_shared>>
      %dma_wait3A_161 = arith.constant 0 : i32
      %dma_wait3A_162 = tpu.memref_slice %arg9[%add3A_23, %dma_wait3A_161] : memref<10240x64xf32, #tpu.memory_space<vmem_shared>> -> memref<128x64xf32, #tpu.memory_space<vmem_shared>>
      %dma_wait3A_163 = arith.constant 0 : i32
      %dma_wait3A_164 = arith.constant 0 : i32
      %dma_wait3A_165 = tpu.memref_slice %arg8[%dma_wait3A_163, %dma_wait3A_164] : memref<640x64xf32, #tpu.memory_space<vmem>> -> memref<128x64xf32, #tpu.memory_space<vmem>>
      tpu.wait_dma2 semaphore(%run_scoped3A : memref<!tpu.dma_semaphore, #tpu.memory_space<semaphore_mem>>) src(%dma_wait3A_165 : memref<128x64xf32, #tpu.memory_space<vmem>>) dst(%dma_wait3A_162 : memref<128x64xf32, #tpu.memory_space<vmem_shared>>)
      tpu.yield
    }) : () -> ()
    %mul3A_24 = arith.constant 640 : i32
    %mul3A_25 = arith.muli %arg1, %mul3A_24 : i32
    %add3A_26 = arith.constant 256 : i32
    %add3A_27 = arith.addi %mul3A_25, %add3A_26 : i32
    "tpu.region"() ({
      %run_scoped3A = tpu.sem_alloc : memref<!tpu.dma_semaphore, #tpu.memory_space<semaphore_mem>>
      %dma_start3A_146 = arith.constant 0 : i32
      %dma_start3A_147 = arith.constant 0 : i32
      %dma_start3A_148 = tpu.memref_slice %arg8[%dma_start3A_146, %dma_start3A_147] : memref<640x64xf32, #tpu.memory_space<vmem>> -> memref<128x64xf32, #tpu.memory_space<vmem>>
      %dma_start3A_149 = arith.constant 0 : i32
      %dma_start3A_150 = tpu.memref_slice %arg9[%add3A_27, %dma_start3A_149] : memref<10240x64xf32, #tpu.memory_space<vmem_shared>> -> memref<128x64xf32, #tpu.memory_space<vmem_shared>>
      %dma_start3A_151 = arith.constant 0 : i32
      %dma_start3A_152 = tpu.memref_slice %arg9[%add3A_27, %dma_start3A_151] : memref<10240x64xf32, #tpu.memory_space<vmem_shared>> -> memref<128x64xf32, #tpu.memory_space<vmem_shared>>
      %dma_start3A_153 = arith.constant 0 : i32
      %dma_start3A_154 = arith.constant 0 : i32
      %dma_start3A_155 = tpu.memref_slice %arg8[%dma_start3A_153, %dma_start3A_154] : memref<640x64xf32, #tpu.memory_space<vmem>> -> memref<128x64xf32, #tpu.memory_space<vmem>>
      tpu.enqueue_dma source(%dma_start3A_155 : memref<128x64xf32, #tpu.memory_space<vmem>>) target(%dma_start3A_152 : memref<128x64xf32, #tpu.memory_space<vmem_shared>>) target_semaphore(%run_scoped3A : memref<!tpu.dma_semaphore, #tpu.memory_space<semaphore_mem>>)
      %dma_wait3A_156 = arith.constant 0 : i32
      %dma_wait3A_157 = arith.constant 0 : i32
      %dma_wait3A_158 = tpu.memref_slice %arg8[%dma_wait3A_156, %dma_wait3A_157] : memref<640x64xf32, #tpu.memory_space<vmem>> -> memref<128x64xf32, #tpu.memory_space<vmem>>
      %dma_wait3A_159 = arith.constant 0 : i32
      %dma_wait3A_160 = tpu.memref_slice %arg9[%add3A_27, %dma_wait3A_159] : memref<10240x64xf32, #tpu.memory_space<vmem_shared>> -> memref<128x64xf32, #tpu.memory_space<vmem_shared>>
      %dma_wait3A_161 = arith.constant 0 : i32
      %dma_wait3A_162 = tpu.memref_slice %arg9[%add3A_27, %dma_wait3A_161] : memref<10240x64xf32, #tpu.memory_space<vmem_shared>> -> memref<128x64xf32, #tpu.memory_space<vmem_shared>>
      %dma_wait3A_163 = arith.constant 0 : i32
      %dma_wait3A_164 = arith.constant 0 : i32
      %dma_wait3A_165 = tpu.memref_slice %arg8[%dma_wait3A_163, %dma_wait3A_164] : memref<640x64xf32, #tpu.memory_space<vmem>> -> memref<128x64xf32, #tpu.memory_space<vmem>>
      tpu.wait_dma2 semaphore(%run_scoped3A : memref<!tpu.dma_semaphore, #tpu.memory_space<semaphore_mem>>) src(%dma_wait3A_165 : memref<128x64xf32, #tpu.memory_space<vmem>>) dst(%dma_wait3A_162 : memref<128x64xf32, #tpu.memory_space<vmem_shared>>)
      tpu.yield
    }) : () -> ()
    %mul3A_28 = arith.constant 640 : i32
    %mul3A_29 = arith.muli %arg1, %mul3A_28 : i32
    %add3A_30 = arith.constant 384 : i32
    %add3A_31 = arith.addi %mul3A_29, %add3A_30 : i32
    "tpu.region"() ({
      %run_scoped3A = tpu.sem_alloc : memref<!tpu.dma_semaphore, #tpu.memory_space<semaphore_mem>>
      %dma_start3A_146 = arith.constant 0 : i32
      %dma_start3A_147 = arith.constant 0 : i32
      %dma_start3A_148 = tpu.memref_slice %arg8[%dma_start3A_146, %dma_start3A_147] : memref<640x64xf32, #tpu.memory_space<vmem>> -> memref<128x64xf32, #tpu.memory_space<vmem>>
      %dma_start3A_149 = arith.constant 0 : i32
      %dma_start3A_150 = tpu.memref_slice %arg9[%add3A_31, %dma_start3A_149] : memref<10240x64xf32, #tpu.memory_space<vmem_shared>> -> memref<128x64xf32, #tpu.memory_space<vmem_shared>>
      %dma_start3A_151 = arith.constant 0 : i32
      %dma_start3A_152 = tpu.memref_slice %arg9[%add3A_31, %dma_start3A_151] : memref<10240x64xf32, #tpu.memory_space<vmem_shared>> -> memref<128x64xf32, #tpu.memory_space<vmem_shared>>
      %dma_start3A_153 = arith.constant 0 : i32
      %dma_start3A_154 = arith.constant 0 : i32
      %dma_start3A_155 = tpu.memref_slice %arg8[%dma_start3A_153, %dma_start3A_154] : memref<640x64xf32, #tpu.memory_space<vmem>> -> memref<128x64xf32, #tpu.memory_space<vmem>>
      tpu.enqueue_dma source(%dma_start3A_155 : memref<128x64xf32, #tpu.memory_space<vmem>>) target(%dma_start3A_152 : memref<128x64xf32, #tpu.memory_space<vmem_shared>>) target_semaphore(%run_scoped3A : memref<!tpu.dma_semaphore, #tpu.memory_space<semaphore_mem>>)
      %dma_wait3A_156 = arith.constant 0 : i32
      %dma_wait3A_157 = arith.constant 0 : i32
      %dma_wait3A_158 = tpu.memref_slice %arg8[%dma_wait3A_156, %dma_wait3A_157] : memref<640x64xf32, #tpu.memory_space<vmem>> -> memref<128x64xf32, #tpu.memory_space<vmem>>
      %dma_wait3A_159 = arith.constant 0 : i32
      %dma_wait3A_160 = tpu.memref_slice %arg9[%add3A_31, %dma_wait3A_159] : memref<10240x64xf32, #tpu.memory_space<vmem_shared>> -> memref<128x64xf32, #tpu.memory_space<vmem_shared>>
      %dma_wait3A_161 = arith.constant 0 : i32
      %dma_wait3A_162 = tpu.memref_slice %arg9[%add3A_31, %dma_wait3A_161] : memref<10240x64xf32, #tpu.memory_space<vmem_shared>> -> memref<128x64xf32, #tpu.memory_space<vmem_shared>>
      %dma_wait3A_163 = arith.constant 0 : i32
      %dma_wait3A_164 = arith.constant 0 : i32
      %dma_wait3A_165 = tpu.memref_slice %arg8[%dma_wait3A_163, %dma_wait3A_164] : memref<640x64xf32, #tpu.memory_space<vmem>> -> memref<128x64xf32, #tpu.memory_space<vmem>>
      tpu.wait_dma2 semaphore(%run_scoped3A : memref<!tpu.dma_semaphore, #tpu.memory_space<semaphore_mem>>) src(%dma_wait3A_165 : memref<128x64xf32, #tpu.memory_space<vmem>>) dst(%dma_wait3A_162 : memref<128x64xf32, #tpu.memory_space<vmem_shared>>)
      tpu.yield
    }) : () -> ()
    %mul3A_32 = arith.constant 640 : i32
    %mul3A_33 = arith.muli %arg1, %mul3A_32 : i32
    %add3A_34 = arith.constant 512 : i32
    %add3A_35 = arith.addi %mul3A_33, %add3A_34 : i32
    "tpu.region"() ({
      %run_scoped3A = tpu.sem_alloc : memref<!tpu.dma_semaphore, #tpu.memory_space<semaphore_mem>>
      %dma_start3A_146 = arith.constant 0 : i32
      %dma_start3A_147 = arith.constant 0 : i32
      %dma_start3A_148 = tpu.memref_slice %arg8[%dma_start3A_146, %dma_start3A_147] : memref<640x64xf32, #tpu.memory_space<vmem>> -> memref<128x64xf32, #tpu.memory_space<vmem>>
      %dma_start3A_149 = arith.constant 0 : i32
      %dma_start3A_150 = tpu.memref_slice %arg9[%add3A_35, %dma_start3A_149] : memref<10240x64xf32, #tpu.memory_space<vmem_shared>> -> memref<128x64xf32, #tpu.memory_space<vmem_shared>>
      %dma_start3A_151 = arith.constant 0 : i32
      %dma_start3A_152 = tpu.memref_slice %arg9[%add3A_35, %dma_start3A_151] : memref<10240x64xf32, #tpu.memory_space<vmem_shared>> -> memref<128x64xf32, #tpu.memory_space<vmem_shared>>
      %dma_start3A_153 = arith.constant 0 : i32
      %dma_start3A_154 = arith.constant 0 : i32
      %dma_start3A_155 = tpu.memref_slice %arg8[%dma_start3A_153, %dma_start3A_154] : memref<640x64xf32, #tpu.memory_space<vmem>> -> memref<128x64xf32, #tpu.memory_space<vmem>>
      tpu.enqueue_dma source(%dma_start3A_155 : memref<128x64xf32, #tpu.memory_space<vmem>>) target(%dma_start3A_152 : memref<128x64xf32, #tpu.memory_space<vmem_shared>>) target_semaphore(%run_scoped3A : memref<!tpu.dma_semaphore, #tpu.memory_space<semaphore_mem>>)
      %dma_wait3A_156 = arith.constant 0 : i32
      %dma_wait3A_157 = arith.constant 0 : i32
      %dma_wait3A_158 = tpu.memref_slice %arg8[%dma_wait3A_156, %dma_wait3A_157] : memref<640x64xf32, #tpu.memory_space<vmem>> -> memref<128x64xf32, #tpu.memory_space<vmem>>
      %dma_wait3A_159 = arith.constant 0 : i32
      %dma_wait3A_160 = tpu.memref_slice %arg9[%add3A_35, %dma_wait3A_159] : memref<10240x64xf32, #tpu.memory_space<vmem_shared>> -> memref<128x64xf32, #tpu.memory_space<vmem_shared>>
      %dma_wait3A_161 = arith.constant 0 : i32
      %dma_wait3A_162 = tpu.memref_slice %arg9[%add3A_35, %dma_wait3A_161] : memref<10240x64xf32, #tpu.memory_space<vmem_shared>> -> memref<128x64xf32, #tpu.memory_space<vmem_shared>>
      %dma_wait3A_163 = arith.constant 0 : i32
      %dma_wait3A_164 = arith.constant 0 : i32
      %dma_wait3A_165 = tpu.memref_slice %arg8[%dma_wait3A_163, %dma_wait3A_164] : memref<640x64xf32, #tpu.memory_space<vmem>> -> memref<128x64xf32, #tpu.memory_space<vmem>>
      tpu.wait_dma2 semaphore(%run_scoped3A : memref<!tpu.dma_semaphore, #tpu.memory_space<semaphore_mem>>) src(%dma_wait3A_165 : memref<128x64xf32, #tpu.memory_space<vmem>>) dst(%dma_wait3A_162 : memref<128x64xf32, #tpu.memory_space<vmem_shared>>)
      tpu.yield
    }) : () -> ()
    %barrier3A = arith.constant 0 : index
    tpu.barrier barrier_id(%barrier3A)
    %dma_start3A = arith.constant 0 : i32
    %dma_start3A_36 = arith.constant 0 : i32
    %dma_start3A_37 = arith.constant 0 : i32
    %dma_start3A_38 = tpu.memref_slice %arg8[%dma_start3A_36, %dma_start3A_37] : memref<640x64xf32, #tpu.memory_space<vmem>> -> memref<128x64xf32, #tpu.memory_space<vmem>>
    %dma_start3A_39 = arith.constant 0 : i32
    %dma_start3A_40 = tpu.memref_slice %arg6[%dma_start3A, %dma_start3A_39] : memref<160x128xi32, #tpu.memory_space<vmem>> -> memref<1x128xi32, #tpu.memory_space<vmem>>
    %dma_start3A_41 = tpu.memref_squeeze %dma_start3A_40 : memref<1x128xi32, #tpu.memory_space<vmem>> -> memref<128xi32, #tpu.memory_space<vmem>>
    %dma_start3A_42 = arith.constant 0 : i32
    %dma_start3A_43 = arith.constant 0 : i32
    %dma_start3A_44 = tpu.memref_slice %arg2[%dma_start3A_42, %dma_start3A_43] : memref<20480x64xf32, #tpu.memory_space<hbm>> -> memref<20480x64xf32, #tpu.memory_space<hbm>>
    tpu.enqueue_indirect_dma source(%dma_start3A_44 : memref<20480x64xf32, #tpu.memory_space<hbm>>) target(%dma_start3A_38 : memref<128x64xf32, #tpu.memory_space<vmem>>) offsets(%dma_start3A_41 : memref<128xi32, #tpu.memory_space<vmem>>) semaphore(%arg10 : memref<!tpu.dma_semaphore, #tpu.memory_space<semaphore_mem>>)
    %dma_start3A_45 = arith.constant 1 : i32
    %dma_start3A_46 = arith.constant 128 : i32
    %dma_start3A_47 = arith.constant 0 : i32
    %dma_start3A_48 = tpu.memref_slice %arg8[%dma_start3A_46, %dma_start3A_47] : memref<640x64xf32, #tpu.memory_space<vmem>> -> memref<128x64xf32, #tpu.memory_space<vmem>>
    %dma_start3A_49 = arith.constant 0 : i32
    %dma_start3A_50 = tpu.memref_slice %arg6[%dma_start3A_45, %dma_start3A_49] : memref<160x128xi32, #tpu.memory_space<vmem>> -> memref<1x128xi32, #tpu.memory_space<vmem>>
    %dma_start3A_51 = tpu.memref_squeeze %dma_start3A_50 : memref<1x128xi32, #tpu.memory_space<vmem>> -> memref<128xi32, #tpu.memory_space<vmem>>
    %dma_start3A_52 = arith.constant 0 : i32
    %dma_start3A_53 = arith.constant 0 : i32
    %dma_start3A_54 = tpu.memref_slice %arg2[%dma_start3A_52, %dma_start3A_53] : memref<20480x64xf32, #tpu.memory_space<hbm>> -> memref<20480x64xf32, #tpu.memory_space<hbm>>
    tpu.enqueue_indirect_dma source(%dma_start3A_54 : memref<20480x64xf32, #tpu.memory_space<hbm>>) target(%dma_start3A_48 : memref<128x64xf32, #tpu.memory_space<vmem>>) offsets(%dma_start3A_51 : memref<128xi32, #tpu.memory_space<vmem>>) semaphore(%arg11 : memref<!tpu.dma_semaphore, #tpu.memory_space<semaphore_mem>>)
    %scan3A_55 = arith.constant 0 : i32
    %scan3A_56 = arith.constant 0 : i32
    %scan3A_57 = arith.constant 32 : i32
    %scan3A_58 = arith.addi %scan3A_56, %scan3A_57 : i32
    %scan3A_59 = arith.constant 1 : i32
    scf.for %scan3A_146 = %scan3A_56 to %scan3A_58 step %scan3A_59  : i32 {
      %mul3A_147 = arith.constant 5 : i32
      %mul3A_148 = arith.muli %scan3A_146, %mul3A_147 : i32
      %add3A_149 = arith.constant 0 : i32
      %add3A_150 = arith.addi %mul3A_148, %add3A_149 : i32
      %dma_wait3A_151 = arith.constant 0 : i32
      %dma_wait3A_152 = arith.constant 0 : i32
      %dma_wait3A_153 = tpu.memref_slice %arg8[%dma_wait3A_151, %dma_wait3A_152] : memref<640x64xf32, #tpu.memory_space<vmem>> -> memref<128x64xf32, #tpu.memory_space<vmem>>
      %dma_wait3A_154 = arith.constant 0 : i32
      %dma_wait3A_155 = arith.constant 0 : i32
      %dma_wait3A_156 = tpu.memref_slice %arg2[%dma_wait3A_154, %dma_wait3A_155] : memref<20480x64xf32, #tpu.memory_space<hbm>> -> memref<128x64xf32, #tpu.memory_space<hbm>>
      %dma_wait3A_157 = arith.constant 0 : i32
      %dma_wait3A_158 = arith.constant 0 : i32
      %dma_wait3A_159 = tpu.memref_slice %arg8[%dma_wait3A_157, %dma_wait3A_158] : memref<640x64xf32, #tpu.memory_space<vmem>> -> memref<128x64xf32, #tpu.memory_space<vmem>>
      %dma_wait3A_160 = arith.constant 0 : i32
      %dma_wait3A_161 = arith.constant 0 : i32
      %dma_wait3A_162 = tpu.memref_slice %arg2[%dma_wait3A_160, %dma_wait3A_161] : memref<20480x64xf32, #tpu.memory_space<hbm>> -> memref<128x64xf32, #tpu.memory_space<hbm>>
      tpu.wait_dma2 semaphore(%arg10 : memref<!tpu.dma_semaphore, #tpu.memory_space<semaphore_mem>>) src(%dma_wait3A_162 : memref<128x64xf32, #tpu.memory_space<hbm>>) dst(%dma_wait3A_159 : memref<128x64xf32, #tpu.memory_space<vmem>>)
      %dma_start3A_163 = arith.constant 0 : i32
      %dma_start3A_164 = arith.constant 0 : i32
      %dma_start3A_165 = tpu.memref_slice %arg8[%dma_start3A_163, %dma_start3A_164] : memref<640x64xf32, #tpu.memory_space<vmem>> -> memref<128x64xf32, #tpu.memory_space<vmem>>
      %dma_start3A_166 = arith.constant 0 : i32
      %dma_start3A_167 = tpu.memref_slice %arg7[%add3A_150, %dma_start3A_166] : memref<160x128xi32, #tpu.memory_space<vmem>> -> memref<1x128xi32, #tpu.memory_space<vmem>>
      %dma_start3A_168 = tpu.memref_squeeze %dma_start3A_167 : memref<1x128xi32, #tpu.memory_space<vmem>> -> memref<128xi32, #tpu.memory_space<vmem>>
      %dma_start3A_169 = arith.constant 0 : i32
      %dma_start3A_170 = arith.constant 0 : i32
      %dma_start3A_171 = tpu.memref_slice %arg9[%dma_start3A_169, %dma_start3A_170] : memref<10240x64xf32, #tpu.memory_space<vmem_shared>> -> memref<10240x64xf32, #tpu.memory_space<vmem_shared>>
      tpu.enqueue_indirect_dma source(%dma_start3A_165 : memref<128x64xf32, #tpu.memory_space<vmem>>) target(%dma_start3A_171 : memref<10240x64xf32, #tpu.memory_space<vmem_shared>>) offsets(%dma_start3A_168 : memref<128xi32, #tpu.memory_space<vmem>>) semaphore(%arg15 : memref<!tpu.dma_semaphore, #tpu.memory_space<semaphore_mem>>) {add = true}
      %add3A_172 = arith.constant 2 : i32
      %add3A_173 = arith.addi %add3A_150, %add3A_172 : i32
      %lt3A = arith.constant 160 : i32
      %lt3A_174 = arith.cmpi slt, %add3A_173, %lt3A : i32
      %convert_element_type3A = arith.extui %lt3A_174 : i1 to i32
      %cond3A = arith.constant 0 : i32
      %cond3A_175 = arith.cmpi ne, %convert_element_type3A, %cond3A : i32
      scf.if %cond3A_175 {
        %ge3A = arith.constant 5 : i32
        %ge3A_304 = arith.cmpi sge, %add3A_173, %ge3A : i32
        %convert_element_type3A_305 = arith.extui %ge3A_304 : i1 to i32
        %cond3A_306 = arith.constant 0 : i32
        %cond3A_307 = arith.cmpi ne, %convert_element_type3A_305, %cond3A_306 : i32
        scf.if %cond3A_307 {
          %dma_wait3A_317 = arith.constant 256 : i32
          %dma_wait3A_318 = arith.constant 0 : i32
          %dma_wait3A_319 = tpu.memref_slice %arg8[%dma_wait3A_317, %dma_wait3A_318] : memref<640x64xf32, #tpu.memory_space<vmem>> -> memref<128x64xf32, #tpu.memory_space<vmem>>
          %dma_wait3A_320 = arith.constant 0 : i32
          %dma_wait3A_321 = arith.constant 0 : i32
          %dma_wait3A_322 = tpu.memref_slice %arg2[%dma_wait3A_320, %dma_wait3A_321] : memref<20480x64xf32, #tpu.memory_space<hbm>> -> memref<128x64xf32, #tpu.memory_space<hbm>>
          %dma_wait3A_323 = arith.constant 256 : i32
          %dma_wait3A_324 = arith.constant 0 : i32
          %dma_wait3A_325 = tpu.memref_slice %arg8[%dma_wait3A_323, %dma_wait3A_324] : memref<640x64xf32, #tpu.memory_space<vmem>> -> memref<128x64xf32, #tpu.memory_space<vmem>>
          %dma_wait3A_326 = arith.constant 0 : i32
          %dma_wait3A_327 = arith.constant 0 : i32
          %dma_wait3A_328 = tpu.memref_slice %arg2[%dma_wait3A_326, %dma_wait3A_327] : memref<20480x64xf32, #tpu.memory_space<hbm>> -> memref<128x64xf32, #tpu.memory_space<hbm>>
          tpu.wait_dma2 semaphore(%arg17 : memref<!tpu.dma_semaphore, #tpu.memory_space<semaphore_mem>>) src(%dma_wait3A_328 : memref<128x64xf32, #tpu.memory_space<hbm>>) dst(%dma_wait3A_325 : memref<128x64xf32, #tpu.memory_space<vmem>>)
        } else {
        }
        %dma_start3A_308 = arith.constant 256 : i32
        %dma_start3A_309 = arith.constant 0 : i32
        %dma_start3A_310 = tpu.memref_slice %arg8[%dma_start3A_308, %dma_start3A_309] : memref<640x64xf32, #tpu.memory_space<vmem>> -> memref<128x64xf32, #tpu.memory_space<vmem>>
        %dma_start3A_311 = arith.constant 0 : i32
        %dma_start3A_312 = tpu.memref_slice %arg6[%add3A_173, %dma_start3A_311] : memref<160x128xi32, #tpu.memory_space<vmem>> -> memref<1x128xi32, #tpu.memory_space<vmem>>
        %dma_start3A_313 = tpu.memref_squeeze %dma_start3A_312 : memref<1x128xi32, #tpu.memory_space<vmem>> -> memref<128xi32, #tpu.memory_space<vmem>>
        %dma_start3A_314 = arith.constant 0 : i32
        %dma_start3A_315 = arith.constant 0 : i32
        %dma_start3A_316 = tpu.memref_slice %arg2[%dma_start3A_314, %dma_start3A_315] : memref<20480x64xf32, #tpu.memory_space<hbm>> -> memref<20480x64xf32, #tpu.memory_space<hbm>>
        tpu.enqueue_indirect_dma source(%dma_start3A_316 : memref<20480x64xf32, #tpu.memory_space<hbm>>) target(%dma_start3A_310 : memref<128x64xf32, #tpu.memory_space<vmem>>) offsets(%dma_start3A_313 : memref<128xi32, #tpu.memory_space<vmem>>) semaphore(%arg12 : memref<!tpu.dma_semaphore, #tpu.memory_space<semaphore_mem>>)
      } else {
      }
      %mul3A_176 = arith.constant 5 : i32
      %mul3A_177 = arith.muli %scan3A_146, %mul3A_176 : i32
      %add3A_178 = arith.constant 1 : i32
      %add3A_179 = arith.addi %mul3A_177, %add3A_178 : i32
      %dma_wait3A_180 = arith.constant 128 : i32
      %dma_wait3A_181 = arith.constant 0 : i32
      %dma_wait3A_182 = tpu.memref_slice %arg8[%dma_wait3A_180, %dma_wait3A_181] : memref<640x64xf32, #tpu.memory_space<vmem>> -> memref<128x64xf32, #tpu.memory_space<vmem>>
      %dma_wait3A_183 = arith.constant 0 : i32
      %dma_wait3A_184 = arith.constant 0 : i32
      %dma_wait3A_185 = tpu.memref_slice %arg2[%dma_wait3A_183, %dma_wait3A_184] : memref<20480x64xf32, #tpu.memory_space<hbm>> -> memref<128x64xf32, #tpu.memory_space<hbm>>
      %dma_wait3A_186 = arith.constant 128 : i32
      %dma_wait3A_187 = arith.constant 0 : i32
      %dma_wait3A_188 = tpu.memref_slice %arg8[%dma_wait3A_186, %dma_wait3A_187] : memref<640x64xf32, #tpu.memory_space<vmem>> -> memref<128x64xf32, #tpu.memory_space<vmem>>
      %dma_wait3A_189 = arith.constant 0 : i32
      %dma_wait3A_190 = arith.constant 0 : i32
      %dma_wait3A_191 = tpu.memref_slice %arg2[%dma_wait3A_189, %dma_wait3A_190] : memref<20480x64xf32, #tpu.memory_space<hbm>> -> memref<128x64xf32, #tpu.memory_space<hbm>>
      tpu.wait_dma2 semaphore(%arg11 : memref<!tpu.dma_semaphore, #tpu.memory_space<semaphore_mem>>) src(%dma_wait3A_191 : memref<128x64xf32, #tpu.memory_space<hbm>>) dst(%dma_wait3A_188 : memref<128x64xf32, #tpu.memory_space<vmem>>)
      %dma_start3A_192 = arith.constant 128 : i32
      %dma_start3A_193 = arith.constant 0 : i32
      %dma_start3A_194 = tpu.memref_slice %arg8[%dma_start3A_192, %dma_start3A_193] : memref<640x64xf32, #tpu.memory_space<vmem>> -> memref<128x64xf32, #tpu.memory_space<vmem>>
      %dma_start3A_195 = arith.constant 0 : i32
      %dma_start3A_196 = tpu.memref_slice %arg7[%add3A_179, %dma_start3A_195] : memref<160x128xi32, #tpu.memory_space<vmem>> -> memref<1x128xi32, #tpu.memory_space<vmem>>
      %dma_start3A_197 = tpu.memref_squeeze %dma_start3A_196 : memref<1x128xi32, #tpu.memory_space<vmem>> -> memref<128xi32, #tpu.memory_space<vmem>>
      %dma_start3A_198 = arith.constant 0 : i32
      %dma_start3A_199 = arith.constant 0 : i32
      %dma_start3A_200 = tpu.memref_slice %arg9[%dma_start3A_198, %dma_start3A_199] : memref<10240x64xf32, #tpu.memory_space<vmem_shared>> -> memref<10240x64xf32, #tpu.memory_space<vmem_shared>>
      tpu.enqueue_indirect_dma source(%dma_start3A_194 : memref<128x64xf32, #tpu.memory_space<vmem>>) target(%dma_start3A_200 : memref<10240x64xf32, #tpu.memory_space<vmem_shared>>) offsets(%dma_start3A_197 : memref<128xi32, #tpu.memory_space<vmem>>) semaphore(%arg16 : memref<!tpu.dma_semaphore, #tpu.memory_space<semaphore_mem>>) {add = true}
      %add3A_201 = arith.constant 2 : i32
      %add3A_202 = arith.addi %add3A_179, %add3A_201 : i32
      %lt3A_203 = arith.constant 160 : i32
      %lt3A_204 = arith.cmpi slt, %add3A_202, %lt3A_203 : i32
      %convert_element_type3A_205 = arith.extui %lt3A_204 : i1 to i32
      %cond3A_206 = arith.constant 0 : i32
      %cond3A_207 = arith.cmpi ne, %convert_element_type3A_205, %cond3A_206 : i32
      scf.if %cond3A_207 {
        %ge3A = arith.constant 5 : i32
        %ge3A_304 = arith.cmpi sge, %add3A_202, %ge3A : i32
        %convert_element_type3A_305 = arith.extui %ge3A_304 : i1 to i32
        %cond3A_306 = arith.constant 0 : i32
        %cond3A_307 = arith.cmpi ne, %convert_element_type3A_305, %cond3A_306 : i32
        scf.if %cond3A_307 {
          %dma_wait3A_317 = arith.constant 384 : i32
          %dma_wait3A_318 = arith.constant 0 : i32
          %dma_wait3A_319 = tpu.memref_slice %arg8[%dma_wait3A_317, %dma_wait3A_318] : memref<640x64xf32, #tpu.memory_space<vmem>> -> memref<128x64xf32, #tpu.memory_space<vmem>>
          %dma_wait3A_320 = arith.constant 0 : i32
          %dma_wait3A_321 = arith.constant 0 : i32
          %dma_wait3A_322 = tpu.memref_slice %arg2[%dma_wait3A_320, %dma_wait3A_321] : memref<20480x64xf32, #tpu.memory_space<hbm>> -> memref<128x64xf32, #tpu.memory_space<hbm>>
          %dma_wait3A_323 = arith.constant 384 : i32
          %dma_wait3A_324 = arith.constant 0 : i32
          %dma_wait3A_325 = tpu.memref_slice %arg8[%dma_wait3A_323, %dma_wait3A_324] : memref<640x64xf32, #tpu.memory_space<vmem>> -> memref<128x64xf32, #tpu.memory_space<vmem>>
          %dma_wait3A_326 = arith.constant 0 : i32
          %dma_wait3A_327 = arith.constant 0 : i32
          %dma_wait3A_328 = tpu.memref_slice %arg2[%dma_wait3A_326, %dma_wait3A_327] : memref<20480x64xf32, #tpu.memory_space<hbm>> -> memref<128x64xf32, #tpu.memory_space<hbm>>
          tpu.wait_dma2 semaphore(%arg18 : memref<!tpu.dma_semaphore, #tpu.memory_space<semaphore_mem>>) src(%dma_wait3A_328 : memref<128x64xf32, #tpu.memory_space<hbm>>) dst(%dma_wait3A_325 : memref<128x64xf32, #tpu.memory_space<vmem>>)
        } else {
        }
        %dma_start3A_308 = arith.constant 384 : i32
        %dma_start3A_309 = arith.constant 0 : i32
        %dma_start3A_310 = tpu.memref_slice %arg8[%dma_start3A_308, %dma_start3A_309] : memref<640x64xf32, #tpu.memory_space<vmem>> -> memref<128x64xf32, #tpu.memory_space<vmem>>
        %dma_start3A_311 = arith.constant 0 : i32
        %dma_start3A_312 = tpu.memref_slice %arg6[%add3A_202, %dma_start3A_311] : memref<160x128xi32, #tpu.memory_space<vmem>> -> memref<1x128xi32, #tpu.memory_space<vmem>>
        %dma_start3A_313 = tpu.memref_squeeze %dma_start3A_312 : memref<1x128xi32, #tpu.memory_space<vmem>> -> memref<128xi32, #tpu.memory_space<vmem>>
        %dma_start3A_314 = arith.constant 0 : i32
        %dma_start3A_315 = arith.constant 0 : i32
        %dma_start3A_316 = tpu.memref_slice %arg2[%dma_start3A_314, %dma_start3A_315] : memref<20480x64xf32, #tpu.memory_space<hbm>> -> memref<20480x64xf32, #tpu.memory_space<hbm>>
        tpu.enqueue_indirect_dma source(%dma_start3A_316 : memref<20480x64xf32, #tpu.memory_space<hbm>>) target(%dma_start3A_310 : memref<128x64xf32, #tpu.memory_space<vmem>>) offsets(%dma_start3A_313 : memref<128xi32, #tpu.memory_space<vmem>>) semaphore(%arg13 : memref<!tpu.dma_semaphore, #tpu.memory_space<semaphore_mem>>)
      } else {
      }
      %mul3A_208 = arith.constant 5 : i32
      %mul3A_209 = arith.muli %scan3A_146, %mul3A_208 : i32
      %add3A_210 = arith.constant 2 : i32
      %add3A_211 = arith.addi %mul3A_209, %add3A_210 : i32
      %dma_wait3A_212 = arith.constant 256 : i32
      %dma_wait3A_213 = arith.constant 0 : i32
      %dma_wait3A_214 = tpu.memref_slice %arg8[%dma_wait3A_212, %dma_wait3A_213] : memref<640x64xf32, #tpu.memory_space<vmem>> -> memref<128x64xf32, #tpu.memory_space<vmem>>
      %dma_wait3A_215 = arith.constant 0 : i32
      %dma_wait3A_216 = arith.constant 0 : i32
      %dma_wait3A_217 = tpu.memref_slice %arg2[%dma_wait3A_215, %dma_wait3A_216] : memref<20480x64xf32, #tpu.memory_space<hbm>> -> memref<128x64xf32, #tpu.memory_space<hbm>>
      %dma_wait3A_218 = arith.constant 256 : i32
      %dma_wait3A_219 = arith.constant 0 : i32
      %dma_wait3A_220 = tpu.memref_slice %arg8[%dma_wait3A_218, %dma_wait3A_219] : memref<640x64xf32, #tpu.memory_space<vmem>> -> memref<128x64xf32, #tpu.memory_space<vmem>>
      %dma_wait3A_221 = arith.constant 0 : i32
      %dma_wait3A_222 = arith.constant 0 : i32
      %dma_wait3A_223 = tpu.memref_slice %arg2[%dma_wait3A_221, %dma_wait3A_222] : memref<20480x64xf32, #tpu.memory_space<hbm>> -> memref<128x64xf32, #tpu.memory_space<hbm>>
      tpu.wait_dma2 semaphore(%arg12 : memref<!tpu.dma_semaphore, #tpu.memory_space<semaphore_mem>>) src(%dma_wait3A_223 : memref<128x64xf32, #tpu.memory_space<hbm>>) dst(%dma_wait3A_220 : memref<128x64xf32, #tpu.memory_space<vmem>>)
      %dma_start3A_224 = arith.constant 256 : i32
      %dma_start3A_225 = arith.constant 0 : i32
      %dma_start3A_226 = tpu.memref_slice %arg8[%dma_start3A_224, %dma_start3A_225] : memref<640x64xf32, #tpu.memory_space<vmem>> -> memref<128x64xf32, #tpu.memory_space<vmem>>
      %dma_start3A_227 = arith.constant 0 : i32
      %dma_start3A_228 = tpu.memref_slice %arg7[%add3A_211, %dma_start3A_227] : memref<160x128xi32, #tpu.memory_space<vmem>> -> memref<1x128xi32, #tpu.memory_space<vmem>>
      %dma_start3A_229 = tpu.memref_squeeze %dma_start3A_228 : memref<1x128xi32, #tpu.memory_space<vmem>> -> memref<128xi32, #tpu.memory_space<vmem>>
      %dma_start3A_230 = arith.constant 0 : i32
      %dma_start3A_231 = arith.constant 0 : i32
      %dma_start3A_232 = tpu.memref_slice %arg9[%dma_start3A_230, %dma_start3A_231] : memref<10240x64xf32, #tpu.memory_space<vmem_shared>> -> memref<10240x64xf32, #tpu.memory_space<vmem_shared>>
      tpu.enqueue_indirect_dma source(%dma_start3A_226 : memref<128x64xf32, #tpu.memory_space<vmem>>) target(%dma_start3A_232 : memref<10240x64xf32, #tpu.memory_space<vmem_shared>>) offsets(%dma_start3A_229 : memref<128xi32, #tpu.memory_space<vmem>>) semaphore(%arg17 : memref<!tpu.dma_semaphore, #tpu.memory_space<semaphore_mem>>) {add = true}
      %add3A_233 = arith.constant 2 : i32
      %add3A_234 = arith.addi %add3A_211, %add3A_233 : i32
      %lt3A_235 = arith.constant 160 : i32
      %lt3A_236 = arith.cmpi slt, %add3A_234, %lt3A_235 : i32
      %convert_element_type3A_237 = arith.extui %lt3A_236 : i1 to i32
      %cond3A_238 = arith.constant 0 : i32
      %cond3A_239 = arith.cmpi ne, %convert_element_type3A_237, %cond3A_238 : i32
      scf.if %cond3A_239 {
        %ge3A = arith.constant 5 : i32
        %ge3A_304 = arith.cmpi sge, %add3A_234, %ge3A : i32
        %convert_element_type3A_305 = arith.extui %ge3A_304 : i1 to i32
        %cond3A_306 = arith.constant 0 : i32
        %cond3A_307 = arith.cmpi ne, %convert_element_type3A_305, %cond3A_306 : i32
        scf.if %cond3A_307 {
          %dma_wait3A_317 = arith.constant 512 : i32
          %dma_wait3A_318 = arith.constant 0 : i32
          %dma_wait3A_319 = tpu.memref_slice %arg8[%dma_wait3A_317, %dma_wait3A_318] : memref<640x64xf32, #tpu.memory_space<vmem>> -> memref<128x64xf32, #tpu.memory_space<vmem>>
          %dma_wait3A_320 = arith.constant 0 : i32
          %dma_wait3A_321 = arith.constant 0 : i32
          %dma_wait3A_322 = tpu.memref_slice %arg2[%dma_wait3A_320, %dma_wait3A_321] : memref<20480x64xf32, #tpu.memory_space<hbm>> -> memref<128x64xf32, #tpu.memory_space<hbm>>
          %dma_wait3A_323 = arith.constant 512 : i32
          %dma_wait3A_324 = arith.constant 0 : i32
          %dma_wait3A_325 = tpu.memref_slice %arg8[%dma_wait3A_323, %dma_wait3A_324] : memref<640x64xf32, #tpu.memory_space<vmem>> -> memref<128x64xf32, #tpu.memory_space<vmem>>
          %dma_wait3A_326 = arith.constant 0 : i32
          %dma_wait3A_327 = arith.constant 0 : i32
          %dma_wait3A_328 = tpu.memref_slice %arg2[%dma_wait3A_326, %dma_wait3A_327] : memref<20480x64xf32, #tpu.memory_space<hbm>> -> memref<128x64xf32, #tpu.memory_space<hbm>>
          tpu.wait_dma2 semaphore(%arg19 : memref<!tpu.dma_semaphore, #tpu.memory_space<semaphore_mem>>) src(%dma_wait3A_328 : memref<128x64xf32, #tpu.memory_space<hbm>>) dst(%dma_wait3A_325 : memref<128x64xf32, #tpu.memory_space<vmem>>)
        } else {
        }
        %dma_start3A_308 = arith.constant 512 : i32
        %dma_start3A_309 = arith.constant 0 : i32
        %dma_start3A_310 = tpu.memref_slice %arg8[%dma_start3A_308, %dma_start3A_309] : memref<640x64xf32, #tpu.memory_space<vmem>> -> memref<128x64xf32, #tpu.memory_space<vmem>>
        %dma_start3A_311 = arith.constant 0 : i32
        %dma_start3A_312 = tpu.memref_slice %arg6[%add3A_234, %dma_start3A_311] : memref<160x128xi32, #tpu.memory_space<vmem>> -> memref<1x128xi32, #tpu.memory_space<vmem>>
        %dma_start3A_313 = tpu.memref_squeeze %dma_start3A_312 : memref<1x128xi32, #tpu.memory_space<vmem>> -> memref<128xi32, #tpu.memory_space<vmem>>
        %dma_start3A_314 = arith.constant 0 : i32
        %dma_start3A_315 = arith.constant 0 : i32
        %dma_start3A_316 = tpu.memref_slice %arg2[%dma_start3A_314, %dma_start3A_315] : memref<20480x64xf32, #tpu.memory_space<hbm>> -> memref<20480x64xf32, #tpu.memory_space<hbm>>
        tpu.enqueue_indirect_dma source(%dma_start3A_316 : memref<20480x64xf32, #tpu.memory_space<hbm>>) target(%dma_start3A_310 : memref<128x64xf32, #tpu.memory_space<vmem>>) offsets(%dma_start3A_313 : memref<128xi32, #tpu.memory_space<vmem>>) semaphore(%arg14 : memref<!tpu.dma_semaphore, #tpu.memory_space<semaphore_mem>>)
      } else {
      }
      %mul3A_240 = arith.constant 5 : i32
      %mul3A_241 = arith.muli %scan3A_146, %mul3A_240 : i32
      %add3A_242 = arith.constant 3 : i32
      %add3A_243 = arith.addi %mul3A_241, %add3A_242 : i32
      %dma_wait3A_244 = arith.constant 384 : i32
      %dma_wait3A_245 = arith.constant 0 : i32
      %dma_wait3A_246 = tpu.memref_slice %arg8[%dma_wait3A_244, %dma_wait3A_245] : memref<640x64xf32, #tpu.memory_space<vmem>> -> memref<128x64xf32, #tpu.memory_space<vmem>>
      %dma_wait3A_247 = arith.constant 0 : i32
      %dma_wait3A_248 = arith.constant 0 : i32
      %dma_wait3A_249 = tpu.memref_slice %arg2[%dma_wait3A_247, %dma_wait3A_248] : memref<20480x64xf32, #tpu.memory_space<hbm>> -> memref<128x64xf32, #tpu.memory_space<hbm>>
      %dma_wait3A_250 = arith.constant 384 : i32
      %dma_wait3A_251 = arith.constant 0 : i32
      %dma_wait3A_252 = tpu.memref_slice %arg8[%dma_wait3A_250, %dma_wait3A_251] : memref<640x64xf32, #tpu.memory_space<vmem>> -> memref<128x64xf32, #tpu.memory_space<vmem>>
      %dma_wait3A_253 = arith.constant 0 : i32
      %dma_wait3A_254 = arith.constant 0 : i32
      %dma_wait3A_255 = tpu.memref_slice %arg2[%dma_wait3A_253, %dma_wait3A_254] : memref<20480x64xf32, #tpu.memory_space<hbm>> -> memref<128x64xf32, #tpu.memory_space<hbm>>
      tpu.wait_dma2 semaphore(%arg13 : memref<!tpu.dma_semaphore, #tpu.memory_space<semaphore_mem>>) src(%dma_wait3A_255 : memref<128x64xf32, #tpu.memory_space<hbm>>) dst(%dma_wait3A_252 : memref<128x64xf32, #tpu.memory_space<vmem>>)
      %dma_start3A_256 = arith.constant 384 : i32
      %dma_start3A_257 = arith.constant 0 : i32
      %dma_start3A_258 = tpu.memref_slice %arg8[%dma_start3A_256, %dma_start3A_257] : memref<640x64xf32, #tpu.memory_space<vmem>> -> memref<128x64xf32, #tpu.memory_space<vmem>>
      %dma_start3A_259 = arith.constant 0 : i32
      %dma_start3A_260 = tpu.memref_slice %arg7[%add3A_243, %dma_start3A_259] : memref<160x128xi32, #tpu.memory_space<vmem>> -> memref<1x128xi32, #tpu.memory_space<vmem>>
      %dma_start3A_261 = tpu.memref_squeeze %dma_start3A_260 : memref<1x128xi32, #tpu.memory_space<vmem>> -> memref<128xi32, #tpu.memory_space<vmem>>
      %dma_start3A_262 = arith.constant 0 : i32
      %dma_start3A_263 = arith.constant 0 : i32
      %dma_start3A_264 = tpu.memref_slice %arg9[%dma_start3A_262, %dma_start3A_263] : memref<10240x64xf32, #tpu.memory_space<vmem_shared>> -> memref<10240x64xf32, #tpu.memory_space<vmem_shared>>
      tpu.enqueue_indirect_dma source(%dma_start3A_258 : memref<128x64xf32, #tpu.memory_space<vmem>>) target(%dma_start3A_264 : memref<10240x64xf32, #tpu.memory_space<vmem_shared>>) offsets(%dma_start3A_261 : memref<128xi32, #tpu.memory_space<vmem>>) semaphore(%arg18 : memref<!tpu.dma_semaphore, #tpu.memory_space<semaphore_mem>>) {add = true}
      %add3A_265 = arith.constant 2 : i32
      %add3A_266 = arith.addi %add3A_243, %add3A_265 : i32
      %lt3A_267 = arith.constant 160 : i32
      %lt3A_268 = arith.cmpi slt, %add3A_266, %lt3A_267 : i32
      %convert_element_type3A_269 = arith.extui %lt3A_268 : i1 to i32
      %cond3A_270 = arith.constant 0 : i32
      %cond3A_271 = arith.cmpi ne, %convert_element_type3A_269, %cond3A_270 : i32
      scf.if %cond3A_271 {
        %ge3A = arith.constant 5 : i32
        %ge3A_304 = arith.cmpi sge, %add3A_266, %ge3A : i32
        %convert_element_type3A_305 = arith.extui %ge3A_304 : i1 to i32
        %cond3A_306 = arith.constant 0 : i32
        %cond3A_307 = arith.cmpi ne, %convert_element_type3A_305, %cond3A_306 : i32
        scf.if %cond3A_307 {
          %dma_wait3A_317 = arith.constant 0 : i32
          %dma_wait3A_318 = arith.constant 0 : i32
          %dma_wait3A_319 = tpu.memref_slice %arg8[%dma_wait3A_317, %dma_wait3A_318] : memref<640x64xf32, #tpu.memory_space<vmem>> -> memref<128x64xf32, #tpu.memory_space<vmem>>
          %dma_wait3A_320 = arith.constant 0 : i32
          %dma_wait3A_321 = arith.constant 0 : i32
          %dma_wait3A_322 = tpu.memref_slice %arg2[%dma_wait3A_320, %dma_wait3A_321] : memref<20480x64xf32, #tpu.memory_space<hbm>> -> memref<128x64xf32, #tpu.memory_space<hbm>>
          %dma_wait3A_323 = arith.constant 0 : i32
          %dma_wait3A_324 = arith.constant 0 : i32
          %dma_wait3A_325 = tpu.memref_slice %arg8[%dma_wait3A_323, %dma_wait3A_324] : memref<640x64xf32, #tpu.memory_space<vmem>> -> memref<128x64xf32, #tpu.memory_space<vmem>>
          %dma_wait3A_326 = arith.constant 0 : i32
          %dma_wait3A_327 = arith.constant 0 : i32
          %dma_wait3A_328 = tpu.memref_slice %arg2[%dma_wait3A_326, %dma_wait3A_327] : memref<20480x64xf32, #tpu.memory_space<hbm>> -> memref<128x64xf32, #tpu.memory_space<hbm>>
          tpu.wait_dma2 semaphore(%arg15 : memref<!tpu.dma_semaphore, #tpu.memory_space<semaphore_mem>>) src(%dma_wait3A_328 : memref<128x64xf32, #tpu.memory_space<hbm>>) dst(%dma_wait3A_325 : memref<128x64xf32, #tpu.memory_space<vmem>>)
        } else {
        }
        %dma_start3A_308 = arith.constant 0 : i32
        %dma_start3A_309 = arith.constant 0 : i32
        %dma_start3A_310 = tpu.memref_slice %arg8[%dma_start3A_308, %dma_start3A_309] : memref<640x64xf32, #tpu.memory_space<vmem>> -> memref<128x64xf32, #tpu.memory_space<vmem>>
        %dma_start3A_311 = arith.constant 0 : i32
        %dma_start3A_312 = tpu.memref_slice %arg6[%add3A_266, %dma_start3A_311] : memref<160x128xi32, #tpu.memory_space<vmem>> -> memref<1x128xi32, #tpu.memory_space<vmem>>
        %dma_start3A_313 = tpu.memref_squeeze %dma_start3A_312 : memref<1x128xi32, #tpu.memory_space<vmem>> -> memref<128xi32, #tpu.memory_space<vmem>>
        %dma_start3A_314 = arith.constant 0 : i32
        %dma_start3A_315 = arith.constant 0 : i32
        %dma_start3A_316 = tpu.memref_slice %arg2[%dma_start3A_314, %dma_start3A_315] : memref<20480x64xf32, #tpu.memory_space<hbm>> -> memref<20480x64xf32, #tpu.memory_space<hbm>>
        tpu.enqueue_indirect_dma source(%dma_start3A_316 : memref<20480x64xf32, #tpu.memory_space<hbm>>) target(%dma_start3A_310 : memref<128x64xf32, #tpu.memory_space<vmem>>) offsets(%dma_start3A_313 : memref<128xi32, #tpu.memory_space<vmem>>) semaphore(%arg10 : memref<!tpu.dma_semaphore, #tpu.memory_space<semaphore_mem>>)
      } else {
      }
      %mul3A_272 = arith.constant 5 : i32
      %mul3A_273 = arith.muli %scan3A_146, %mul3A_272 : i32
      %add3A_274 = arith.constant 4 : i32
      %add3A_275 = arith.addi %mul3A_273, %add3A_274 : i32
      %dma_wait3A_276 = arith.constant 512 : i32
      %dma_wait3A_277 = arith.constant 0 : i32
      %dma_wait3A_278 = tpu.memref_slice %arg8[%dma_wait3A_276, %dma_wait3A_277] : memref<640x64xf32, #tpu.memory_space<vmem>> -> memref<128x64xf32, #tpu.memory_space<vmem>>
      %dma_wait3A_279 = arith.constant 0 : i32
      %dma_wait3A_280 = arith.constant 0 : i32
      %dma_wait3A_281 = tpu.memref_slice %arg2[%dma_wait3A_279, %dma_wait3A_280] : memref<20480x64xf32, #tpu.memory_space<hbm>> -> memref<128x64xf32, #tpu.memory_space<hbm>>
      %dma_wait3A_282 = arith.constant 512 : i32
      %dma_wait3A_283 = arith.constant 0 : i32
      %dma_wait3A_284 = tpu.memref_slice %arg8[%dma_wait3A_282, %dma_wait3A_283] : memref<640x64xf32, #tpu.memory_space<vmem>> -> memref<128x64xf32, #tpu.memory_space<vmem>>
      %dma_wait3A_285 = arith.constant 0 : i32
      %dma_wait3A_286 = arith.constant 0 : i32
      %dma_wait3A_287 = tpu.memref_slice %arg2[%dma_wait3A_285, %dma_wait3A_286] : memref<20480x64xf32, #tpu.memory_space<hbm>> -> memref<128x64xf32, #tpu.memory_space<hbm>>
      tpu.wait_dma2 semaphore(%arg14 : memref<!tpu.dma_semaphore, #tpu.memory_space<semaphore_mem>>) src(%dma_wait3A_287 : memref<128x64xf32, #tpu.memory_space<hbm>>) dst(%dma_wait3A_284 : memref<128x64xf32, #tpu.memory_space<vmem>>)
      %dma_start3A_288 = arith.constant 512 : i32
      %dma_start3A_289 = arith.constant 0 : i32
      %dma_start3A_290 = tpu.memref_slice %arg8[%dma_start3A_288, %dma_start3A_289] : memref<640x64xf32, #tpu.memory_space<vmem>> -> memref<128x64xf32, #tpu.memory_space<vmem>>
      %dma_start3A_291 = arith.constant 0 : i32
      %dma_start3A_292 = tpu.memref_slice %arg7[%add3A_275, %dma_start3A_291] : memref<160x128xi32, #tpu.memory_space<vmem>> -> memref<1x128xi32, #tpu.memory_space<vmem>>
      %dma_start3A_293 = tpu.memref_squeeze %dma_start3A_292 : memref<1x128xi32, #tpu.memory_space<vmem>> -> memref<128xi32, #tpu.memory_space<vmem>>
      %dma_start3A_294 = arith.constant 0 : i32
      %dma_start3A_295 = arith.constant 0 : i32
      %dma_start3A_296 = tpu.memref_slice %arg9[%dma_start3A_294, %dma_start3A_295] : memref<10240x64xf32, #tpu.memory_space<vmem_shared>> -> memref<10240x64xf32, #tpu.memory_space<vmem_shared>>
      tpu.enqueue_indirect_dma source(%dma_start3A_290 : memref<128x64xf32, #tpu.memory_space<vmem>>) target(%dma_start3A_296 : memref<10240x64xf32, #tpu.memory_space<vmem_shared>>) offsets(%dma_start3A_293 : memref<128xi32, #tpu.memory_space<vmem>>) semaphore(%arg19 : memref<!tpu.dma_semaphore, #tpu.memory_space<semaphore_mem>>) {add = true}
      %add3A_297 = arith.constant 2 : i32
      %add3A_298 = arith.addi %add3A_275, %add3A_297 : i32
      %lt3A_299 = arith.constant 160 : i32
      %lt3A_300 = arith.cmpi slt, %add3A_298, %lt3A_299 : i32
      %convert_element_type3A_301 = arith.extui %lt3A_300 : i1 to i32
      %cond3A_302 = arith.constant 0 : i32
      %cond3A_303 = arith.cmpi ne, %convert_element_type3A_301, %cond3A_302 : i32
      scf.if %cond3A_303 {
        %ge3A = arith.constant 5 : i32
        %ge3A_304 = arith.cmpi sge, %add3A_298, %ge3A : i32
        %convert_element_type3A_305 = arith.extui %ge3A_304 : i1 to i32
        %cond3A_306 = arith.constant 0 : i32
        %cond3A_307 = arith.cmpi ne, %convert_element_type3A_305, %cond3A_306 : i32
        scf.if %cond3A_307 {
          %dma_wait3A_317 = arith.constant 128 : i32
          %dma_wait3A_318 = arith.constant 0 : i32
          %dma_wait3A_319 = tpu.memref_slice %arg8[%dma_wait3A_317, %dma_wait3A_318] : memref<640x64xf32, #tpu.memory_space<vmem>> -> memref<128x64xf32, #tpu.memory_space<vmem>>
          %dma_wait3A_320 = arith.constant 0 : i32
          %dma_wait3A_321 = arith.constant 0 : i32
          %dma_wait3A_322 = tpu.memref_slice %arg2[%dma_wait3A_320, %dma_wait3A_321] : memref<20480x64xf32, #tpu.memory_space<hbm>> -> memref<128x64xf32, #tpu.memory_space<hbm>>
          %dma_wait3A_323 = arith.constant 128 : i32
          %dma_wait3A_324 = arith.constant 0 : i32
          %dma_wait3A_325 = tpu.memref_slice %arg8[%dma_wait3A_323, %dma_wait3A_324] : memref<640x64xf32, #tpu.memory_space<vmem>> -> memref<128x64xf32, #tpu.memory_space<vmem>>
          %dma_wait3A_326 = arith.constant 0 : i32
          %dma_wait3A_327 = arith.constant 0 : i32
          %dma_wait3A_328 = tpu.memref_slice %arg2[%dma_wait3A_326, %dma_wait3A_327] : memref<20480x64xf32, #tpu.memory_space<hbm>> -> memref<128x64xf32, #tpu.memory_space<hbm>>
          tpu.wait_dma2 semaphore(%arg16 : memref<!tpu.dma_semaphore, #tpu.memory_space<semaphore_mem>>) src(%dma_wait3A_328 : memref<128x64xf32, #tpu.memory_space<hbm>>) dst(%dma_wait3A_325 : memref<128x64xf32, #tpu.memory_space<vmem>>)
        } else {
        }
        %dma_start3A_308 = arith.constant 128 : i32
        %dma_start3A_309 = arith.constant 0 : i32
        %dma_start3A_310 = tpu.memref_slice %arg8[%dma_start3A_308, %dma_start3A_309] : memref<640x64xf32, #tpu.memory_space<vmem>> -> memref<128x64xf32, #tpu.memory_space<vmem>>
        %dma_start3A_311 = arith.constant 0 : i32
        %dma_start3A_312 = tpu.memref_slice %arg6[%add3A_298, %dma_start3A_311] : memref<160x128xi32, #tpu.memory_space<vmem>> -> memref<1x128xi32, #tpu.memory_space<vmem>>
        %dma_start3A_313 = tpu.memref_squeeze %dma_start3A_312 : memref<1x128xi32, #tpu.memory_space<vmem>> -> memref<128xi32, #tpu.memory_space<vmem>>
        %dma_start3A_314 = arith.constant 0 : i32
        %dma_start3A_315 = arith.constant 0 : i32
        %dma_start3A_316 = tpu.memref_slice %arg2[%dma_start3A_314, %dma_start3A_315] : memref<20480x64xf32, #tpu.memory_space<hbm>> -> memref<20480x64xf32, #tpu.memory_space<hbm>>
        tpu.enqueue_indirect_dma source(%dma_start3A_316 : memref<20480x64xf32, #tpu.memory_space<hbm>>) target(%dma_start3A_310 : memref<128x64xf32, #tpu.memory_space<vmem>>) offsets(%dma_start3A_313 : memref<128xi32, #tpu.memory_space<vmem>>) semaphore(%arg11 : memref<!tpu.dma_semaphore, #tpu.memory_space<semaphore_mem>>)
      } else {
      }
    }
    %scan3A_60 = arith.constant 32 : i32
    %dma_wait3A = arith.constant 0 : i32
    %dma_wait3A_61 = arith.constant 0 : i32
    %dma_wait3A_62 = tpu.memref_slice %arg8[%dma_wait3A, %dma_wait3A_61] : memref<640x64xf32, #tpu.memory_space<vmem>> -> memref<128x64xf32, #tpu.memory_space<vmem>>
    %dma_wait3A_63 = arith.constant 0 : i32
    %dma_wait3A_64 = arith.constant 0 : i32
    %dma_wait3A_65 = tpu.memref_slice %arg2[%dma_wait3A_63, %dma_wait3A_64] : memref<20480x64xf32, #tpu.memory_space<hbm>> -> memref<128x64xf32, #tpu.memory_space<hbm>>
    %dma_wait3A_66 = arith.constant 0 : i32
    %dma_wait3A_67 = arith.constant 0 : i32
    %dma_wait3A_68 = tpu.memref_slice %arg8[%dma_wait3A_66, %dma_wait3A_67] : memref<640x64xf32, #tpu.memory_space<vmem>> -> memref<128x64xf32, #tpu.memory_space<vmem>>
    %dma_wait3A_69 = arith.constant 0 : i32
    %dma_wait3A_70 = arith.constant 0 : i32
    %dma_wait3A_71 = tpu.memref_slice %arg2[%dma_wait3A_69, %dma_wait3A_70] : memref<20480x64xf32, #tpu.memory_space<hbm>> -> memref<128x64xf32, #tpu.memory_space<hbm>>
    tpu.wait_dma2 semaphore(%arg15 : memref<!tpu.dma_semaphore, #tpu.memory_space<semaphore_mem>>) src(%dma_wait3A_71 : memref<128x64xf32, #tpu.memory_space<hbm>>) dst(%dma_wait3A_68 : memref<128x64xf32, #tpu.memory_space<vmem>>)
    %dma_wait3A_72 = arith.constant 128 : i32
    %dma_wait3A_73 = arith.constant 0 : i32
    %dma_wait3A_74 = tpu.memref_slice %arg8[%dma_wait3A_72, %dma_wait3A_73] : memref<640x64xf32, #tpu.memory_space<vmem>> -> memref<128x64xf32, #tpu.memory_space<vmem>>
    %dma_wait3A_75 = arith.constant 0 : i32
    %dma_wait3A_76 = arith.constant 0 : i32
    %dma_wait3A_77 = tpu.memref_slice %arg2[%dma_wait3A_75, %dma_wait3A_76] : memref<20480x64xf32, #tpu.memory_space<hbm>> -> memref<128x64xf32, #tpu.memory_space<hbm>>
    %dma_wait3A_78 = arith.constant 128 : i32
    %dma_wait3A_79 = arith.constant 0 : i32
    %dma_wait3A_80 = tpu.memref_slice %arg8[%dma_wait3A_78, %dma_wait3A_79] : memref<640x64xf32, #tpu.memory_space<vmem>> -> memref<128x64xf32, #tpu.memory_space<vmem>>
    %dma_wait3A_81 = arith.constant 0 : i32
    %dma_wait3A_82 = arith.constant 0 : i32
    %dma_wait3A_83 = tpu.memref_slice %arg2[%dma_wait3A_81, %dma_wait3A_82] : memref<20480x64xf32, #tpu.memory_space<hbm>> -> memref<128x64xf32, #tpu.memory_space<hbm>>
    tpu.wait_dma2 semaphore(%arg16 : memref<!tpu.dma_semaphore, #tpu.memory_space<semaphore_mem>>) src(%dma_wait3A_83 : memref<128x64xf32, #tpu.memory_space<hbm>>) dst(%dma_wait3A_80 : memref<128x64xf32, #tpu.memory_space<vmem>>)
    %dma_wait3A_84 = arith.constant 256 : i32
    %dma_wait3A_85 = arith.constant 0 : i32
    %dma_wait3A_86 = tpu.memref_slice %arg8[%dma_wait3A_84, %dma_wait3A_85] : memref<640x64xf32, #tpu.memory_space<vmem>> -> memref<128x64xf32, #tpu.memory_space<vmem>>
    %dma_wait3A_87 = arith.constant 0 : i32
    %dma_wait3A_88 = arith.constant 0 : i32
    %dma_wait3A_89 = tpu.memref_slice %arg2[%dma_wait3A_87, %dma_wait3A_88] : memref<20480x64xf32, #tpu.memory_space<hbm>> -> memref<128x64xf32, #tpu.memory_space<hbm>>
    %dma_wait3A_90 = arith.constant 256 : i32
    %dma_wait3A_91 = arith.constant 0 : i32
    %dma_wait3A_92 = tpu.memref_slice %arg8[%dma_wait3A_90, %dma_wait3A_91] : memref<640x64xf32, #tpu.memory_space<vmem>> -> memref<128x64xf32, #tpu.memory_space<vmem>>
    %dma_wait3A_93 = arith.constant 0 : i32
    %dma_wait3A_94 = arith.constant 0 : i32
    %dma_wait3A_95 = tpu.memref_slice %arg2[%dma_wait3A_93, %dma_wait3A_94] : memref<20480x64xf32, #tpu.memory_space<hbm>> -> memref<128x64xf32, #tpu.memory_space<hbm>>
    tpu.wait_dma2 semaphore(%arg17 : memref<!tpu.dma_semaphore, #tpu.memory_space<semaphore_mem>>) src(%dma_wait3A_95 : memref<128x64xf32, #tpu.memory_space<hbm>>) dst(%dma_wait3A_92 : memref<128x64xf32, #tpu.memory_space<vmem>>)
    %dma_wait3A_96 = arith.constant 384 : i32
    %dma_wait3A_97 = arith.constant 0 : i32
    %dma_wait3A_98 = tpu.memref_slice %arg8[%dma_wait3A_96, %dma_wait3A_97] : memref<640x64xf32, #tpu.memory_space<vmem>> -> memref<128x64xf32, #tpu.memory_space<vmem>>
    %dma_wait3A_99 = arith.constant 0 : i32
    %dma_wait3A_100 = arith.constant 0 : i32
    %dma_wait3A_101 = tpu.memref_slice %arg2[%dma_wait3A_99, %dma_wait3A_100] : memref<20480x64xf32, #tpu.memory_space<hbm>> -> memref<128x64xf32, #tpu.memory_space<hbm>>
    %dma_wait3A_102 = arith.constant 384 : i32
    %dma_wait3A_103 = arith.constant 0 : i32
    %dma_wait3A_104 = tpu.memref_slice %arg8[%dma_wait3A_102, %dma_wait3A_103] : memref<640x64xf32, #tpu.memory_space<vmem>> -> memref<128x64xf32, #tpu.memory_space<vmem>>
    %dma_wait3A_105 = arith.constant 0 : i32
    %dma_wait3A_106 = arith.constant 0 : i32
    %dma_wait3A_107 = tpu.memref_slice %arg2[%dma_wait3A_105, %dma_wait3A_106] : memref<20480x64xf32, #tpu.memory_space<hbm>> -> memref<128x64xf32, #tpu.memory_space<hbm>>
    tpu.wait_dma2 semaphore(%arg18 : memref<!tpu.dma_semaphore, #tpu.memory_space<semaphore_mem>>) src(%dma_wait3A_107 : memref<128x64xf32, #tpu.memory_space<hbm>>) dst(%dma_wait3A_104 : memref<128x64xf32, #tpu.memory_space<vmem>>)
    %dma_wait3A_108 = arith.constant 512 : i32
    %dma_wait3A_109 = arith.constant 0 : i32
    %dma_wait3A_110 = tpu.memref_slice %arg8[%dma_wait3A_108, %dma_wait3A_109] : memref<640x64xf32, #tpu.memory_space<vmem>> -> memref<128x64xf32, #tpu.memory_space<vmem>>
    %dma_wait3A_111 = arith.constant 0 : i32
    %dma_wait3A_112 = arith.constant 0 : i32
    %dma_wait3A_113 = tpu.memref_slice %arg2[%dma_wait3A_111, %dma_wait3A_112] : memref<20480x64xf32, #tpu.memory_space<hbm>> -> memref<128x64xf32, #tpu.memory_space<hbm>>
    %dma_wait3A_114 = arith.constant 512 : i32
    %dma_wait3A_115 = arith.constant 0 : i32
    %dma_wait3A_116 = tpu.memref_slice %arg8[%dma_wait3A_114, %dma_wait3A_115] : memref<640x64xf32, #tpu.memory_space<vmem>> -> memref<128x64xf32, #tpu.memory_space<vmem>>
    %dma_wait3A_117 = arith.constant 0 : i32
    %dma_wait3A_118 = arith.constant 0 : i32
    %dma_wait3A_119 = tpu.memref_slice %arg2[%dma_wait3A_117, %dma_wait3A_118] : memref<20480x64xf32, #tpu.memory_space<hbm>> -> memref<128x64xf32, #tpu.memory_space<hbm>>
    tpu.wait_dma2 semaphore(%arg19 : memref<!tpu.dma_semaphore, #tpu.memory_space<semaphore_mem>>) src(%dma_wait3A_119 : memref<128x64xf32, #tpu.memory_space<hbm>>) dst(%dma_wait3A_116 : memref<128x64xf32, #tpu.memory_space<vmem>>)
    %barrier3A_120 = arith.constant 0 : index
    tpu.barrier barrier_id(%barrier3A_120)
    %mul3A_121 = arith.constant 640 : i32
    %mul3A_122 = arith.muli %arg1, %mul3A_121 : i32
    %add3A_123 = arith.constant 0 : i32
    %add3A_124 = arith.addi %mul3A_122, %add3A_123 : i32
    "tpu.region"() ({
      %run_scoped3A = tpu.sem_alloc : memref<!tpu.dma_semaphore, #tpu.memory_space<semaphore_mem>>
      %dma_start3A_146 = arith.constant 0 : i32
      %dma_start3A_147 = arith.constant 0 : i32
      %dma_start3A_148 = tpu.memref_slice %arg8[%dma_start3A_146, %dma_start3A_147] : memref<640x64xf32, #tpu.memory_space<vmem>> -> memref<128x64xf32, #tpu.memory_space<vmem>>
      %dma_start3A_149 = arith.constant 0 : i32
      %dma_start3A_150 = tpu.memref_slice %arg9[%add3A_124, %dma_start3A_149] : memref<10240x64xf32, #tpu.memory_space<vmem_shared>> -> memref<128x64xf32, #tpu.memory_space<vmem_shared>>
      %dma_start3A_151 = arith.constant 0 : i32
      %dma_start3A_152 = arith.constant 0 : i32
      %dma_start3A_153 = tpu.memref_slice %arg8[%dma_start3A_151, %dma_start3A_152] : memref<640x64xf32, #tpu.memory_space<vmem>> -> memref<128x64xf32, #tpu.memory_space<vmem>>
      %dma_start3A_154 = arith.constant 0 : i32
      %dma_start3A_155 = tpu.memref_slice %arg9[%add3A_124, %dma_start3A_154] : memref<10240x64xf32, #tpu.memory_space<vmem_shared>> -> memref<128x64xf32, #tpu.memory_space<vmem_shared>>
      tpu.enqueue_dma source(%dma_start3A_155 : memref<128x64xf32, #tpu.memory_space<vmem_shared>>) target(%dma_start3A_153 : memref<128x64xf32, #tpu.memory_space<vmem>>) target_semaphore(%run_scoped3A : memref<!tpu.dma_semaphore, #tpu.memory_space<semaphore_mem>>)
      %dma_wait3A_156 = arith.constant 0 : i32
      %dma_wait3A_157 = arith.constant 0 : i32
      %dma_wait3A_158 = tpu.memref_slice %arg8[%dma_wait3A_156, %dma_wait3A_157] : memref<640x64xf32, #tpu.memory_space<vmem>> -> memref<128x64xf32, #tpu.memory_space<vmem>>
      %dma_wait3A_159 = arith.constant 0 : i32
      %dma_wait3A_160 = tpu.memref_slice %arg9[%add3A_124, %dma_wait3A_159] : memref<10240x64xf32, #tpu.memory_space<vmem_shared>> -> memref<128x64xf32, #tpu.memory_space<vmem_shared>>
      %dma_wait3A_161 = arith.constant 0 : i32
      %dma_wait3A_162 = arith.constant 0 : i32
      %dma_wait3A_163 = tpu.memref_slice %arg8[%dma_wait3A_161, %dma_wait3A_162] : memref<640x64xf32, #tpu.memory_space<vmem>> -> memref<128x64xf32, #tpu.memory_space<vmem>>
      %dma_wait3A_164 = arith.constant 0 : i32
      %dma_wait3A_165 = tpu.memref_slice %arg9[%add3A_124, %dma_wait3A_164] : memref<10240x64xf32, #tpu.memory_space<vmem_shared>> -> memref<128x64xf32, #tpu.memory_space<vmem_shared>>
      tpu.wait_dma2 semaphore(%run_scoped3A : memref<!tpu.dma_semaphore, #tpu.memory_space<semaphore_mem>>) src(%dma_wait3A_165 : memref<128x64xf32, #tpu.memory_space<vmem_shared>>) dst(%dma_wait3A_163 : memref<128x64xf32, #tpu.memory_space<vmem>>)
      tpu.yield
    }) : () -> ()
    %add3A_125 = arith.addi %mul3A_1, %add3A_124 : i32
    "tpu.region"() ({
      %run_scoped3A = tpu.sem_alloc : memref<!tpu.dma_semaphore, #tpu.memory_space<semaphore_mem>>
      %dma_start3A_146 = arith.constant 0 : i32
      %dma_start3A_147 = arith.constant 0 : i32
      %dma_start3A_148 = tpu.memref_slice %arg8[%dma_start3A_146, %dma_start3A_147] : memref<640x64xf32, #tpu.memory_space<vmem>> -> memref<128x64xf32, #tpu.memory_space<vmem>>
      %dma_start3A_149 = arith.constant 0 : i32
      %dma_start3A_150 = tpu.memref_slice %arg5[%add3A_125, %dma_start3A_149] : memref<20480x64xf32, #tpu.memory_space<hbm>> -> memref<128x64xf32, #tpu.memory_space<hbm>>
      %dma_start3A_151 = arith.constant 0 : i32
      %dma_start3A_152 = tpu.memref_slice %arg5[%add3A_125, %dma_start3A_151] : memref<20480x64xf32, #tpu.memory_space<hbm>> -> memref<128x64xf32, #tpu.memory_space<hbm>>
      %dma_start3A_153 = arith.constant 0 : i32
      %dma_start3A_154 = arith.constant 0 : i32
      %dma_start3A_155 = tpu.memref_slice %arg8[%dma_start3A_153, %dma_start3A_154] : memref<640x64xf32, #tpu.memory_space<vmem>> -> memref<128x64xf32, #tpu.memory_space<vmem>>
      tpu.enqueue_dma source(%dma_start3A_155 : memref<128x64xf32, #tpu.memory_space<vmem>>) target(%dma_start3A_152 : memref<128x64xf32, #tpu.memory_space<hbm>>) target_semaphore(%run_scoped3A : memref<!tpu.dma_semaphore, #tpu.memory_space<semaphore_mem>>)
      %dma_wait3A_156 = arith.constant 0 : i32
      %dma_wait3A_157 = arith.constant 0 : i32
      %dma_wait3A_158 = tpu.memref_slice %arg8[%dma_wait3A_156, %dma_wait3A_157] : memref<640x64xf32, #tpu.memory_space<vmem>> -> memref<128x64xf32, #tpu.memory_space<vmem>>
      %dma_wait3A_159 = arith.constant 0 : i32
      %dma_wait3A_160 = tpu.memref_slice %arg5[%add3A_125, %dma_wait3A_159] : memref<20480x64xf32, #tpu.memory_space<hbm>> -> memref<128x64xf32, #tpu.memory_space<hbm>>
      %dma_wait3A_161 = arith.constant 0 : i32
      %dma_wait3A_162 = tpu.memref_slice %arg5[%add3A_125, %dma_wait3A_161] : memref<20480x64xf32, #tpu.memory_space<hbm>> -> memref<128x64xf32, #tpu.memory_space<hbm>>
      %dma_wait3A_163 = arith.constant 0 : i32
      %dma_wait3A_164 = arith.constant 0 : i32
      %dma_wait3A_165 = tpu.memref_slice %arg8[%dma_wait3A_163, %dma_wait3A_164] : memref<640x64xf32, #tpu.memory_space<vmem>> -> memref<128x64xf32, #tpu.memory_space<vmem>>
      tpu.wait_dma2 semaphore(%run_scoped3A : memref<!tpu.dma_semaphore, #tpu.memory_space<semaphore_mem>>) src(%dma_wait3A_165 : memref<128x64xf32, #tpu.memory_space<vmem>>) dst(%dma_wait3A_162 : memref<128x64xf32, #tpu.memory_space<hbm>>)
      tpu.yield
    }) : () -> ()
    %mul3A_126 = arith.constant 640 : i32
    %mul3A_127 = arith.muli %arg1, %mul3A_126 : i32
    %add3A_128 = arith.constant 128 : i32
    %add3A_129 = arith.addi %mul3A_127, %add3A_128 : i32
    "tpu.region"() ({
      %run_scoped3A = tpu.sem_alloc : memref<!tpu.dma_semaphore, #tpu.memory_space<semaphore_mem>>
      %dma_start3A_146 = arith.constant 128 : i32
      %dma_start3A_147 = arith.constant 0 : i32
      %dma_start3A_148 = tpu.memref_slice %arg8[%dma_start3A_146, %dma_start3A_147] : memref<640x64xf32, #tpu.memory_space<vmem>> -> memref<128x64xf32, #tpu.memory_space<vmem>>
      %dma_start3A_149 = arith.constant 0 : i32
      %dma_start3A_150 = tpu.memref_slice %arg9[%add3A_129, %dma_start3A_149] : memref<10240x64xf32, #tpu.memory_space<vmem_shared>> -> memref<128x64xf32, #tpu.memory_space<vmem_shared>>
      %dma_start3A_151 = arith.constant 128 : i32
      %dma_start3A_152 = arith.constant 0 : i32
      %dma_start3A_153 = tpu.memref_slice %arg8[%dma_start3A_151, %dma_start3A_152] : memref<640x64xf32, #tpu.memory_space<vmem>> -> memref<128x64xf32, #tpu.memory_space<vmem>>
      %dma_start3A_154 = arith.constant 0 : i32
      %dma_start3A_155 = tpu.memref_slice %arg9[%add3A_129, %dma_start3A_154] : memref<10240x64xf32, #tpu.memory_space<vmem_shared>> -> memref<128x64xf32, #tpu.memory_space<vmem_shared>>
      tpu.enqueue_dma source(%dma_start3A_155 : memref<128x64xf32, #tpu.memory_space<vmem_shared>>) target(%dma_start3A_153 : memref<128x64xf32, #tpu.memory_space<vmem>>) target_semaphore(%run_scoped3A : memref<!tpu.dma_semaphore, #tpu.memory_space<semaphore_mem>>)
      %dma_wait3A_156 = arith.constant 128 : i32
      %dma_wait3A_157 = arith.constant 0 : i32
      %dma_wait3A_158 = tpu.memref_slice %arg8[%dma_wait3A_156, %dma_wait3A_157] : memref<640x64xf32, #tpu.memory_space<vmem>> -> memref<128x64xf32, #tpu.memory_space<vmem>>
      %dma_wait3A_159 = arith.constant 0 : i32
      %dma_wait3A_160 = tpu.memref_slice %arg9[%add3A_129, %dma_wait3A_159] : memref<10240x64xf32, #tpu.memory_space<vmem_shared>> -> memref<128x64xf32, #tpu.memory_space<vmem_shared>>
      %dma_wait3A_161 = arith.constant 128 : i32
      %dma_wait3A_162 = arith.constant 0 : i32
      %dma_wait3A_163 = tpu.memref_slice %arg8[%dma_wait3A_161, %dma_wait3A_162] : memref<640x64xf32, #tpu.memory_space<vmem>> -> memref<128x64xf32, #tpu.memory_space<vmem>>
      %dma_wait3A_164 = arith.constant 0 : i32
      %dma_wait3A_165 = tpu.memref_slice %arg9[%add3A_129, %dma_wait3A_164] : memref<10240x64xf32, #tpu.memory_space<vmem_shared>> -> memref<128x64xf32, #tpu.memory_space<vmem_shared>>
      tpu.wait_dma2 semaphore(%run_scoped3A : memref<!tpu.dma_semaphore, #tpu.memory_space<semaphore_mem>>) src(%dma_wait3A_165 : memref<128x64xf32, #tpu.memory_space<vmem_shared>>) dst(%dma_wait3A_163 : memref<128x64xf32, #tpu.memory_space<vmem>>)
      tpu.yield
    }) : () -> ()
    %add3A_130 = arith.addi %mul3A_1, %add3A_129 : i32
    "tpu.region"() ({
      %run_scoped3A = tpu.sem_alloc : memref<!tpu.dma_semaphore, #tpu.memory_space<semaphore_mem>>
      %dma_start3A_146 = arith.constant 128 : i32
      %dma_start3A_147 = arith.constant 0 : i32
      %dma_start3A_148 = tpu.memref_slice %arg8[%dma_start3A_146, %dma_start3A_147] : memref<640x64xf32, #tpu.memory_space<vmem>> -> memref<128x64xf32, #tpu.memory_space<vmem>>
      %dma_start3A_149 = arith.constant 0 : i32
      %dma_start3A_150 = tpu.memref_slice %arg5[%add3A_130, %dma_start3A_149] : memref<20480x64xf32, #tpu.memory_space<hbm>> -> memref<128x64xf32, #tpu.memory_space<hbm>>
      %dma_start3A_151 = arith.constant 0 : i32
      %dma_start3A_152 = tpu.memref_slice %arg5[%add3A_130, %dma_start3A_151] : memref<20480x64xf32, #tpu.memory_space<hbm>> -> memref<128x64xf32, #tpu.memory_space<hbm>>
      %dma_start3A_153 = arith.constant 128 : i32
      %dma_start3A_154 = arith.constant 0 : i32
      %dma_start3A_155 = tpu.memref_slice %arg8[%dma_start3A_153, %dma_start3A_154] : memref<640x64xf32, #tpu.memory_space<vmem>> -> memref<128x64xf32, #tpu.memory_space<vmem>>
      tpu.enqueue_dma source(%dma_start3A_155 : memref<128x64xf32, #tpu.memory_space<vmem>>) target(%dma_start3A_152 : memref<128x64xf32, #tpu.memory_space<hbm>>) target_semaphore(%run_scoped3A : memref<!tpu.dma_semaphore, #tpu.memory_space<semaphore_mem>>)
      %dma_wait3A_156 = arith.constant 128 : i32
      %dma_wait3A_157 = arith.constant 0 : i32
      %dma_wait3A_158 = tpu.memref_slice %arg8[%dma_wait3A_156, %dma_wait3A_157] : memref<640x64xf32, #tpu.memory_space<vmem>> -> memref<128x64xf32, #tpu.memory_space<vmem>>
      %dma_wait3A_159 = arith.constant 0 : i32
      %dma_wait3A_160 = tpu.memref_slice %arg5[%add3A_130, %dma_wait3A_159] : memref<20480x64xf32, #tpu.memory_space<hbm>> -> memref<128x64xf32, #tpu.memory_space<hbm>>
      %dma_wait3A_161 = arith.constant 0 : i32
      %dma_wait3A_162 = tpu.memref_slice %arg5[%add3A_130, %dma_wait3A_161] : memref<20480x64xf32, #tpu.memory_space<hbm>> -> memref<128x64xf32, #tpu.memory_space<hbm>>
      %dma_wait3A_163 = arith.constant 128 : i32
      %dma_wait3A_164 = arith.constant 0 : i32
      %dma_wait3A_165 = tpu.memref_slice %arg8[%dma_wait3A_163, %dma_wait3A_164] : memref<640x64xf32, #tpu.memory_space<vmem>> -> memref<128x64xf32, #tpu.memory_space<vmem>>
      tpu.wait_dma2 semaphore(%run_scoped3A : memref<!tpu.dma_semaphore, #tpu.memory_space<semaphore_mem>>) src(%dma_wait3A_165 : memref<128x64xf32, #tpu.memory_space<vmem>>) dst(%dma_wait3A_162 : memref<128x64xf32, #tpu.memory_space<hbm>>)
      tpu.yield
    }) : () -> ()
    %mul3A_131 = arith.constant 640 : i32
    %mul3A_132 = arith.muli %arg1, %mul3A_131 : i32
    %add3A_133 = arith.constant 256 : i32
    %add3A_134 = arith.addi %mul3A_132, %add3A_133 : i32
    "tpu.region"() ({
      %run_scoped3A = tpu.sem_alloc : memref<!tpu.dma_semaphore, #tpu.memory_space<semaphore_mem>>
      %dma_start3A_146 = arith.constant 256 : i32
      %dma_start3A_147 = arith.constant 0 : i32
      %dma_start3A_148 = tpu.memref_slice %arg8[%dma_start3A_146, %dma_start3A_147] : memref<640x64xf32, #tpu.memory_space<vmem>> -> memref<128x64xf32, #tpu.memory_space<vmem>>
      %dma_start3A_149 = arith.constant 0 : i32
      %dma_start3A_150 = tpu.memref_slice %arg9[%add3A_134, %dma_start3A_149] : memref<10240x64xf32, #tpu.memory_space<vmem_shared>> -> memref<128x64xf32, #tpu.memory_space<vmem_shared>>
      %dma_start3A_151 = arith.constant 256 : i32
      %dma_start3A_152 = arith.constant 0 : i32
      %dma_start3A_153 = tpu.memref_slice %arg8[%dma_start3A_151, %dma_start3A_152] : memref<640x64xf32, #tpu.memory_space<vmem>> -> memref<128x64xf32, #tpu.memory_space<vmem>>
      %dma_start3A_154 = arith.constant 0 : i32
      %dma_start3A_155 = tpu.memref_slice %arg9[%add3A_134, %dma_start3A_154] : memref<10240x64xf32, #tpu.memory_space<vmem_shared>> -> memref<128x64xf32, #tpu.memory_space<vmem_shared>>
      tpu.enqueue_dma source(%dma_start3A_155 : memref<128x64xf32, #tpu.memory_space<vmem_shared>>) target(%dma_start3A_153 : memref<128x64xf32, #tpu.memory_space<vmem>>) target_semaphore(%run_scoped3A : memref<!tpu.dma_semaphore, #tpu.memory_space<semaphore_mem>>)
      %dma_wait3A_156 = arith.constant 256 : i32
      %dma_wait3A_157 = arith.constant 0 : i32
      %dma_wait3A_158 = tpu.memref_slice %arg8[%dma_wait3A_156, %dma_wait3A_157] : memref<640x64xf32, #tpu.memory_space<vmem>> -> memref<128x64xf32, #tpu.memory_space<vmem>>
      %dma_wait3A_159 = arith.constant 0 : i32
      %dma_wait3A_160 = tpu.memref_slice %arg9[%add3A_134, %dma_wait3A_159] : memref<10240x64xf32, #tpu.memory_space<vmem_shared>> -> memref<128x64xf32, #tpu.memory_space<vmem_shared>>
      %dma_wait3A_161 = arith.constant 256 : i32
      %dma_wait3A_162 = arith.constant 0 : i32
      %dma_wait3A_163 = tpu.memref_slice %arg8[%dma_wait3A_161, %dma_wait3A_162] : memref<640x64xf32, #tpu.memory_space<vmem>> -> memref<128x64xf32, #tpu.memory_space<vmem>>
      %dma_wait3A_164 = arith.constant 0 : i32
      %dma_wait3A_165 = tpu.memref_slice %arg9[%add3A_134, %dma_wait3A_164] : memref<10240x64xf32, #tpu.memory_space<vmem_shared>> -> memref<128x64xf32, #tpu.memory_space<vmem_shared>>
      tpu.wait_dma2 semaphore(%run_scoped3A : memref<!tpu.dma_semaphore, #tpu.memory_space<semaphore_mem>>) src(%dma_wait3A_165 : memref<128x64xf32, #tpu.memory_space<vmem_shared>>) dst(%dma_wait3A_163 : memref<128x64xf32, #tpu.memory_space<vmem>>)
      tpu.yield
    }) : () -> ()
    %add3A_135 = arith.addi %mul3A_1, %add3A_134 : i32
    "tpu.region"() ({
      %run_scoped3A = tpu.sem_alloc : memref<!tpu.dma_semaphore, #tpu.memory_space<semaphore_mem>>
      %dma_start3A_146 = arith.constant 256 : i32
      %dma_start3A_147 = arith.constant 0 : i32
      %dma_start3A_148 = tpu.memref_slice %arg8[%dma_start3A_146, %dma_start3A_147] : memref<640x64xf32, #tpu.memory_space<vmem>> -> memref<128x64xf32, #tpu.memory_space<vmem>>
      %dma_start3A_149 = arith.constant 0 : i32
      %dma_start3A_150 = tpu.memref_slice %arg5[%add3A_135, %dma_start3A_149] : memref<20480x64xf32, #tpu.memory_space<hbm>> -> memref<128x64xf32, #tpu.memory_space<hbm>>
      %dma_start3A_151 = arith.constant 0 : i32
      %dma_start3A_152 = tpu.memref_slice %arg5[%add3A_135, %dma_start3A_151] : memref<20480x64xf32, #tpu.memory_space<hbm>> -> memref<128x64xf32, #tpu.memory_space<hbm>>
      %dma_start3A_153 = arith.constant 256 : i32
      %dma_start3A_154 = arith.constant 0 : i32
      %dma_start3A_155 = tpu.memref_slice %arg8[%dma_start3A_153, %dma_start3A_154] : memref<640x64xf32, #tpu.memory_space<vmem>> -> memref<128x64xf32, #tpu.memory_space<vmem>>
      tpu.enqueue_dma source(%dma_start3A_155 : memref<128x64xf32, #tpu.memory_space<vmem>>) target(%dma_start3A_152 : memref<128x64xf32, #tpu.memory_space<hbm>>) target_semaphore(%run_scoped3A : memref<!tpu.dma_semaphore, #tpu.memory_space<semaphore_mem>>)
      %dma_wait3A_156 = arith.constant 256 : i32
      %dma_wait3A_157 = arith.constant 0 : i32
      %dma_wait3A_158 = tpu.memref_slice %arg8[%dma_wait3A_156, %dma_wait3A_157] : memref<640x64xf32, #tpu.memory_space<vmem>> -> memref<128x64xf32, #tpu.memory_space<vmem>>
      %dma_wait3A_159 = arith.constant 0 : i32
      %dma_wait3A_160 = tpu.memref_slice %arg5[%add3A_135, %dma_wait3A_159] : memref<20480x64xf32, #tpu.memory_space<hbm>> -> memref<128x64xf32, #tpu.memory_space<hbm>>
      %dma_wait3A_161 = arith.constant 0 : i32
      %dma_wait3A_162 = tpu.memref_slice %arg5[%add3A_135, %dma_wait3A_161] : memref<20480x64xf32, #tpu.memory_space<hbm>> -> memref<128x64xf32, #tpu.memory_space<hbm>>
      %dma_wait3A_163 = arith.constant 256 : i32
      %dma_wait3A_164 = arith.constant 0 : i32
      %dma_wait3A_165 = tpu.memref_slice %arg8[%dma_wait3A_163, %dma_wait3A_164] : memref<640x64xf32, #tpu.memory_space<vmem>> -> memref<128x64xf32, #tpu.memory_space<vmem>>
      tpu.wait_dma2 semaphore(%run_scoped3A : memref<!tpu.dma_semaphore, #tpu.memory_space<semaphore_mem>>) src(%dma_wait3A_165 : memref<128x64xf32, #tpu.memory_space<vmem>>) dst(%dma_wait3A_162 : memref<128x64xf32, #tpu.memory_space<hbm>>)
      tpu.yield
    }) : () -> ()
    %mul3A_136 = arith.constant 640 : i32
    %mul3A_137 = arith.muli %arg1, %mul3A_136 : i32
    %add3A_138 = arith.constant 384 : i32
    %add3A_139 = arith.addi %mul3A_137, %add3A_138 : i32
    "tpu.region"() ({
      %run_scoped3A = tpu.sem_alloc : memref<!tpu.dma_semaphore, #tpu.memory_space<semaphore_mem>>
      %dma_start3A_146 = arith.constant 384 : i32
      %dma_start3A_147 = arith.constant 0 : i32
      %dma_start3A_148 = tpu.memref_slice %arg8[%dma_start3A_146, %dma_start3A_147] : memref<640x64xf32, #tpu.memory_space<vmem>> -> memref<128x64xf32, #tpu.memory_space<vmem>>
      %dma_start3A_149 = arith.constant 0 : i32
      %dma_start3A_150 = tpu.memref_slice %arg9[%add3A_139, %dma_start3A_149] : memref<10240x64xf32, #tpu.memory_space<vmem_shared>> -> memref<128x64xf32, #tpu.memory_space<vmem_shared>>
      %dma_start3A_151 = arith.constant 384 : i32
      %dma_start3A_152 = arith.constant 0 : i32
      %dma_start3A_153 = tpu.memref_slice %arg8[%dma_start3A_151, %dma_start3A_152] : memref<640x64xf32, #tpu.memory_space<vmem>> -> memref<128x64xf32, #tpu.memory_space<vmem>>
      %dma_start3A_154 = arith.constant 0 : i32
      %dma_start3A_155 = tpu.memref_slice %arg9[%add3A_139, %dma_start3A_154] : memref<10240x64xf32, #tpu.memory_space<vmem_shared>> -> memref<128x64xf32, #tpu.memory_space<vmem_shared>>
      tpu.enqueue_dma source(%dma_start3A_155 : memref<128x64xf32, #tpu.memory_space<vmem_shared>>) target(%dma_start3A_153 : memref<128x64xf32, #tpu.memory_space<vmem>>) target_semaphore(%run_scoped3A : memref<!tpu.dma_semaphore, #tpu.memory_space<semaphore_mem>>)
      %dma_wait3A_156 = arith.constant 384 : i32
      %dma_wait3A_157 = arith.constant 0 : i32
      %dma_wait3A_158 = tpu.memref_slice %arg8[%dma_wait3A_156, %dma_wait3A_157] : memref<640x64xf32, #tpu.memory_space<vmem>> -> memref<128x64xf32, #tpu.memory_space<vmem>>
      %dma_wait3A_159 = arith.constant 0 : i32
      %dma_wait3A_160 = tpu.memref_slice %arg9[%add3A_139, %dma_wait3A_159] : memref<10240x64xf32, #tpu.memory_space<vmem_shared>> -> memref<128x64xf32, #tpu.memory_space<vmem_shared>>
      %dma_wait3A_161 = arith.constant 384 : i32
      %dma_wait3A_162 = arith.constant 0 : i32
      %dma_wait3A_163 = tpu.memref_slice %arg8[%dma_wait3A_161, %dma_wait3A_162] : memref<640x64xf32, #tpu.memory_space<vmem>> -> memref<128x64xf32, #tpu.memory_space<vmem>>
      %dma_wait3A_164 = arith.constant 0 : i32
      %dma_wait3A_165 = tpu.memref_slice %arg9[%add3A_139, %dma_wait3A_164] : memref<10240x64xf32, #tpu.memory_space<vmem_shared>> -> memref<128x64xf32, #tpu.memory_space<vmem_shared>>
      tpu.wait_dma2 semaphore(%run_scoped3A : memref<!tpu.dma_semaphore, #tpu.memory_space<semaphore_mem>>) src(%dma_wait3A_165 : memref<128x64xf32, #tpu.memory_space<vmem_shared>>) dst(%dma_wait3A_163 : memref<128x64xf32, #tpu.memory_space<vmem>>)
      tpu.yield
    }) : () -> ()
    %add3A_140 = arith.addi %mul3A_1, %add3A_139 : i32
    "tpu.region"() ({
      %run_scoped3A = tpu.sem_alloc : memref<!tpu.dma_semaphore, #tpu.memory_space<semaphore_mem>>
      %dma_start3A_146 = arith.constant 384 : i32
      %dma_start3A_147 = arith.constant 0 : i32
      %dma_start3A_148 = tpu.memref_slice %arg8[%dma_start3A_146, %dma_start3A_147] : memref<640x64xf32, #tpu.memory_space<vmem>> -> memref<128x64xf32, #tpu.memory_space<vmem>>
      %dma_start3A_149 = arith.constant 0 : i32
      %dma_start3A_150 = tpu.memref_slice %arg5[%add3A_140, %dma_start3A_149] : memref<20480x64xf32, #tpu.memory_space<hbm>> -> memref<128x64xf32, #tpu.memory_space<hbm>>
      %dma_start3A_151 = arith.constant 0 : i32
      %dma_start3A_152 = tpu.memref_slice %arg5[%add3A_140, %dma_start3A_151] : memref<20480x64xf32, #tpu.memory_space<hbm>> -> memref<128x64xf32, #tpu.memory_space<hbm>>
      %dma_start3A_153 = arith.constant 384 : i32
      %dma_start3A_154 = arith.constant 0 : i32
      %dma_start3A_155 = tpu.memref_slice %arg8[%dma_start3A_153, %dma_start3A_154] : memref<640x64xf32, #tpu.memory_space<vmem>> -> memref<128x64xf32, #tpu.memory_space<vmem>>
      tpu.enqueue_dma source(%dma_start3A_155 : memref<128x64xf32, #tpu.memory_space<vmem>>) target(%dma_start3A_152 : memref<128x64xf32, #tpu.memory_space<hbm>>) target_semaphore(%run_scoped3A : memref<!tpu.dma_semaphore, #tpu.memory_space<semaphore_mem>>)
      %dma_wait3A_156 = arith.constant 384 : i32
      %dma_wait3A_157 = arith.constant 0 : i32
      %dma_wait3A_158 = tpu.memref_slice %arg8[%dma_wait3A_156, %dma_wait3A_157] : memref<640x64xf32, #tpu.memory_space<vmem>> -> memref<128x64xf32, #tpu.memory_space<vmem>>
      %dma_wait3A_159 = arith.constant 0 : i32
      %dma_wait3A_160 = tpu.memref_slice %arg5[%add3A_140, %dma_wait3A_159] : memref<20480x64xf32, #tpu.memory_space<hbm>> -> memref<128x64xf32, #tpu.memory_space<hbm>>
      %dma_wait3A_161 = arith.constant 0 : i32
      %dma_wait3A_162 = tpu.memref_slice %arg5[%add3A_140, %dma_wait3A_161] : memref<20480x64xf32, #tpu.memory_space<hbm>> -> memref<128x64xf32, #tpu.memory_space<hbm>>
      %dma_wait3A_163 = arith.constant 384 : i32
      %dma_wait3A_164 = arith.constant 0 : i32
      %dma_wait3A_165 = tpu.memref_slice %arg8[%dma_wait3A_163, %dma_wait3A_164] : memref<640x64xf32, #tpu.memory_space<vmem>> -> memref<128x64xf32, #tpu.memory_space<vmem>>
      tpu.wait_dma2 semaphore(%run_scoped3A : memref<!tpu.dma_semaphore, #tpu.memory_space<semaphore_mem>>) src(%dma_wait3A_165 : memref<128x64xf32, #tpu.memory_space<vmem>>) dst(%dma_wait3A_162 : memref<128x64xf32, #tpu.memory_space<hbm>>)
      tpu.yield
    }) : () -> ()
    %mul3A_141 = arith.constant 640 : i32
    %mul3A_142 = arith.muli %arg1, %mul3A_141 : i32
    %add3A_143 = arith.constant 512 : i32
    %add3A_144 = arith.addi %mul3A_142, %add3A_143 : i32
    "tpu.region"() ({
      %run_scoped3A = tpu.sem_alloc : memref<!tpu.dma_semaphore, #tpu.memory_space<semaphore_mem>>
      %dma_start3A_146 = arith.constant 512 : i32
      %dma_start3A_147 = arith.constant 0 : i32
      %dma_start3A_148 = tpu.memref_slice %arg8[%dma_start3A_146, %dma_start3A_147] : memref<640x64xf32, #tpu.memory_space<vmem>> -> memref<128x64xf32, #tpu.memory_space<vmem>>
      %dma_start3A_149 = arith.constant 0 : i32
      %dma_start3A_150 = tpu.memref_slice %arg9[%add3A_144, %dma_start3A_149] : memref<10240x64xf32, #tpu.memory_space<vmem_shared>> -> memref<128x64xf32, #tpu.memory_space<vmem_shared>>
      %dma_start3A_151 = arith.constant 512 : i32
      %dma_start3A_152 = arith.constant 0 : i32
      %dma_start3A_153 = tpu.memref_slice %arg8[%dma_start3A_151, %dma_start3A_152] : memref<640x64xf32, #tpu.memory_space<vmem>> -> memref<128x64xf32, #tpu.memory_space<vmem>>
      %dma_start3A_154 = arith.constant 0 : i32
      %dma_start3A_155 = tpu.memref_slice %arg9[%add3A_144, %dma_start3A_154] : memref<10240x64xf32, #tpu.memory_space<vmem_shared>> -> memref<128x64xf32, #tpu.memory_space<vmem_shared>>
      tpu.enqueue_dma source(%dma_start3A_155 : memref<128x64xf32, #tpu.memory_space<vmem_shared>>) target(%dma_start3A_153 : memref<128x64xf32, #tpu.memory_space<vmem>>) target_semaphore(%run_scoped3A : memref<!tpu.dma_semaphore, #tpu.memory_space<semaphore_mem>>)
      %dma_wait3A_156 = arith.constant 512 : i32
      %dma_wait3A_157 = arith.constant 0 : i32
      %dma_wait3A_158 = tpu.memref_slice %arg8[%dma_wait3A_156, %dma_wait3A_157] : memref<640x64xf32, #tpu.memory_space<vmem>> -> memref<128x64xf32, #tpu.memory_space<vmem>>
      %dma_wait3A_159 = arith.constant 0 : i32
      %dma_wait3A_160 = tpu.memref_slice %arg9[%add3A_144, %dma_wait3A_159] : memref<10240x64xf32, #tpu.memory_space<vmem_shared>> -> memref<128x64xf32, #tpu.memory_space<vmem_shared>>
      %dma_wait3A_161 = arith.constant 512 : i32
      %dma_wait3A_162 = arith.constant 0 : i32
      %dma_wait3A_163 = tpu.memref_slice %arg8[%dma_wait3A_161, %dma_wait3A_162] : memref<640x64xf32, #tpu.memory_space<vmem>> -> memref<128x64xf32, #tpu.memory_space<vmem>>
      %dma_wait3A_164 = arith.constant 0 : i32
      %dma_wait3A_165 = tpu.memref_slice %arg9[%add3A_144, %dma_wait3A_164] : memref<10240x64xf32, #tpu.memory_space<vmem_shared>> -> memref<128x64xf32, #tpu.memory_space<vmem_shared>>
      tpu.wait_dma2 semaphore(%run_scoped3A : memref<!tpu.dma_semaphore, #tpu.memory_space<semaphore_mem>>) src(%dma_wait3A_165 : memref<128x64xf32, #tpu.memory_space<vmem_shared>>) dst(%dma_wait3A_163 : memref<128x64xf32, #tpu.memory_space<vmem>>)
      tpu.yield
    }) : () -> ()
    %add3A_145 = arith.addi %mul3A_1, %add3A_144 : i32
    "tpu.region"() ({
      %run_scoped3A = tpu.sem_alloc : memref<!tpu.dma_semaphore, #tpu.memory_space<semaphore_mem>>
      %dma_start3A_146 = arith.constant 512 : i32
      %dma_start3A_147 = arith.constant 0 : i32
      %dma_start3A_148 = tpu.memref_slice %arg8[%dma_start3A_146, %dma_start3A_147] : memref<640x64xf32, #tpu.memory_space<vmem>> -> memref<128x64xf32, #tpu.memory_space<vmem>>
      %dma_start3A_149 = arith.constant 0 : i32
      %dma_start3A_150 = tpu.memref_slice %arg5[%add3A_145, %dma_start3A_149] : memref<20480x64xf32, #tpu.memory_space<hbm>> -> memref<128x64xf32, #tpu.memory_space<hbm>>
      %dma_start3A_151 = arith.constant 0 : i32
      %dma_start3A_152 = tpu.memref_slice %arg5[%add3A_145, %dma_start3A_151] : memref<20480x64xf32, #tpu.memory_space<hbm>> -> memref<128x64xf32, #tpu.memory_space<hbm>>
      %dma_start3A_153 = arith.constant 512 : i32
      %dma_start3A_154 = arith.constant 0 : i32
      %dma_start3A_155 = tpu.memref_slice %arg8[%dma_start3A_153, %dma_start3A_154] : memref<640x64xf32, #tpu.memory_space<vmem>> -> memref<128x64xf32, #tpu.memory_space<vmem>>
      tpu.enqueue_dma source(%dma_start3A_155 : memref<128x64xf32, #tpu.memory_space<vmem>>) target(%dma_start3A_152 : memref<128x64xf32, #tpu.memory_space<hbm>>) target_semaphore(%run_scoped3A : memref<!tpu.dma_semaphore, #tpu.memory_space<semaphore_mem>>)
      %dma_wait3A_156 = arith.constant 512 : i32
      %dma_wait3A_157 = arith.constant 0 : i32
      %dma_wait3A_158 = tpu.memref_slice %arg8[%dma_wait3A_156, %dma_wait3A_157] : memref<640x64xf32, #tpu.memory_space<vmem>> -> memref<128x64xf32, #tpu.memory_space<vmem>>
      %dma_wait3A_159 = arith.constant 0 : i32
      %dma_wait3A_160 = tpu.memref_slice %arg5[%add3A_145, %dma_wait3A_159] : memref<20480x64xf32, #tpu.memory_space<hbm>> -> memref<128x64xf32, #tpu.memory_space<hbm>>
      %dma_wait3A_161 = arith.constant 0 : i32
      %dma_wait3A_162 = tpu.memref_slice %arg5[%add3A_145, %dma_wait3A_161] : memref<20480x64xf32, #tpu.memory_space<hbm>> -> memref<128x64xf32, #tpu.memory_space<hbm>>
      %dma_wait3A_163 = arith.constant 512 : i32
      %dma_wait3A_164 = arith.constant 0 : i32
      %dma_wait3A_165 = tpu.memref_slice %arg8[%dma_wait3A_163, %dma_wait3A_164] : memref<640x64xf32, #tpu.memory_space<vmem>> -> memref<128x64xf32, #tpu.memory_space<vmem>>
      tpu.wait_dma2 semaphore(%run_scoped3A : memref<!tpu.dma_semaphore, #tpu.memory_space<semaphore_mem>>) src(%dma_wait3A_165 : memref<128x64xf32, #tpu.memory_space<vmem>>) dst(%dma_wait3A_162 : memref<128x64xf32, #tpu.memory_space<hbm>>)
      tpu.yield
    }) : () -> ()
    return
  }
}

#map = affine_map<(d0, d1) -> (0, 0)>
module attributes {stable_mosaic.version = 14 : i64} {
  func.func @k(%arg0: i32, %arg1: i32, %arg2: memref<2560x128xi32, #tpu.memory_space<hbm>>, %arg3: memref<20480x16xf32, #tpu.memory_space<hbm>>, %arg4: memref<80x128xi32, #tpu.memory_space<vmem>>, %arg5: memref<128x16xf32, #tpu.memory_space<vmem>>, %arg6: memref<640x16xf32, #tpu.memory_space<vmem>>, %arg7: memref<10240x16xf32, #tpu.memory_space<vmem_shared>>, %arg8: memref<!tpu.dma_semaphore, #tpu.memory_space<semaphore_mem>>, %arg9: memref<!tpu.dma_semaphore, #tpu.memory_space<semaphore_mem>>, %arg10: memref<!tpu.dma_semaphore, #tpu.memory_space<semaphore_mem>>) attributes {dimension_semantics = [#tpu.dimension_semantics<core_parallel>, #tpu.dimension_semantics<subcore_parallel>], iteration_bounds = array<i64: 2, 16>, scalar_prefetch = 0 : i64, scratch_operands = 7 : i64, tpu.core_type = #tpu.core_type<sc_vector_subcore>, window_params = [{transform_indices = #map}, {transform_indices = #map}]} {
    %mul3A = arith.constant 16 : i32
    %mul3A_0 = arith.muli %arg0, %mul3A : i32
    %add3A = arith.addi %mul3A_0, %arg1 : i32
    %broadcast_in_dim3A = arith.constant 0.000000e+00 : f32
    %broadcast_in_dim3A_1 = vector.broadcast %broadcast_in_dim3A : f32 to vector<16xf32>
    %iota3A = tpu.iota {dimensions = array<i32: 0>} : vector<16xi32>
    %eq3A = arith.constant 0 : i32
    %eq3A_2 = vector.broadcast %eq3A : i32 to vector<16xi32>
    %eq3A_3 = arith.cmpi eq, %iota3A, %eq3A_2 : vector<16xi32>
    %jit3A = arith.constant 1.000000e+00 : f32
    %jit3A_4 = arith.constant 0.000000e+00 : f32
    %broadcast_in_dim3A_5 = vector.broadcast %jit3A : f32 to vector<16xf32>
    %broadcast_in_dim3A_6 = vector.broadcast %jit3A_4 : f32 to vector<16xf32>
    %select_n3A = arith.select %eq3A_3, %broadcast_in_dim3A_5, %broadcast_in_dim3A_6 : vector<16xi1>, vector<16xf32>
    %mul3A_7 = arith.constant 80 : i32
    %mul3A_8 = arith.muli %add3A, %mul3A_7 : i32
    "tpu.region"() ({
      %run_scoped3A = tpu.sem_alloc : memref<!tpu.dma_semaphore, #tpu.memory_space<semaphore_mem>>
      %dma_start3A = arith.constant 0 : i32
      %dma_start3A_42 = tpu.memref_slice %arg2[%mul3A_8, %dma_start3A] : memref<2560x128xi32, #tpu.memory_space<hbm>> -> memref<80x128xi32, #tpu.memory_space<hbm>>
      %dma_start3A_43 = arith.constant 0 : i32
      %dma_start3A_44 = tpu.memref_slice %arg2[%mul3A_8, %dma_start3A_43] : memref<2560x128xi32, #tpu.memory_space<hbm>> -> memref<80x128xi32, #tpu.memory_space<hbm>>
      tpu.enqueue_dma source(%dma_start3A_44 : memref<80x128xi32, #tpu.memory_space<hbm>>) target(%arg4 : memref<80x128xi32, #tpu.memory_space<vmem>>) target_semaphore(%run_scoped3A : memref<!tpu.dma_semaphore, #tpu.memory_space<semaphore_mem>>)
      %dma_wait3A = arith.constant 0 : i32
      %dma_wait3A_45 = tpu.memref_slice %arg2[%mul3A_8, %dma_wait3A] : memref<2560x128xi32, #tpu.memory_space<hbm>> -> memref<80x128xi32, #tpu.memory_space<hbm>>
      %dma_wait3A_46 = arith.constant 0 : i32
      %dma_wait3A_47 = tpu.memref_slice %arg2[%mul3A_8, %dma_wait3A_46] : memref<2560x128xi32, #tpu.memory_space<hbm>> -> memref<80x128xi32, #tpu.memory_space<hbm>>
      tpu.wait_dma2 semaphore(%run_scoped3A : memref<!tpu.dma_semaphore, #tpu.memory_space<semaphore_mem>>) src(%dma_wait3A_47 : memref<80x128xi32, #tpu.memory_space<hbm>>) dst(%arg4 : memref<80x128xi32, #tpu.memory_space<vmem>>)
      tpu.yield
    }) : () -> ()
    %scan3A = arith.constant 0 : i32
    %scan3A_9 = arith.constant 0 : i32
    %scan3A_10 = arith.constant 128 : i32
    %scan3A_11 = arith.addi %scan3A_9, %scan3A_10 : i32
    %scan3A_12 = arith.constant 1 : i32
    scf.for %scan3A_42 = %scan3A_9 to %scan3A_11 step %scan3A_12  : i32 {
      %swap3A = arith.index_cast %scan3A_42 : i32 to index
      %swap3A_43 = arith.constant 0 : index
      %swap3A_44 = tpu.vector_load %arg5[%swap3A, %swap3A_43] {strides = array<i32>} : memref<128x16xf32, #tpu.memory_space<vmem>>, vector<1x16xf32>,
      %swap3A_45 = vector.shape_cast %swap3A_44 : vector<1x16xf32> to vector<16xf32>
      %swap3A_46 = vector.shape_cast %select_n3A : vector<16xf32> to vector<1x16xf32>
      tpu.vector_store %arg5[%swap3A, %swap3A_43], %swap3A_46 {strides = array<i32>} : memref<128x16xf32, #tpu.memory_space<vmem>>, vector<1x16xf32>,
    }
    %scan3A_13 = arith.constant 128 : i32
    %scan3A_14 = arith.constant 0 : i32
    %scan3A_15 = arith.constant 0 : i32
    %scan3A_16 = arith.constant 640 : i32
    %scan3A_17 = arith.addi %scan3A_15, %scan3A_16 : i32
    %scan3A_18 = arith.constant 1 : i32
    scf.for %scan3A_42 = %scan3A_15 to %scan3A_17 step %scan3A_18  : i32 {
      %swap3A = arith.index_cast %scan3A_42 : i32 to index
      %swap3A_43 = arith.constant 0 : index
      %swap3A_44 = tpu.vector_load %arg6[%swap3A, %swap3A_43] {strides = array<i32>} : memref<640x16xf32, #tpu.memory_space<vmem>>, vector<1x16xf32>,
      %swap3A_45 = vector.shape_cast %swap3A_44 : vector<1x16xf32> to vector<16xf32>
      %swap3A_46 = vector.shape_cast %broadcast_in_dim3A_1 : vector<16xf32> to vector<1x16xf32>
      tpu.vector_store %arg6[%swap3A, %swap3A_43], %swap3A_46 {strides = array<i32>} : memref<640x16xf32, #tpu.memory_space<vmem>>, vector<1x16xf32>,
    }
    %scan3A_19 = arith.constant 640 : i32
    %mul3A_20 = arith.constant 640 : i32
    %mul3A_21 = arith.muli %arg1, %mul3A_20 : i32
    "tpu.region"() ({
      %run_scoped3A = tpu.sem_alloc : memref<!tpu.dma_semaphore, #tpu.memory_space<semaphore_mem>>
      %dma_start3A = arith.constant 0 : i32
      %dma_start3A_42 = tpu.memref_slice %arg7[%mul3A_21, %dma_start3A] : memref<10240x16xf32, #tpu.memory_space<vmem_shared>> -> memref<640x16xf32, #tpu.memory_space<vmem_shared>>
      %dma_start3A_43 = arith.constant 0 : i32
      %dma_start3A_44 = tpu.memref_slice %arg7[%mul3A_21, %dma_start3A_43] : memref<10240x16xf32, #tpu.memory_space<vmem_shared>> -> memref<640x16xf32, #tpu.memory_space<vmem_shared>>
      tpu.enqueue_dma source(%arg6 : memref<640x16xf32, #tpu.memory_space<vmem>>) target(%dma_start3A_44 : memref<640x16xf32, #tpu.memory_space<vmem_shared>>) target_semaphore(%run_scoped3A : memref<!tpu.dma_semaphore, #tpu.memory_space<semaphore_mem>>)
      %dma_wait3A = arith.constant 0 : i32
      %dma_wait3A_45 = tpu.memref_slice %arg7[%mul3A_21, %dma_wait3A] : memref<10240x16xf32, #tpu.memory_space<vmem_shared>> -> memref<640x16xf32, #tpu.memory_space<vmem_shared>>
      %dma_wait3A_46 = arith.constant 0 : i32
      %dma_wait3A_47 = tpu.memref_slice %arg7[%mul3A_21, %dma_wait3A_46] : memref<10240x16xf32, #tpu.memory_space<vmem_shared>> -> memref<640x16xf32, #tpu.memory_space<vmem_shared>>
      tpu.wait_dma2 semaphore(%run_scoped3A : memref<!tpu.dma_semaphore, #tpu.memory_space<semaphore_mem>>) src(%arg6 : memref<640x16xf32, #tpu.memory_space<vmem>>) dst(%dma_wait3A_47 : memref<640x16xf32, #tpu.memory_space<vmem_shared>>)
      tpu.yield
    }) : () -> ()
    %barrier3A = arith.constant 0 : index
    tpu.barrier barrier_id(%barrier3A)
    %scan3A_22 = arith.constant 0 : i32
    %scan3A_23 = arith.constant 0 : i32
    %scan3A_24 = arith.constant 80 : i32
    %scan3A_25 = arith.addi %scan3A_23, %scan3A_24 : i32
    %scan3A_26 = arith.constant 1 : i32
    scf.for %scan3A_42 = %scan3A_23 to %scan3A_25 step %scan3A_26  : i32 {
      %dma_start3A = arith.constant 0 : i32
      %dma_start3A_43 = tpu.memref_slice %arg4[%scan3A_42, %dma_start3A] : memref<80x128xi32, #tpu.memory_space<vmem>> -> memref<1x128xi32, #tpu.memory_space<vmem>>
      %dma_start3A_44 = tpu.memref_squeeze %dma_start3A_43 : memref<1x128xi32, #tpu.memory_space<vmem>> -> memref<128xi32, #tpu.memory_space<vmem>>
      %dma_start3A_45 = arith.constant 0 : i32
      %dma_start3A_46 = arith.constant 0 : i32
      %dma_start3A_47 = tpu.memref_slice %arg7[%dma_start3A_45, %dma_start3A_46] : memref<10240x16xf32, #tpu.memory_space<vmem_shared>> -> memref<10240x16xf32, #tpu.memory_space<vmem_shared>>
      tpu.enqueue_indirect_dma source(%arg5 : memref<128x16xf32, #tpu.memory_space<vmem>>) target(%dma_start3A_47 : memref<10240x16xf32, #tpu.memory_space<vmem_shared>>) offsets(%dma_start3A_44 : memref<128xi32, #tpu.memory_space<vmem>>) semaphore(%arg8 : memref<!tpu.dma_semaphore, #tpu.memory_space<semaphore_mem>>) {add = true}
    }
    %scan3A_27 = arith.constant 80 : i32
    %scan3A_28 = arith.constant 0 : i32
    %scan3A_29 = arith.constant 0 : i32
    %scan3A_30 = arith.constant 80 : i32
    %scan3A_31 = arith.addi %scan3A_29, %scan3A_30 : i32
    %scan3A_32 = arith.constant 1 : i32
    scf.for %scan3A_42 = %scan3A_29 to %scan3A_31 step %scan3A_32  : i32 {
      %dma_wait3A = arith.constant 0 : i32
      %dma_wait3A_43 = arith.constant 0 : i32
      %dma_wait3A_44 = tpu.memref_slice %arg3[%dma_wait3A, %dma_wait3A_43] : memref<20480x16xf32, #tpu.memory_space<hbm>> -> memref<128x16xf32, #tpu.memory_space<hbm>>
      %dma_wait3A_45 = arith.constant 0 : i32
      %dma_wait3A_46 = arith.constant 0 : i32
      %dma_wait3A_47 = tpu.memref_slice %arg3[%dma_wait3A_45, %dma_wait3A_46] : memref<20480x16xf32, #tpu.memory_space<hbm>> -> memref<128x16xf32, #tpu.memory_space<hbm>>
      tpu.wait_dma2 semaphore(%arg8 : memref<!tpu.dma_semaphore, #tpu.memory_space<semaphore_mem>>) src(%dma_wait3A_47 : memref<128x16xf32, #tpu.memory_space<hbm>>) dst(%arg5 : memref<128x16xf32, #tpu.memory_space<vmem>>)
    }
    %scan3A_33 = arith.constant 80 : i32
    %barrier3A_34 = arith.constant 0 : index
    tpu.barrier barrier_id(%barrier3A_34)
    %mul3A_35 = arith.constant 640 : i32
    %mul3A_36 = arith.muli %arg1, %mul3A_35 : i32
    "tpu.region"() ({
      %run_scoped3A = tpu.sem_alloc : memref<!tpu.dma_semaphore, #tpu.memory_space<semaphore_mem>>
      %dma_start3A = arith.constant 0 : i32
      %dma_start3A_42 = tpu.memref_slice %arg7[%mul3A_36, %dma_start3A] : memref<10240x16xf32, #tpu.memory_space<vmem_shared>> -> memref<640x16xf32, #tpu.memory_space<vmem_shared>>
      %dma_start3A_43 = arith.constant 0 : i32
      %dma_start3A_44 = tpu.memref_slice %arg7[%mul3A_36, %dma_start3A_43] : memref<10240x16xf32, #tpu.memory_space<vmem_shared>> -> memref<640x16xf32, #tpu.memory_space<vmem_shared>>
      tpu.enqueue_dma source(%dma_start3A_44 : memref<640x16xf32, #tpu.memory_space<vmem_shared>>) target(%arg6 : memref<640x16xf32, #tpu.memory_space<vmem>>) target_semaphore(%run_scoped3A : memref<!tpu.dma_semaphore, #tpu.memory_space<semaphore_mem>>)
      %dma_wait3A = arith.constant 0 : i32
      %dma_wait3A_45 = tpu.memref_slice %arg7[%mul3A_36, %dma_wait3A] : memref<10240x16xf32, #tpu.memory_space<vmem_shared>> -> memref<640x16xf32, #tpu.memory_space<vmem_shared>>
      %dma_wait3A_46 = arith.constant 0 : i32
      %dma_wait3A_47 = tpu.memref_slice %arg7[%mul3A_36, %dma_wait3A_46] : memref<10240x16xf32, #tpu.memory_space<vmem_shared>> -> memref<640x16xf32, #tpu.memory_space<vmem_shared>>
      tpu.wait_dma2 semaphore(%run_scoped3A : memref<!tpu.dma_semaphore, #tpu.memory_space<semaphore_mem>>) src(%dma_wait3A_47 : memref<640x16xf32, #tpu.memory_space<vmem_shared>>) dst(%arg6 : memref<640x16xf32, #tpu.memory_space<vmem>>)
      tpu.yield
    }) : () -> ()
    %mul3A_37 = arith.constant 10240 : i32
    %mul3A_38 = arith.muli %arg0, %mul3A_37 : i32
    %mul3A_39 = arith.constant 640 : i32
    %mul3A_40 = arith.muli %arg1, %mul3A_39 : i32
    %add3A_41 = arith.addi %mul3A_38, %mul3A_40 : i32
    "tpu.region"() ({
      %run_scoped3A = tpu.sem_alloc : memref<!tpu.dma_semaphore, #tpu.memory_space<semaphore_mem>>
      %dma_start3A = arith.constant 0 : i32
      %dma_start3A_42 = tpu.memref_slice %arg3[%add3A_41, %dma_start3A] : memref<20480x16xf32, #tpu.memory_space<hbm>> -> memref<640x16xf32, #tpu.memory_space<hbm>>
      %dma_start3A_43 = arith.constant 0 : i32
      %dma_start3A_44 = tpu.memref_slice %arg3[%add3A_41, %dma_start3A_43] : memref<20480x16xf32, #tpu.memory_space<hbm>> -> memref<640x16xf32, #tpu.memory_space<hbm>>
      tpu.enqueue_dma source(%arg6 : memref<640x16xf32, #tpu.memory_space<vmem>>) target(%dma_start3A_44 : memref<640x16xf32, #tpu.memory_space<hbm>>) target_semaphore(%run_scoped3A : memref<!tpu.dma_semaphore, #tpu.memory_space<semaphore_mem>>)
      %dma_wait3A = arith.constant 0 : i32
      %dma_wait3A_45 = tpu.memref_slice %arg3[%add3A_41, %dma_wait3A] : memref<20480x16xf32, #tpu.memory_space<hbm>> -> memref<640x16xf32, #tpu.memory_space<hbm>>
      %dma_wait3A_46 = arith.constant 0 : i32
      %dma_wait3A_47 = tpu.memref_slice %arg3[%add3A_41, %dma_wait3A_46] : memref<20480x16xf32, #tpu.memory_space<hbm>> -> memref<640x16xf32, #tpu.memory_space<hbm>>
      tpu.wait_dma2 semaphore(%run_scoped3A : memref<!tpu.dma_semaphore, #tpu.memory_space<semaphore_mem>>) src(%arg6 : memref<640x16xf32, #tpu.memory_space<vmem>>) dst(%dma_wait3A_47 : memref<640x16xf32, #tpu.memory_space<hbm>>)
      tpu.yield
    }) : () -> ()
    return
  }
}

module attributes {stable_mosaic.version = 14 : i64} {
  func.func @body(%arg0: i32, %arg1: memref<1280x128xf32, #tpu.memory_space<vmem>>, %arg2: memref<1280x32xf32, #tpu.memory_space<vmem>>, %arg3: memref<128x128xf32, #tpu.memory_space<vmem>>, %arg4: memref<1280x128xf32, #tpu.memory_space<vmem>>) attributes {dimension_semantics = [#tpu.dimension_semantics<arbitrary>], iteration_bounds = array<i64: 8>, scalar_prefetch = 0 : i64, scratch_operands = 0 : i64, tpu.core_type = #tpu.core_type<tc>, window_params = [{transform_indices = @transform_0, window_bounds = array<i64: 1280, 128>}, {transform_indices = @transform_1, window_bounds = array<i64: 1280, 32>}, {pipeline_mode = #tpu.pipeline_mode<synchronous>, transform_indices = @transform_2, window_bounds = array<i64: 128, 128>}, {transform_indices = @transform_3, window_bounds = array<i64: 1280, 128>}]} {
    %get3A = arith.constant 0 : index
    %get3A_0 = arith.constant 0 : index
    %get3A_1 = vector.load %arg2[%get3A, %get3A_0] : memref<1280x32xf32, #tpu.memory_space<vmem>>, vector<1280x32xf32>
    %reduce_sum3A = arith.constant dense<0.000000e+00> : vector<1280xf32>
    %reduce_sum3A_2 = vector.multi_reduction <add>, %get3A_1, %reduce_sum3A [1] : vector<1280x32xf32> to vector<1280xf32>
    %broadcast_in_dim3A = vector.shape_cast %reduce_sum3A_2 : vector<1280xf32> to vector<1280x1xf32>
    %add3A = arith.constant 1.000000e+00 : f32
    %add3A_3 = vector.broadcast %add3A : f32 to vector<1280x1xf32>
    %add3A_4 = arith.addf %add3A_3, %broadcast_in_dim3A : vector<1280x1xf32>
    %mul3A = arith.constant 1280 : i32
    %mul3A_5 = arith.muli %arg0, %mul3A : i32
    %iota3A = tpu.iota {dimensions = array<i32: 0>} : vector<1280x1xi32>
    %add3A_6 = vector.broadcast %mul3A_5 : i32 to vector<1280x1xi32>
    %add3A_7 = arith.addi %add3A_6, %iota3A : vector<1280x1xi32>
    %lt3A = arith.constant 10000 : i32
    %lt3A_8 = vector.broadcast %lt3A : i32 to vector<1280x1xi32>
    %lt3A_9 = arith.cmpi slt, %add3A_7, %lt3A_8 : vector<1280x1xi32>
    %rsqrt3A = math.rsqrt %add3A_4 : vector<1280x1xf32>
    %jit3A = arith.constant 0.000000e+00 : f32
    %broadcast_in_dim3A_10 = vector.broadcast %jit3A : f32 to vector<1280x1xf32>
    %select_n3A = arith.select %lt3A_9, %rsqrt3A, %broadcast_in_dim3A_10 : vector<1280x1xi1>, vector<1280x1xf32>
    %get3A_11 = arith.constant 0 : index
    %get3A_12 = arith.constant 0 : index
    %get3A_13 = vector.load %arg1[%get3A_11, %get3A_12] : memref<1280x128xf32, #tpu.memory_space<vmem>>, vector<1280x128xf32>
    %get3A_14 = arith.constant 0 : index
    %get3A_15 = arith.constant 0 : index
    %get3A_16 = vector.load %arg3[%get3A_14, %get3A_15] : memref<128x128xf32, #tpu.memory_space<vmem>>, vector<128x128xf32>
    %dot_general3A = arith.constant dense<0.000000e+00> : vector<1280x128xf32>
    %dot_general3A_17 = tpu.matmul %get3A_13, %get3A_16, %dot_general3A {dimension_numbers = #tpu.dot_dimension_numbers<[1], [0], [0], [1], [0, 0, 1, 1], [], []>, transpose_lhs_hint = false} : vector<1280x128xf32>, vector<128x128xf32>, vector<1280x128xf32> -> vector<1280x128xf32>
    %mul3A_18 = vector.broadcast %select_n3A : vector<1280x1xf32> to vector<1280x128xf32>
    %mul3A_19 = arith.mulf %mul3A_18, %dot_general3A_17 : vector<1280x128xf32>
    %swap3A = arith.constant 0 : index
    %swap3A_20 = arith.constant 0 : index
    %swap3A_21 = vector.load %arg4[%swap3A, %swap3A_20] : memref<1280x128xf32, #tpu.memory_space<vmem>>, vector<1280x128xf32>
    tpu.vector_store %arg4[%swap3A, %swap3A_20], %mul3A_19 {strides = array<i32>} : memref<1280x128xf32, #tpu.memory_space<vmem>>, vector<1280x128xf32>,
    return
  }
  func.func @transform_0(%arg0: i32) -> (i32, i32) {
    %c0_i32 = arith.constant 0 : i32
    %c0_i32_0 = arith.constant 0 : i32
    return %arg0, %c0_i32 : i32, i32
  }
  func.func @transform_1(%arg0: i32) -> (i32, i32) {
    %c0_i32 = arith.constant 0 : i32
    %c0_i32_0 = arith.constant 0 : i32
    return %arg0, %c0_i32 : i32, i32
  }
  func.func @transform_2(%arg0: i32) -> (i32, i32) {
    %c0_i32 = arith.constant 0 : i32
    %c0_i32_0 = arith.constant 0 : i32
    %c0_i32_1 = arith.constant 0 : i32
    return %c0_i32, %c0_i32_0 : i32, i32
  }
  func.func @transform_3(%arg0: i32) -> (i32, i32) {
    %c0_i32 = arith.constant 0 : i32
    %c0_i32_0 = arith.constant 0 : i32
    return %arg0, %c0_i32 : i32, i32
  }
}

module attributes {stable_mosaic.version = 14 : i64} {
  func.func @body(%arg0: i32, %arg1: memref<1280x128xf32, #tpu.memory_space<vmem>>, %arg2: memref<1280x128xf32, #tpu.memory_space<vmem>>, %arg3: memref<1280x32xf32, #tpu.memory_space<vmem>>, %arg4: memref<1x128xf32, #tpu.memory_space<vmem>>, %arg5: memref<128x128xf32, #tpu.memory_space<vmem>>, %arg6: memref<1280x128xf32, #tpu.memory_space<vmem>>) attributes {dimension_semantics = [#tpu.dimension_semantics<arbitrary>], iteration_bounds = array<i64: 8>, scalar_prefetch = 0 : i64, scratch_operands = 0 : i64, tpu.core_type = #tpu.core_type<tc>, window_params = [{transform_indices = @transform_0, window_bounds = array<i64: 1280, 128>}, {transform_indices = @transform_1, window_bounds = array<i64: 1280, 128>}, {transform_indices = @transform_2, window_bounds = array<i64: 1280, 32>}, {pipeline_mode = #tpu.pipeline_mode<synchronous>, transform_indices = @transform_3, window_bounds = array<i64: 1, 128>}, {pipeline_mode = #tpu.pipeline_mode<synchronous>, transform_indices = @transform_4, window_bounds = array<i64: 128, 128>}, {transform_indices = @transform_5, window_bounds = array<i64: 1280, 128>}]} {
    %get3A = arith.constant 0 : index
    %get3A_0 = arith.constant 0 : index
    %get3A_1 = vector.load %arg3[%get3A, %get3A_0] : memref<1280x32xf32, #tpu.memory_space<vmem>>, vector<1280x32xf32>
    %reduce_sum3A = arith.constant dense<0.000000e+00> : vector<1280xf32>
    %reduce_sum3A_2 = vector.multi_reduction <add>, %get3A_1, %reduce_sum3A [1] : vector<1280x32xf32> to vector<1280xf32>
    %broadcast_in_dim3A = vector.shape_cast %reduce_sum3A_2 : vector<1280xf32> to vector<1280x1xf32>
    %add3A = arith.constant 1.000000e+00 : f32
    %add3A_3 = vector.broadcast %add3A : f32 to vector<1280x1xf32>
    %add3A_4 = arith.addf %add3A_3, %broadcast_in_dim3A : vector<1280x1xf32>
    %mul3A = arith.constant 1280 : i32
    %mul3A_5 = arith.muli %arg0, %mul3A : i32
    %iota3A = tpu.iota {dimensions = array<i32: 0>} : vector<1280x1xi32>
    %add3A_6 = vector.broadcast %mul3A_5 : i32 to vector<1280x1xi32>
    %add3A_7 = arith.addi %add3A_6, %iota3A : vector<1280x1xi32>
    %lt3A = arith.constant 10000 : i32
    %lt3A_8 = vector.broadcast %lt3A : i32 to vector<1280x1xi32>
    %lt3A_9 = arith.cmpi slt, %add3A_7, %lt3A_8 : vector<1280x1xi32>
    %rsqrt3A = math.rsqrt %add3A_4 : vector<1280x1xf32>
    %jit3A = arith.constant 0.000000e+00 : f32
    %broadcast_in_dim3A_10 = vector.broadcast %jit3A : f32 to vector<1280x1xf32>
    %select_n3A = arith.select %lt3A_9, %rsqrt3A, %broadcast_in_dim3A_10 : vector<1280x1xi1>, vector<1280x1xf32>
    %get3A_11 = arith.constant 0 : index
    %get3A_12 = arith.constant 0 : index
    %get3A_13 = vector.load %arg1[%get3A_11, %get3A_12] : memref<1280x128xf32, #tpu.memory_space<vmem>>, vector<1280x128xf32>
    %get3A_14 = arith.constant 0 : index
    %get3A_15 = arith.constant 0 : index
    %get3A_16 = vector.load %arg2[%get3A_14, %get3A_15] : memref<1280x128xf32, #tpu.memory_space<vmem>>, vector<1280x128xf32>
    %add3A_17 = arith.addf %get3A_13, %get3A_16 : vector<1280x128xf32>
    %mul3A_18 = vector.broadcast %select_n3A : vector<1280x1xf32> to vector<1280x128xf32>
    %mul3A_19 = arith.mulf %mul3A_18, %add3A_17 : vector<1280x128xf32>
    %get3A_20 = arith.constant 0 : index
    %get3A_21 = arith.constant 0 : index
    %get3A_22 = vector.load %arg4[%get3A_20, %get3A_21] : memref<1x128xf32, #tpu.memory_space<vmem>>, vector<1x128xf32>
    %add3A_23 = vector.broadcast %get3A_22 : vector<1x128xf32> to vector<1280x128xf32>
    %add3A_24 = arith.addf %mul3A_19, %add3A_23 : vector<1280x128xf32>
    %max3A = arith.constant 0.000000e+00 : f32
    %max3A_25 = vector.broadcast %max3A : f32 to vector<1280x128xf32>
    %max3A_26 = arith.maximumf %add3A_24, %max3A_25 : vector<1280x128xf32>
    %get3A_27 = arith.constant 0 : index
    %get3A_28 = arith.constant 0 : index
    %get3A_29 = vector.load %arg5[%get3A_27, %get3A_28] : memref<128x128xf32, #tpu.memory_space<vmem>>, vector<128x128xf32>
    %dot_general3A = arith.constant dense<0.000000e+00> : vector<1280x128xf32>
    %dot_general3A_30 = tpu.matmul %max3A_26, %get3A_29, %dot_general3A {dimension_numbers = #tpu.dot_dimension_numbers<[1], [0], [0], [1], [0, 0, 1, 1], [], []>, transpose_lhs_hint = false} : vector<1280x128xf32>, vector<128x128xf32>, vector<1280x128xf32> -> vector<1280x128xf32>
    %mul3A_31 = vector.broadcast %select_n3A : vector<1280x1xf32> to vector<1280x128xf32>
    %mul3A_32 = arith.mulf %mul3A_31, %dot_general3A_30 : vector<1280x128xf32>
    %swap3A = arith.constant 0 : index
    %swap3A_33 = arith.constant 0 : index
    %swap3A_34 = vector.load %arg6[%swap3A, %swap3A_33] : memref<1280x128xf32, #tpu.memory_space<vmem>>, vector<1280x128xf32>
    tpu.vector_store %arg6[%swap3A, %swap3A_33], %mul3A_32 {strides = array<i32>} : memref<1280x128xf32, #tpu.memory_space<vmem>>, vector<1280x128xf32>,
    return
  }
  func.func @transform_0(%arg0: i32) -> (i32, i32) {
    %c0_i32 = arith.constant 0 : i32
    %c0_i32_0 = arith.constant 0 : i32
    return %arg0, %c0_i32 : i32, i32
  }
  func.func @transform_1(%arg0: i32) -> (i32, i32) {
    %c0_i32 = arith.constant 0 : i32
    %c0_i32_0 = arith.constant 0 : i32
    return %arg0, %c0_i32 : i32, i32
  }
  func.func @transform_2(%arg0: i32) -> (i32, i32) {
    %c0_i32 = arith.constant 0 : i32
    %c0_i32_0 = arith.constant 0 : i32
    return %arg0, %c0_i32 : i32, i32
  }
  func.func @transform_3(%arg0: i32) -> (i32, i32) {
    %c0_i32 = arith.constant 0 : i32
    %c0_i32_0 = arith.constant 0 : i32
    %c0_i32_1 = arith.constant 0 : i32
    return %c0_i32, %c0_i32_0 : i32, i32
  }
  func.func @transform_4(%arg0: i32) -> (i32, i32) {
    %c0_i32 = arith.constant 0 : i32
    %c0_i32_0 = arith.constant 0 : i32
    %c0_i32_1 = arith.constant 0 : i32
    return %c0_i32, %c0_i32_0 : i32, i32
  }
  func.func @transform_5(%arg0: i32) -> (i32, i32) {
    %c0_i32 = arith.constant 0 : i32
    %c0_i32_0 = arith.constant 0 : i32
    return %arg0, %c0_i32 : i32, i32
  }
}

module attributes {stable_mosaic.version = 14 : i64} {
  func.func @body(%arg0: i32, %arg1: memref<1280x128xf32, #tpu.memory_space<vmem>>, %arg2: memref<1280x128xf32, #tpu.memory_space<vmem>>, %arg3: memref<1280x32xf32, #tpu.memory_space<vmem>>, %arg4: memref<1x128xf32, #tpu.memory_space<vmem>>, %arg5: memref<1280x1xi32, #tpu.memory_space<vmem>>, %arg6: memref<128x128xf32, #tpu.memory_space<vmem>>) attributes {dimension_semantics = [#tpu.dimension_semantics<arbitrary>], iteration_bounds = array<i64: 8>, scalar_prefetch = 0 : i64, scratch_operands = 0 : i64, tpu.core_type = #tpu.core_type<tc>, window_params = [{transform_indices = @transform_0, window_bounds = array<i64: 1280, 128>}, {transform_indices = @transform_1, window_bounds = array<i64: 1280, 128>}, {transform_indices = @transform_2, window_bounds = array<i64: 1280, 32>}, {pipeline_mode = #tpu.pipeline_mode<synchronous>, transform_indices = @transform_3, window_bounds = array<i64: 1, 128>}, {transform_indices = @transform_4, window_bounds = array<i64: 1280, 1>}, {pipeline_mode = #tpu.pipeline_mode<synchronous>, transform_indices = @transform_5, window_bounds = array<i64: 128, 128>}]} {
    %get3A = arith.constant 0 : index
    %get3A_0 = arith.constant 0 : index
    %get3A_1 = vector.load %arg3[%get3A, %get3A_0] : memref<1280x32xf32, #tpu.memory_space<vmem>>, vector<1280x32xf32>
    %reduce_sum3A = arith.constant dense<0.000000e+00> : vector<1280xf32>
    %reduce_sum3A_2 = vector.multi_reduction <add>, %get3A_1, %reduce_sum3A [1] : vector<1280x32xf32> to vector<1280xf32>
    %broadcast_in_dim3A = vector.shape_cast %reduce_sum3A_2 : vector<1280xf32> to vector<1280x1xf32>
    %add3A = arith.constant 1.000000e+00 : f32
    %add3A_3 = vector.broadcast %add3A : f32 to vector<1280x1xf32>
    %add3A_4 = arith.addf %add3A_3, %broadcast_in_dim3A : vector<1280x1xf32>
    %mul3A = arith.constant 1280 : i32
    %mul3A_5 = arith.muli %arg0, %mul3A : i32
    %iota3A = tpu.iota {dimensions = array<i32: 0>} : vector<1280x1xi32>
    %add3A_6 = vector.broadcast %mul3A_5 : i32 to vector<1280x1xi32>
    %add3A_7 = arith.addi %add3A_6, %iota3A : vector<1280x1xi32>
    %lt3A = arith.constant 10000 : i32
    %lt3A_8 = vector.broadcast %lt3A : i32 to vector<1280x1xi32>
    %lt3A_9 = arith.cmpi slt, %add3A_7, %lt3A_8 : vector<1280x1xi32>
    %rsqrt3A = math.rsqrt %add3A_4 : vector<1280x1xf32>
    %jit3A = arith.constant 0.000000e+00 : f32
    %broadcast_in_dim3A_10 = vector.broadcast %jit3A : f32 to vector<1280x1xf32>
    %select_n3A = arith.select %lt3A_9, %rsqrt3A, %broadcast_in_dim3A_10 : vector<1280x1xi1>, vector<1280x1xf32>
    %get3A_11 = arith.constant 0 : index
    %get3A_12 = arith.constant 0 : index
    %get3A_13 = vector.load %arg1[%get3A_11, %get3A_12] : memref<1280x128xf32, #tpu.memory_space<vmem>>, vector<1280x128xf32>
    %get3A_14 = arith.constant 0 : index
    %get3A_15 = arith.constant 0 : index
    %get3A_16 = vector.load %arg2[%get3A_14, %get3A_15] : memref<1280x128xf32, #tpu.memory_space<vmem>>, vector<1280x128xf32>
    %add3A_17 = arith.addf %get3A_13, %get3A_16 : vector<1280x128xf32>
    %mul3A_18 = vector.broadcast %select_n3A : vector<1280x1xf32> to vector<1280x128xf32>
    %mul3A_19 = arith.mulf %mul3A_18, %add3A_17 : vector<1280x128xf32>
    %get3A_20 = arith.constant 0 : index
    %get3A_21 = arith.constant 0 : index
    %get3A_22 = vector.load %arg4[%get3A_20, %get3A_21] : memref<1x128xf32, #tpu.memory_space<vmem>>, vector<1x128xf32>
    %add3A_23 = vector.broadcast %get3A_22 : vector<1x128xf32> to vector<1280x128xf32>
    %add3A_24 = arith.addf %mul3A_19, %add3A_23 : vector<1280x128xf32>
    %max3A = arith.constant 0.000000e+00 : f32
    %max3A_25 = vector.broadcast %max3A : f32 to vector<1280x128xf32>
    %max3A_26 = arith.maximumf %add3A_24, %max3A_25 : vector<1280x128xf32>
    %get3A_27 = arith.constant 0 : index
    %get3A_28 = arith.constant 0 : index
    %get3A_29 = vector.load %arg5[%get3A_27, %get3A_28] : memref<1280x1xi32, #tpu.memory_space<vmem>>, vector<1280x1xi32>
    %iota3A_30 = tpu.iota {dimensions = array<i32: 1>} : vector<1280x128xi32>
    %eq3A = vector.broadcast %get3A_29 : vector<1280x1xi32> to vector<1280x128xi32>
    %eq3A_31 = arith.cmpi eq, %eq3A, %iota3A_30 : vector<1280x128xi32>
    %convert_element_type3A = arith.extui %eq3A_31 : vector<1280x128xi1> to vector<1280x128xi32>
    %convert_element_type3A_32 = arith.sitofp %convert_element_type3A : vector<1280x128xi32> to vector<1280x128xf32>
    %dot_general3A = arith.constant dense<0.000000e+00> : vector<128x128xf32>
    %dot_general3A_33 = tpu.matmul %convert_element_type3A_32, %max3A_26, %dot_general3A {dimension_numbers = #tpu.dot_dimension_numbers<[0], [0], [1], [1], [0, 1, 1, 1], [], []>, transpose_lhs_hint = false} : vector<1280x128xf32>, vector<1280x128xf32>, vector<128x128xf32> -> vector<128x128xf32>
    %eq3A_34 = arith.constant 0 : i32
    %eq3A_35 = arith.cmpi eq, %arg0, %eq3A_34 : i32
    %convert_element_type3A_36 = arith.extui %eq3A_35 : i1 to i32
    %cond3A = arith.constant 0 : i32
    %cond3A_37 = arith.cmpi ne, %convert_element_type3A_36, %cond3A : i32
    scf.if %cond3A_37 {
      %broadcast_in_dim3A_44 = arith.constant 0.000000e+00 : f32
      %broadcast_in_dim3A_45 = vector.broadcast %broadcast_in_dim3A_44 : f32 to vector<128x128xf32>
      %swap3A_46 = arith.constant 0 : index
      %swap3A_47 = arith.constant 0 : index
      %swap3A_48 = vector.load %arg6[%swap3A_46, %swap3A_47] : memref<128x128xf32, #tpu.memory_space<vmem>>, vector<128x128xf32>
      tpu.vector_store %arg6[%swap3A_46, %swap3A_47], %broadcast_in_dim3A_45 {strides = array<i32>} : memref<128x128xf32, #tpu.memory_space<vmem>>, vector<128x128xf32>,
    } else {
    }
    %get3A_38 = arith.constant 0 : index
    %get3A_39 = arith.constant 0 : index
    %get3A_40 = vector.load %arg6[%get3A_38, %get3A_39] : memref<128x128xf32, #tpu.memory_space<vmem>>, vector<128x128xf32>
    %add3A_41 = arith.addf %get3A_40, %dot_general3A_33 : vector<128x128xf32>
    %swap3A = arith.constant 0 : index
    %swap3A_42 = arith.constant 0 : index
    %swap3A_43 = vector.load %arg6[%swap3A, %swap3A_42] : memref<128x128xf32, #tpu.memory_space<vmem>>, vector<128x128xf32>
    tpu.vector_store %arg6[%swap3A, %swap3A_42], %add3A_41 {strides = array<i32>} : memref<128x128xf32, #tpu.memory_space<vmem>>, vector<128x128xf32>,
    return
  }
  func.func @transform_0(%arg0: i32) -> (i32, i32) {
    %c0_i32 = arith.constant 0 : i32
    %c0_i32_0 = arith.constant 0 : i32
    return %arg0, %c0_i32 : i32, i32
  }
  func.func @transform_1(%arg0: i32) -> (i32, i32) {
    %c0_i32 = arith.constant 0 : i32
    %c0_i32_0 = arith.constant 0 : i32
    return %arg0, %c0_i32 : i32, i32
  }
  func.func @transform_2(%arg0: i32) -> (i32, i32) {
    %c0_i32 = arith.constant 0 : i32
    %c0_i32_0 = arith.constant 0 : i32
    return %arg0, %c0_i32 : i32, i32
  }
  func.func @transform_3(%arg0: i32) -> (i32, i32) {
    %c0_i32 = arith.constant 0 : i32
    %c0_i32_0 = arith.constant 0 : i32
    %c0_i32_1 = arith.constant 0 : i32
    return %c0_i32, %c0_i32_0 : i32, i32
  }
  func.func @transform_4(%arg0: i32) -> (i32, i32) {
    %c0_i32 = arith.constant 0 : i32
    %c0_i32_0 = arith.constant 0 : i32
    return %arg0, %c0_i32 : i32, i32
  }
  func.func @transform_5(%arg0: i32) -> (i32, i32) {
    %c0_i32 = arith.constant 0 : i32
    %c0_i32_0 = arith.constant 0 : i32
    %c0_i32_1 = arith.constant 0 : i32
    return %c0_i32, %c0_i32_0 : i32, i32
  }
}

module attributes {stable_mosaic.version = 14 : i64} {
  func.func @body(%arg0: memref<128x128xf32, #tpu.memory_space<vmem>>, %arg1: memref<128x128xf32, #tpu.memory_space<vmem>>, %arg2: memref<1x128xf32, #tpu.memory_space<vmem>>, %arg3: memref<1x128xf32, #tpu.memory_space<vmem>>, %arg4: memref<1x128xf32, #tpu.memory_space<vmem>>, %arg5: memref<128x128xf32, #tpu.memory_space<vmem>>, %arg6: memref<1x128xf32, #tpu.memory_space<vmem>>, %arg7: memref<1x128xf32, #tpu.memory_space<vmem>>, %arg8: memref<1x128xf32, #tpu.memory_space<vmem>>, %arg9: memref<128x128xf32, #tpu.memory_space<vmem>>, %arg10: memref<1x128xf32, #tpu.memory_space<vmem>>, %arg11: memref<1x128xf32, #tpu.memory_space<vmem>>, %arg12: memref<1x128xf32, #tpu.memory_space<vmem>>, %arg13: memref<128x128xf32, #tpu.memory_space<vmem>>, %arg14: memref<1x128xf32, #tpu.memory_space<vmem>>, %arg15: memref<128x128xf32, #tpu.memory_space<vmem>>) attributes {dimension_semantics = [], scalar_prefetch = 0 : i64, scratch_operands = 0 : i64, tpu.core_type = #tpu.core_type<tc>} {
    %get3A = arith.constant 0 : index
    %get3A_0 = arith.constant 0 : index
    %get3A_1 = vector.load %arg0[%get3A, %get3A_0] : memref<128x128xf32, #tpu.memory_space<vmem>>, vector<128x128xf32>
    %get3A_2 = arith.constant 0 : index
    %get3A_3 = arith.constant 0 : index
    %get3A_4 = vector.load %arg1[%get3A_2, %get3A_3] : memref<128x128xf32, #tpu.memory_space<vmem>>, vector<128x128xf32>
    %dot_general3A = arith.constant dense<0.000000e+00> : vector<128x128xf32>
    %dot_general3A_5 = tpu.matmul %get3A_1, %get3A_4, %dot_general3A {dimension_numbers = #tpu.dot_dimension_numbers<[1], [0], [0], [1], [0, 0, 1, 1], [], []>, transpose_lhs_hint = false} : vector<128x128xf32>, vector<128x128xf32>, vector<128x128xf32> -> vector<128x128xf32>
    %get3A_6 = arith.constant 0 : index
    %get3A_7 = arith.constant 0 : index
    %get3A_8 = vector.load %arg2[%get3A_6, %get3A_7] : memref<1x128xf32, #tpu.memory_space<vmem>>, vector<1x128xf32>
    %add3A = vector.broadcast %get3A_8 : vector<1x128xf32> to vector<128x128xf32>
    %add3A_9 = arith.addf %dot_general3A_5, %add3A : vector<128x128xf32>
    %get3A_10 = arith.constant 0 : index
    %get3A_11 = arith.constant 0 : index
    %get3A_12 = vector.load %arg3[%get3A_10, %get3A_11] : memref<1x128xf32, #tpu.memory_space<vmem>>, vector<1x128xf32>
    %get3A_13 = arith.constant 0 : index
    %get3A_14 = arith.constant 0 : index
    %get3A_15 = vector.load %arg4[%get3A_13, %get3A_14] : memref<1x128xf32, #tpu.memory_space<vmem>>, vector<1x128xf32>
    %reduce_sum3A = arith.constant dense<0.000000e+00> : vector<128xf32>
    %reduce_sum3A_16 = vector.multi_reduction <add>, %add3A_9, %reduce_sum3A [0] : vector<128x128xf32> to vector<128xf32>
    %broadcast_in_dim3A = vector.shape_cast %reduce_sum3A_16 : vector<128xf32> to vector<1x128xf32>
    %div3A = arith.constant 1.280000e+02 : f32
    %div3A_17 = vector.broadcast %div3A : f32 to vector<1x128xf32>
    %div3A_18 = arith.divf %broadcast_in_dim3A, %div3A_17 : vector<1x128xf32>
    %sub3A = vector.broadcast %div3A_18 : vector<1x128xf32> to vector<128x128xf32>
    %sub3A_19 = arith.subf %add3A_9, %sub3A : vector<128x128xf32>
    %integer_pow3A = arith.mulf %sub3A_19, %sub3A_19 : vector<128x128xf32>
    %reduce_sum3A_20 = arith.constant dense<0.000000e+00> : vector<128xf32>
    %reduce_sum3A_21 = vector.multi_reduction <add>, %integer_pow3A, %reduce_sum3A_20 [0] : vector<128x128xf32> to vector<128xf32>
    %broadcast_in_dim3A_22 = vector.shape_cast %reduce_sum3A_21 : vector<128xf32> to vector<1x128xf32>
    %div3A_23 = arith.constant 1.280000e+02 : f32
    %div3A_24 = vector.broadcast %div3A_23 : f32 to vector<1x128xf32>
    %div3A_25 = arith.divf %broadcast_in_dim3A_22, %div3A_24 : vector<1x128xf32>
    %sub3A_26 = vector.broadcast %div3A_18 : vector<1x128xf32> to vector<128x128xf32>
    %sub3A_27 = arith.subf %add3A_9, %sub3A_26 : vector<128x128xf32>
    %mul3A = vector.broadcast %get3A_12 : vector<1x128xf32> to vector<128x128xf32>
    %mul3A_28 = arith.mulf %mul3A, %sub3A_27 : vector<128x128xf32>
    %add3A_29 = arith.constant 9.99999974E-6 : f32
    %add3A_30 = vector.broadcast %add3A_29 : f32 to vector<1x128xf32>
    %add3A_31 = arith.addf %div3A_25, %add3A_30 : vector<1x128xf32>
    %sqrt3A = math.sqrt %add3A_31 : vector<1x128xf32>
    %div3A_32 = vector.broadcast %sqrt3A : vector<1x128xf32> to vector<128x128xf32>
    %div3A_33 = arith.divf %mul3A_28, %div3A_32 : vector<128x128xf32>
    %add3A_34 = vector.broadcast %get3A_15 : vector<1x128xf32> to vector<128x128xf32>
    %add3A_35 = arith.addf %div3A_33, %add3A_34 : vector<128x128xf32>
    %max3A = arith.constant 0.000000e+00 : f32
    %max3A_36 = vector.broadcast %max3A : f32 to vector<128x128xf32>
    %max3A_37 = arith.maximumf %add3A_35, %max3A_36 : vector<128x128xf32>
    %get3A_38 = arith.constant 0 : index
    %get3A_39 = arith.constant 0 : index
    %get3A_40 = vector.load %arg5[%get3A_38, %get3A_39] : memref<128x128xf32, #tpu.memory_space<vmem>>, vector<128x128xf32>
    %dot_general3A_41 = arith.constant dense<0.000000e+00> : vector<128x128xf32>
    %dot_general3A_42 = tpu.matmul %max3A_37, %get3A_40, %dot_general3A_41 {dimension_numbers = #tpu.dot_dimension_numbers<[1], [0], [0], [1], [0, 0, 1, 1], [], []>, transpose_lhs_hint = false} : vector<128x128xf32>, vector<128x128xf32>, vector<128x128xf32> -> vector<128x128xf32>
    %get3A_43 = arith.constant 0 : index
    %get3A_44 = arith.constant 0 : index
    %get3A_45 = vector.load %arg6[%get3A_43, %get3A_44] : memref<1x128xf32, #tpu.memory_space<vmem>>, vector<1x128xf32>
    %add3A_46 = vector.broadcast %get3A_45 : vector<1x128xf32> to vector<128x128xf32>
    %add3A_47 = arith.addf %dot_general3A_42, %add3A_46 : vector<128x128xf32>
    %get3A_48 = arith.constant 0 : index
    %get3A_49 = arith.constant 0 : index
    %get3A_50 = vector.load %arg7[%get3A_48, %get3A_49] : memref<1x128xf32, #tpu.memory_space<vmem>>, vector<1x128xf32>
    %get3A_51 = arith.constant 0 : index
    %get3A_52 = arith.constant 0 : index
    %get3A_53 = vector.load %arg8[%get3A_51, %get3A_52] : memref<1x128xf32, #tpu.memory_space<vmem>>, vector<1x128xf32>
    %reduce_sum3A_54 = arith.constant dense<0.000000e+00> : vector<128xf32>
    %reduce_sum3A_55 = vector.multi_reduction <add>, %add3A_47, %reduce_sum3A_54 [0] : vector<128x128xf32> to vector<128xf32>
    %broadcast_in_dim3A_56 = vector.shape_cast %reduce_sum3A_55 : vector<128xf32> to vector<1x128xf32>
    %div3A_57 = arith.constant 1.280000e+02 : f32
    %div3A_58 = vector.broadcast %div3A_57 : f32 to vector<1x128xf32>
    %div3A_59 = arith.divf %broadcast_in_dim3A_56, %div3A_58 : vector<1x128xf32>
    %sub3A_60 = vector.broadcast %div3A_59 : vector<1x128xf32> to vector<128x128xf32>
    %sub3A_61 = arith.subf %add3A_47, %sub3A_60 : vector<128x128xf32>
    %integer_pow3A_62 = arith.mulf %sub3A_61, %sub3A_61 : vector<128x128xf32>
    %reduce_sum3A_63 = arith.constant dense<0.000000e+00> : vector<128xf32>
    %reduce_sum3A_64 = vector.multi_reduction <add>, %integer_pow3A_62, %reduce_sum3A_63 [0] : vector<128x128xf32> to vector<128xf32>
    %broadcast_in_dim3A_65 = vector.shape_cast %reduce_sum3A_64 : vector<128xf32> to vector<1x128xf32>
    %div3A_66 = arith.constant 1.280000e+02 : f32
    %div3A_67 = vector.broadcast %div3A_66 : f32 to vector<1x128xf32>
    %div3A_68 = arith.divf %broadcast_in_dim3A_65, %div3A_67 : vector<1x128xf32>
    %sub3A_69 = vector.broadcast %div3A_59 : vector<1x128xf32> to vector<128x128xf32>
    %sub3A_70 = arith.subf %add3A_47, %sub3A_69 : vector<128x128xf32>
    %mul3A_71 = vector.broadcast %get3A_50 : vector<1x128xf32> to vector<128x128xf32>
    %mul3A_72 = arith.mulf %mul3A_71, %sub3A_70 : vector<128x128xf32>
    %add3A_73 = arith.constant 9.99999974E-6 : f32
    %add3A_74 = vector.broadcast %add3A_73 : f32 to vector<1x128xf32>
    %add3A_75 = arith.addf %div3A_68, %add3A_74 : vector<1x128xf32>
    %sqrt3A_76 = math.sqrt %add3A_75 : vector<1x128xf32>
    %div3A_77 = vector.broadcast %sqrt3A_76 : vector<1x128xf32> to vector<128x128xf32>
    %div3A_78 = arith.divf %mul3A_72, %div3A_77 : vector<128x128xf32>
    %add3A_79 = vector.broadcast %get3A_53 : vector<1x128xf32> to vector<128x128xf32>
    %add3A_80 = arith.addf %div3A_78, %add3A_79 : vector<128x128xf32>
    %max3A_81 = arith.constant 0.000000e+00 : f32
    %max3A_82 = vector.broadcast %max3A_81 : f32 to vector<128x128xf32>
    %max3A_83 = arith.maximumf %add3A_80, %max3A_82 : vector<128x128xf32>
    %get3A_84 = arith.constant 0 : index
    %get3A_85 = arith.constant 0 : index
    %get3A_86 = vector.load %arg9[%get3A_84, %get3A_85] : memref<128x128xf32, #tpu.memory_space<vmem>>, vector<128x128xf32>
    %dot_general3A_87 = arith.constant dense<0.000000e+00> : vector<128x128xf32>
    %dot_general3A_88 = tpu.matmul %max3A_83, %get3A_86, %dot_general3A_87 {dimension_numbers = #tpu.dot_dimension_numbers<[1], [0], [0], [1], [0, 0, 1, 1], [], []>, transpose_lhs_hint = false} : vector<128x128xf32>, vector<128x128xf32>, vector<128x128xf32> -> vector<128x128xf32>
    %get3A_89 = arith.constant 0 : index
    %get3A_90 = arith.constant 0 : index
    %get3A_91 = vector.load %arg10[%get3A_89, %get3A_90] : memref<1x128xf32, #tpu.memory_space<vmem>>, vector<1x128xf32>
    %add3A_92 = vector.broadcast %get3A_91 : vector<1x128xf32> to vector<128x128xf32>
    %add3A_93 = arith.addf %dot_general3A_88, %add3A_92 : vector<128x128xf32>
    %get3A_94 = arith.constant 0 : index
    %get3A_95 = arith.constant 0 : index
    %get3A_96 = vector.load %arg11[%get3A_94, %get3A_95] : memref<1x128xf32, #tpu.memory_space<vmem>>, vector<1x128xf32>
    %get3A_97 = arith.constant 0 : index
    %get3A_98 = arith.constant 0 : index
    %get3A_99 = vector.load %arg12[%get3A_97, %get3A_98] : memref<1x128xf32, #tpu.memory_space<vmem>>, vector<1x128xf32>
    %reduce_sum3A_100 = arith.constant dense<0.000000e+00> : vector<128xf32>
    %reduce_sum3A_101 = vector.multi_reduction <add>, %add3A_93, %reduce_sum3A_100 [0] : vector<128x128xf32> to vector<128xf32>
    %broadcast_in_dim3A_102 = vector.shape_cast %reduce_sum3A_101 : vector<128xf32> to vector<1x128xf32>
    %div3A_103 = arith.constant 1.280000e+02 : f32
    %div3A_104 = vector.broadcast %div3A_103 : f32 to vector<1x128xf32>
    %div3A_105 = arith.divf %broadcast_in_dim3A_102, %div3A_104 : vector<1x128xf32>
    %sub3A_106 = vector.broadcast %div3A_105 : vector<1x128xf32> to vector<128x128xf32>
    %sub3A_107 = arith.subf %add3A_93, %sub3A_106 : vector<128x128xf32>
    %integer_pow3A_108 = arith.mulf %sub3A_107, %sub3A_107 : vector<128x128xf32>
    %reduce_sum3A_109 = arith.constant dense<0.000000e+00> : vector<128xf32>
    %reduce_sum3A_110 = vector.multi_reduction <add>, %integer_pow3A_108, %reduce_sum3A_109 [0] : vector<128x128xf32> to vector<128xf32>
    %broadcast_in_dim3A_111 = vector.shape_cast %reduce_sum3A_110 : vector<128xf32> to vector<1x128xf32>
    %div3A_112 = arith.constant 1.280000e+02 : f32
    %div3A_113 = vector.broadcast %div3A_112 : f32 to vector<1x128xf32>
    %div3A_114 = arith.divf %broadcast_in_dim3A_111, %div3A_113 : vector<1x128xf32>
    %sub3A_115 = vector.broadcast %div3A_105 : vector<1x128xf32> to vector<128x128xf32>
    %sub3A_116 = arith.subf %add3A_93, %sub3A_115 : vector<128x128xf32>
    %mul3A_117 = vector.broadcast %get3A_96 : vector<1x128xf32> to vector<128x128xf32>
    %mul3A_118 = arith.mulf %mul3A_117, %sub3A_116 : vector<128x128xf32>
    %add3A_119 = arith.constant 9.99999974E-6 : f32
    %add3A_120 = vector.broadcast %add3A_119 : f32 to vector<1x128xf32>
    %add3A_121 = arith.addf %div3A_114, %add3A_120 : vector<1x128xf32>
    %sqrt3A_122 = math.sqrt %add3A_121 : vector<1x128xf32>
    %div3A_123 = vector.broadcast %sqrt3A_122 : vector<1x128xf32> to vector<128x128xf32>
    %div3A_124 = arith.divf %mul3A_118, %div3A_123 : vector<128x128xf32>
    %add3A_125 = vector.broadcast %get3A_99 : vector<1x128xf32> to vector<128x128xf32>
    %add3A_126 = arith.addf %div3A_124, %add3A_125 : vector<128x128xf32>
    %max3A_127 = arith.constant 0.000000e+00 : f32
    %max3A_128 = vector.broadcast %max3A_127 : f32 to vector<128x128xf32>
    %max3A_129 = arith.maximumf %add3A_126, %max3A_128 : vector<128x128xf32>
    %get3A_130 = arith.constant 0 : index
    %get3A_131 = arith.constant 0 : index
    %get3A_132 = vector.load %arg13[%get3A_130, %get3A_131] : memref<128x128xf32, #tpu.memory_space<vmem>>, vector<128x128xf32>
    %dot_general3A_133 = arith.constant dense<0.000000e+00> : vector<128x128xf32>
    %dot_general3A_134 = tpu.matmul %max3A_129, %get3A_132, %dot_general3A_133 {dimension_numbers = #tpu.dot_dimension_numbers<[1], [0], [0], [1], [0, 0, 1, 1], [], []>, transpose_lhs_hint = false} : vector<128x128xf32>, vector<128x128xf32>, vector<128x128xf32> -> vector<128x128xf32>
    %get3A_135 = arith.constant 0 : index
    %get3A_136 = arith.constant 0 : index
    %get3A_137 = vector.load %arg14[%get3A_135, %get3A_136] : memref<1x128xf32, #tpu.memory_space<vmem>>, vector<1x128xf32>
    %add3A_138 = vector.broadcast %get3A_137 : vector<1x128xf32> to vector<128x128xf32>
    %add3A_139 = arith.addf %dot_general3A_134, %add3A_138 : vector<128x128xf32>
    %iota3A = tpu.iota {dimensions = array<i32: 1>} : vector<128x128xi32>
    %lt3A = arith.constant 10 : i32
    %lt3A_140 = vector.broadcast %lt3A : i32 to vector<128x128xi32>
    %lt3A_141 = arith.cmpi slt, %iota3A, %lt3A_140 : vector<128x128xi32>
    %jit3A = arith.constant -1.000000e+30 : f32
    %broadcast_in_dim3A_142 = vector.broadcast %jit3A : f32 to vector<128x128xf32>
    %select_n3A = arith.select %lt3A_141, %add3A_139, %broadcast_in_dim3A_142 : vector<128x128xi1>, vector<128x128xf32>
    %reduce_max3A = arith.constant dense<0xFF800000> : vector<128xf32>
    %reduce_max3A_143 = vector.multi_reduction <maximumf>, %select_n3A, %reduce_max3A [1] : vector<128x128xf32> to vector<128xf32>
    %broadcast_in_dim3A_144 = vector.shape_cast %reduce_max3A_143 : vector<128xf32> to vector<128x1xf32>
    %sub3A_145 = vector.broadcast %broadcast_in_dim3A_144 : vector<128x1xf32> to vector<128x128xf32>
    %sub3A_146 = arith.subf %select_n3A, %sub3A_145 : vector<128x128xf32>
    %exp3A = math.exp %sub3A_146 : vector<128x128xf32>
    %reduce_sum3A_147 = arith.constant dense<0.000000e+00> : vector<128xf32>
    %reduce_sum3A_148 = vector.multi_reduction <add>, %exp3A, %reduce_sum3A_147 [1] : vector<128x128xf32> to vector<128xf32>
    %broadcast_in_dim3A_149 = vector.shape_cast %reduce_sum3A_148 : vector<128xf32> to vector<128x1xf32>
    %sub3A_150 = vector.broadcast %broadcast_in_dim3A_144 : vector<128x1xf32> to vector<128x128xf32>
    %sub3A_151 = arith.subf %add3A_139, %sub3A_150 : vector<128x128xf32>
    %log3A = math.log %broadcast_in_dim3A_149 : vector<128x1xf32>
    %sub3A_152 = vector.broadcast %log3A : vector<128x1xf32> to vector<128x128xf32>
    %sub3A_153 = arith.subf %sub3A_151, %sub3A_152 : vector<128x128xf32>
    %swap3A = arith.constant 0 : index
    %swap3A_154 = arith.constant 0 : index
    %swap3A_155 = vector.load %arg15[%swap3A, %swap3A_154] : memref<128x128xf32, #tpu.memory_space<vmem>>, vector<128x128xf32>
    tpu.vector_store %arg15[%swap3A, %swap3A_154], %sub3A_153 {strides = array<i32>} : memref<128x128xf32, #tpu.memory_space<vmem>>, vector<128x128xf32>,
    return
  }
}

</mosaic_0001>

<sc_bundles>
// kernel: kernel.12.cloned.1.call-start
scs
__scs_entry_jumppad:
0x0: {  	(pc) =	sbr.rel $0x88, $3  }
0x1: {  	(tag) =	ssettag $0x0;
	lr =	simm.s32 $0x1  }
0x2: {  	[smem:$0x3F8C] =	sst lr;
	_ =	strace $0xD0000000  }
0x3: {  	_ = 	snop  }
0x4: {  	_ = 	snop  }
0x5: {  	_ = 	snop  }
0x6: {  	_ = 	snop  }
0x7: {  	_ = 	snop  }
__scs_overlays_trampoline_lowered:
0x8: {  	[smem:$0x3F9B] =	sst s0  }
0x9: {  	[smem:$0x3F9C] =	sst s1  }
0xa: {  	[smem:$0x3F9D] =	sst s2  }
0xb: {  	[smem:$0x3F9E] =	sst s3  }
0xc: {  	[smem:$0x3F9F] =	sst s4  }
0xd: {  	[smem:$0x3FA0] =	sst s5  }
0xe: {  	[smem:$0x3FA1] =	sst s6  }
0xf: {  	[smem:$0x3FA2] =	sst s7  }
0x10: {  	[smem:$0x3FA3] =	sst s8  }
0x11: {  	[smem:$0x3FA4] =	sst s9;
	s0 =	simm.s32 @!p0 $0x0  }
0x12: {  	s1 =	sld [smem:$0x3F8A];
	s0 =	simm.s32 @p0 $0x1  }
0x13: {  	[smem:$0x3FA5] =	sst s0;
	s0 =	simm.s32 @!p1 $0x0  }
0x14: {  	s2 =	sld [smem:$0x3F89];
	s0 =	simm.s32 @p1 $0x1  }
0x15: {  	[smem:$0x3FA6] =	sst s0;
	s0 =	simm.s32 @!p2 $0x0  }
0x16: {  	s3 =	sld [smem:$0x3FDB];
	s0 =	simm.s32 @p2 $0x1  }
0x17: {  	s4 =	simm.s32 $0x1BF5;
	[smem:$0x3FA8] =	sst s0  }
0x18: {  	s0 =	sld [smem:$0x3F8B];
	_ =	swait.ge [sflag:s4], $0x0  }
0x19: {  	s7 =	sld [smem:$0x3F8C]  }
0x1a: {  	s8 =	sadd.s32 $0xFFFFE003, lr  }
0x1b: {  	s9 =	sadd.s32 $0xFFFFFEF7, lr;
	s5 =	simm.s32 $0xFFFFFFFF;
	p2 =	slt.u32 s8, $0xFFFFF086  }
0x1c: {  	p1 =	slt.u32 s9, $0xF7A;
	s5 =	simm.s32 @!p2 $0x0  }
0x1d: {  	s5 =	simm.s32 @p1 $0x1;
	p0 =	seq.s32 s7, s2  }
0x1e: {  	s7 =	smul.u32 @!p0 $0xF7A, s2;
	p2 =	seq.s32 @!p0 s5, $0x0  }
0x1f: {  	s9 =	smul.u32 $0xF7A, s1;
	s8 =	simm.s32 @!p0 $0x1BF5;
	p2 =	por !p2, p0  }
0x20: {  	[sflag:s8] =	ssyncset.s32 @!p0 $0xFFFFF086;
	s6 =	sadd.s32 @!p0 s3, s7;
	s7 =	simm.s32 @!p0 $0x108  }
0x21: {  	s3 =	sadd.s32 s3, s9;
	s6 =	sadd.s32 @!p0 $0x88, s6;
	s7 =	simm.s32 @p2 $0x1082  }
0x22: {  	[simem:s7], [sflag:s8] =	dma.local @!p0 [hbm:s6], $0xF7A  }
0x23: {  	s9 =	sor.u32 $0xD0000000, s2;
	s6 =	simm.s32 $0x108;
	_ =	swait.ge @!p0 [sflag:s8], $0x0  }
0x24: {  	s3 =	sadd.s32 $0x88, s3;
	s6 =	simm.s32 @!p1 $0x1082;
	[sflag:s4] =	ssyncset.s32 $0xFFFFF086  }
0x25: {  	[simem:s6], [sflag:s4] =	dma.local [hbm:s3], $0xF7A  }
0x26: {  	[smem:$0x3F8C] =	sst s1;
	(tag) =	ssettag s2;
	_ =	strace s9  }
0x27: {  	s1 =	sld [smem:$0x3F9C]  }
0x28: {  	s2 =	sld [smem:$0x3F9D]  }
0x29: {  	s4 =	sld [smem:$0x3F9F]  }
0x2a: {  	p0 =	seq.s32 s5, $0x0;
	s5 =	sld [smem:$0x3FA0]  }
0x2b: {  	s6 =	sld [smem:$0x3FA1]  }
0x2c: {  	s7 =	sld [smem:$0x3FA2]  }
0x2d: {  	s3 =	simm.s32 $0x108;
	s8 =	sld [smem:$0x3FA3]  }
0x2e: {  	s3 =	simm.s32 @!p0 $0x1082;
	s9 =	sld [smem:$0x3FA4]  }
0x2f: {  	lr =	sadd.s32 s0, s3;
	s0 =	sld [smem:$0x3F9B]  }
0x30: {  	s3 =	sld [smem:$0x3F9E]  }
0x31: {  	[smem:$0x3FA7] =	sst s10  }
0x32: {  	s10 =	sld [smem:$0x3FA5];
	_ =	sdelay $0x3  }
0x33: {  	p0 =	seq.s32 s10, $0x1;
	s10 =	sld [smem:$0x3FA7];
	_ =	sdelay $0x3  }
0x34: {  	[smem:$0x3FA7] =	sst s10  }
0x35: {  	s10 =	sld [smem:$0x3FA6];
	_ =	sdelay $0x3  }
0x36: {  	p1 =	seq.s32 s10, $0x1;
	s10 =	sld [smem:$0x3FA7];
	_ =	sdelay $0x3  }
0x37: {  	[smem:$0x3FA7] =	sst s10  }
0x38: {  	s10 =	sld [smem:$0x3FA8]  }
0x39: {  	_ = 	snop;
	(pc) =	sbr.ind lr, $3  }
0x3a: {  	_ = 	snop  }
0x3b: {  	_ = 	snop  }
0x3c: {  	p2 =	seq.s32 s10, $0x1;
	s10 =	sld [smem:$0x3FA7]  }
0x3d: {  	_ =	shalt  }
0x3e: {  	_ =	shalt  }
0x3f: {  	_ =	shalt  }
0x40: {  	_ =	shalt  }
0x41: {  	_ =	shalt  }
0x42: {  	_ =	shalt  }
0x43: {  	_ =	shalt  }
0x44: {  	_ =	shalt  }
0x45: {  	_ =	shalt  }
0x46: {  	_ =	shalt  }
0x47: {  	_ =	shalt  }
0x48: {  	_ =	shalt  }
0x49: {  	_ =	shalt  }
0x4a: {  	_ =	shalt  }
0x4b: {  	_ =	shalt  }
0x4c: {  	_ =	shalt  }
0x4d: {  	_ =	shalt  }
0x4e: {  	_ =	shalt  }
0x4f: {  	_ =	shalt  }
0x50: {  	_ =	shalt  }
0x51: {  	_ =	shalt  }
0x52: {  	_ =	shalt  }
0x53: {  	_ =	shalt  }
0x54: {  	_ =	shalt  }
0x55: {  	_ =	shalt  }
0x56: {  	_ =	shalt  }
0x57: {  	_ =	shalt  }
0x58: {  	_ =	shalt  }
0x59: {  	_ =	shalt  }
0x5a: {  	_ =	shalt  }
0x5b: {  	_ =	shalt  }
0x5c: {  	_ =	shalt  }
0x5d: {  	_ =	shalt  }
0x5e: {  	_ =	shalt  }
0x5f: {  	_ =	shalt  }
0x60: {  	_ =	shalt  }
0x61: {  	_ =	shalt  }
0x62: {  	_ =	shalt  }
0x63: {  	_ =	shalt  }
0x64: {  	_ =	shalt  }
0x65: {  	_ =	shalt  }
0x66: {  	_ =	shalt  }
0x67: {  	_ =	shalt  }
0x68: {  	_ =	shalt  }
0x69: {  	_ =	shalt  }
0x6a: {  	_ =	shalt  }
0x6b: {  	_ =	shalt  }
0x6c: {  	_ =	shalt  }
0x6d: {  	_ =	shalt  }
0x6e: {  	_ =	shalt  }
0x6f: {  	_ =	shalt  }
0x70: {  	_ =	shalt  }
0x71: {  	_ =	shalt  }
0x72: {  	_ =	shalt  }
0x73: {  	_ =	shalt  }
0x74: {  	_ =	shalt  }
0x75: {  	_ =	shalt  }
0x76: {  	_ =	shalt  }
0x77: {  	_ =	shalt  }
0x78: {  	_ =	shalt  }
0x79: {  	_ =	shalt  }
0x7a: {  	_ =	shalt  }
0x7b: {  	_ =	shalt  }
0x7c: {  	_ =	shalt  }
0x7d: {  	_ =	shalt  }
0x7e: {  	_ =	shalt  }
0x7f: {  	_ =	shalt  }
0x80: {  	_ =	shalt  }
0x81: {  	_ =	shalt  }
0x82: {  	_ =	shalt  }
0x83: {  	_ =	shalt  }
0x84: {  	_ =	shalt  }
0x85: {  	_ =	shalt  }
0x86: {  	_ =	shalt  }
0x87: {  	_ =	shalt  }
.Lfunc_end0:
.L_simem_size_0:
called_computation.1_lowered:
.L_overlay_start_0:
0x88: {  	s2 =	sld [smem:$0x3FD9]  }
0x89: {  	s3 =	sld [smem:$0x3FFE];
	_ =	sdelay $0x1  }
0x8a: {  	s1 =	srdreg.scid  }
0x8b: {  	s0 =	sand.u32 $0x1, s1  }
0x8c: {  	s16 =	sshll.u32 s0, $0xA;
	s2 =	sadd.s32 s3, s2  }
0x8d: {  	s2 =	sadd.s32 s2, s16  }
0x8e: {  	[smem:$0x3FB3] =	sst s2  }
0x8f: {  	_ = 	snop  }
0x90: {  	(tm) =	ssettm $0x1  }
0x91: {  	s17 =	sld [smem:$0x3FFB];
	_ =	sdelay $0x3  }
0x92: {  	_ =	strace s17  }
0x93: {  	s2 =	sld [smem:$0x3FFC];
	_ =	sdelay $0x3  }
0x94: {  	_ =	strace s2  }
0x95: {  	s2 =	sld [smem:$0x3FFD];
	_ =	sdelay $0x3  }
0x96: {  	_ =	strace s2  }
0x97: {  	_ =	strace $0x8FFFFFFF  }
0x98: {  	s18 =	sld [smem:$0x3FDB];
	_ =	sdelay $0x1  }
0x99: {  	s19 =	simm.s32 $_scs_section_size  }
0x9a: {  	s4 =	simm.s32 $_size__tile_overlayer_lowered;
	s5 =	simm.s32 $_tile_overlayer_lowered  }
0x9b: {  	s22 =	simm.s32 $0x1BFF;
	s21 =	sshll.u32 s5, $0x1;
	s2 =	sadd.s32 s19, s18  }
0x9c: {  	s6 =	simm.s32 $0x0;
	s20 =	sshll.u32 s4, $0x1;
	s4 =	sadd.s32 s21, s2  }
0x9d: {  	[timem:s6], [sflag:s22] =	dma.local [hbm:s4], s20  }
0x9e: {  	_ =	swait.ge [sflag:s22], s20  }
0x9f: {  	s3 =	ssub.s32 $0x0, s20;
	[sflag:s22] =	ssyncset.done $0x0  }
0xa0: {  	[sflag:s22] =	ssyncadd.s32 s3;
	_ =	sdelay $0x1  }
0xa1: {  	s23 =	simm.s32 $0x1B8B  }
0xa2: {  	_ =	swait.ge [sflag:s23], $0x1  }
0xa3: {  	[sflag:s23] =	ssyncset.done $0x0  }
0xa4: {  	s25 =	simm.s32 $0x1B8E;
	s24 =	sld [smem:$0x3FFE];
	[sflag:s23] =	ssyncadd.s32 $0xFFFFFFFF  }
0xa5: {  	s26 =	simm.s32 $execute0_lowered;
	[smem:$0x3FD2] =	sst s25  }
0xa6: {  	s4 =	sshll.u32 s26, $0x1;
	_ =	strace $0x80000049;
	[dreg:$0x1] =	wrdreg $0xFFFFFFFF  }
0xa7: {  	s28 =	simm.s32 $_size_execute0_lowered;
	s2 =	sadd.s32 s2, s4;
	[dreg:$0x0] =	wrdreg $0x0  }
0xa8: {  	s4 =	sshll.u32 s28, $0x1;
	[dreg:$0x2] =	wrdreg s2  }
0xa9: {  	[dreg:$0x3] =	wrdreg s4  }
0xaa: {  	[dreg:$0x4] =	wrdreg $0xC0  }
0xab: {  	_ =	task [dreg:s6], $0x5FFFF  }
0xac: {  	[dreg:$0x1] =	wrdreg $0xFFFFFFFF  }
0xad: {  	[dreg:$0x0] =	wrdreg $0x60  }
0xae: {  	[dreg:$0x2] =	wrdreg s24  }
0xaf: {  	[dreg:$0x3] =	wrdreg $0x140000  }
0xb0: {  	[dreg:$0x4] =	wrdreg $0x9  }
0xb1: {  	_ =	task.clear_ibuf [dreg:s6], $0x5FFFF;
	_ =	strace $0x90000049  }
0xb2: {  	s29 =	simm.s32 $0x9;
	_ =	strace $0x8000004B  }
0xb3: {  	_ =	swait.ge [sflag:s29], $0x1  }
0xb4: {  	[sflag:s29] =	ssyncadd.s32 $0xFFFFFFFF  }
0xb5: {  	_ =	strace $0x9000004B  }
0xb6: {  	_ =	sfence  }
0xb7: {  	s30 =	sld [smem:$0x0];
	_ =	sdelay $0x2  }
0xb8: {  	s31 =	sshll.u32 s1, $0xD;
	s1 =	sshrl.u32 s1, $0x2  }
0xb9: {  	s3 =	sand.u32 $0x4000, s31;
	s1 =	sadd.s32 s1, s30  }
0xba: {  	s0 =	sor.u32 s3, s0;
	s1 =	sshll.u32 s1, $0x11  }
0xbb: {  	s0 =	sor.u32 s1, s0  }
0xbc: {  	s0 =	sadd.s32 $0x8F2B, s0  }
0xbd: {  	[sflag:s0] =	ssyncadd.remote.s32 $0x1  }
0xbe: {  	_ =	sfence.sel $0xFFFF  }
0xbf: {  	[dreg:$0x0] =	wrdreg $0xFFFFFFFF;
	(pc) =	sbr.abs _section_cstart, $3  }
0xc0: {  	[dreg:$0x1] =	wrdreg $0xFFFFFFFF  }
0xc1: {  	_ =	task.clear_ibuf [dreg:s6], $0x2FFFF;
	_ =	strace $0x9FFFFFFF  }
0xc2: {  	(tm) =	ssettm $0x7FFFFFFF  }
0xc3: {  	_ =	shalt  }
tec
execute0_lowered:
.L_overlay_start_1:
0x0: {  	(tag) =	ssettag $0x1  }
0x1: {  	s0 =	rddreg [dreg:$0x0]  }
0x2: {  	s2 =	rddreg [dreg:$0x1];
	s3 =	simm.s32 $0x0;
	s9 =	stileid.u32  }
0x3: {  	s1 =	srdreg.scid;
	s30 =	simm.s32 $0x10000;
	s31 =	simm.s32 $0x3  }
0x4: {  	s28 =	simm.s32 $0x4;
	s29 =	simm.s32 $0x5;
	s5 =	smul.u32 $0xA00, s9  }
0x5: {  	[smem:$0x7FF] =	sst s3;
	s1 =	sand.u32 $0x1, s1;
	s8 =	smul.u32 $0x28000, s9  }
0x6: {  	s4 =	sadd.s32 $0x21C00, s0;
	s11 =	smul.u32 $0x280, s9;
	_ =	strace $0x8000004A  }
0x7: {  	s7 =	ssub.s32 $0x2, s1;
	s6 =	smul.u32 $0x2800, s1;
	s14 =	sadd.s32 s5, s0  }
0x8: {  	s15 =	sshrl.u32 s7, $0x1;
	s0 =	sadd.s32 $0x49C00, s0;
	s17 =	sshrl.u32 s8, $0x2  }
0x9: {  	s18 =	sadd.s32 $0x80, s11;
	s12 =	sadd.s32 $0x100, s11;
	s13 =	sadd.s32 $0x180, s11  }
0xa: {  	s5 =	ssub.s32 s7, s15;
	s16 =	sadd.s32 $0x17C00, s14;
	s1 =	sadd.s32 $0x3C00, s14  }
0xb: {  	s7 =	sadd.s32 s17, s2;
	s19 =	sshll.u32 s18, $0x6;
	s20 =	sshll.u32 s12, $0x6  }
0xc: {  	s10 =	sshll.u32 s13, $0x6;
	s14 =	sadd.s32 $0x200, s11;
	s11 =	sadd.s32 s11, s6  }
0xd: {  	s22 =	sadd.s32 s6, s12;
	s23 =	sadd.s32 s6, s13;
	[dreg:$0x3] =	wrdreg s16  }
0xe: {  	s13 =	simm.s32 $0x0;
	[dreg:$0x4] =	wrdreg s1;
	s8 =	sadd.s32 s19, s2  }
0xf: {  	s9 =	sadd.s32 s20, s2;
	s10 =	sadd.s32 s10, s2;
	s15 =	sshll.u32 s14, $0x6  }
0x10: {  	s16 =	sshll.u32 s11, $0x3;
	s1 =	sadd.s32 s6, s18;
	s12 =	sshll.u32 s23, $0x3  }
0x11: {  	s24 =	sadd.s32 s6, s14;
	s17 =	smax.u32 s5, $0x1;
	s18 =	simm.s32 $0xB  }
0x12: {  	s20 =	simm.s32 $0xA000;
	s23 =	simm.s32 $0x1;
	s5 =	simm.s32 $0x8  }
0x13: {  	v0 =	vmov s6;
	s6 =	simm.s32 $0x9;
	s11 =	sadd.s32 s15, s2;
	s21 =	sadd.s32 s0, s16  }
0x14: {  	s1 =	sshll.u32 s1, $0x3;
	s25 =	sadd.s32 s0, s12;
	s26 =	sshll.u32 s24, $0x3  }
0x15: {  	s24 =	simm.s32 $0x12000;
	s12 =	simm.s32 $0xA;
	[dreg:$0x5] =	wrdreg s21  }
.Ltmp0:
0x16: {  	s1 =	sadd.s32 s0, s1;
	[dreg:$0x8] =	wrdreg s25;
	(pc) =	sbr.rel .LBB2_1-.Ltmp0, $4  }
0x17: {  	s21 =	simm.s32 $0x80;
	[dreg:$0x6] =	wrdreg s1;
	s1 =	sshll.u32 s22, $0x3  }
0x18: {  	s25 =	simm.s32 $0xE000;
	s22 =	simm.s32 $0xC000;
	s1 =	sadd.s32 s0, s1  }
0x19: {  	s0 =	sadd.s32 s0, s26;
	s26 =	simm.s32 $0x2;
	[dreg:$0x7] =	wrdreg s1  }
0x1a: {  	v1 =	vimm.f32 $0.0e+00;
	[dreg:$0x9] =	wrdreg s0;
	s0 =	simm.s32 $0x6;
	s1 =	simm.s32 $0x7  }
.LBB2_8:
0x1b: {  	_ =	swait.ge [sflag:s29], $0x2000  }
0x1c: {  	[sflag:s29] =	ssyncset.done $0x0  }
0x1d: {  	[sflag:s29] =	ssyncadd.s32 $0xFFFFE000  }
0x1e: {  	[spmem:s2] =	stream.indirect.scatter.add.f32 [tilespmem:s24], [sflag:$0xA], $0x40, s15, s21, $0xb8;
	[tilespmem:$0x1E000] =	vst v63  }
0x1f: {  	_ =	swait.ge [sflag:s0], $0x2000  }
0x20: {  	[sflag:s0] =	ssyncset.done $0x0  }
0x21: {  	[sflag:s0] =	ssyncadd.s32 $0xFFFFE000  }
0x22: {  	_ =	swait.ge [sflag:s1], $0x2000  }
0x23: {  	[sflag:s1] =	ssyncset.done $0x0  }
0x24: {  	[sflag:s1] =	ssyncadd.s32 $0xFFFFE000  }
0x25: {  	_ =	swait.ge [sflag:s5], $0x2000  }
0x26: {  	[sflag:s5] =	ssyncset.done $0x0  }
0x27: {  	[sflag:s5] =	ssyncadd.s32 $0xFFFFE000  }
0x28: {  	_ =	swait.ge [sflag:s6], $0x2000  }
0x29: {  	[sflag:s6] =	ssyncset.done $0x0  }
0x2a: {  	[sflag:s6] =	ssyncadd.s32 $0xFFFFE000  }
0x2b: {  	_ =	swait.ge [sflag:s12], $0x2000  }
0x2c: {  	[sflag:s12] =	ssyncset.done $0x0  }
0x2d: {  	[sflag:s12] =	ssyncadd.s32 $0xFFFFE000  }
0x2e: {  	[bflag:$0x0] =	sbarrier.arrive $0xFFFF  }
0x2f: {  	[tilespmem:s20], [sflag:$0xB] =	stream.linear.gather [spmem:s7], $0x2000, $0x38;
	[tilespmem:$0x1E000] =	vst v63  }
0x30: {  	_ =	swait.ge [sflag:s18], $0x2000  }
0x31: {  	[sflag:s18] =	ssyncset.done $0x0  }
0x32: {  	s14 =	rddreg [dreg:$0x5];
	[sflag:s18] =	ssyncadd.s32 $0xFFFFE000  }
0x33: {  	[hbm4b:s14+s3] =	stream.linear.scatter [tilespmem:s20], [sflag:$0xB], $0x2000, $0x38;
	[tilespmem:$0x1E000] =	vst v63  }
0x34: {  	_ =	swait.ge [sflag:s18], $0x2000  }
0x35: {  	[sflag:s18] =	ssyncset.done $0x0  }
0x36: {  	[sflag:s18] =	ssyncadd.s32 $0xFFFFE000  }
0x37: {  	[tilespmem:s22], [sflag:$0xB] =	stream.linear.gather [spmem:s8], $0x2000, $0x38;
	[tilespmem:$0x1E000] =	vst v63  }
0x38: {  	_ =	swait.ge [sflag:s18], $0x2000  }
0x39: {  	[sflag:s18] =	ssyncset.done $0x0  }
0x3a: {  	s19 =	rddreg [dreg:$0x6];
	[sflag:s18] =	ssyncadd.s32 $0xFFFFE000  }
0x3b: {  	[hbm4b:s19+s3] =	stream.linear.scatter [tilespmem:s22], [sflag:$0xB], $0x2000, $0x38;
	[tilespmem:$0x1E000] =	vst v63  }
0x3c: {  	_ =	swait.ge [sflag:s18], $0x2000  }
0x3d: {  	[sflag:s18] =	ssyncset.done $0x0  }
0x3e: {  	[sflag:s18] =	ssyncadd.s32 $0xFFFFE000  }
0x3f: {  	[tilespmem:s25], [sflag:$0xB] =	stream.linear.gather [spmem:s9], $0x2000, $0x38;
	[tilespmem:$0x1E000] =	vst v63  }
0x40: {  	_ =	swait.ge [sflag:s18], $0x2000  }
0x41: {  	[sflag:s18] =	ssyncset.done $0x0  }
0x42: {  	s15 =	rddreg [dreg:$0x7];
	[sflag:s18] =	ssyncadd.s32 $0xFFFFE000  }
0x43: {  	[hbm4b:s15+s3] =	stream.linear.scatter [tilespmem:s25], [sflag:$0xB], $0x2000, $0x38;
	[tilespmem:$0x1E000] =	vst v63  }
0x44: {  	_ =	swait.ge [sflag:s18], $0x2000  }
0x45: {  	[sflag:s18] =	ssyncset.done $0x0  }
0x46: {  	[sflag:s18] =	ssyncadd.s32 $0xFFFFE000  }
0x47: {  	[tilespmem:s30], [sflag:$0xB] =	stream.linear.gather [spmem:s10], $0x2000, $0x38;
	[tilespmem:$0x1E000] =	vst v63  }
0x48: {  	_ =	swait.ge [sflag:s18], $0x2000  }
0x49: {  	[sflag:s18] =	ssyncset.done $0x0  }
0x4a: {  	s16 =	rddreg [dreg:$0x8];
	[sflag:s18] =	ssyncadd.s32 $0xFFFFE000  }
0x4b: {  	[hbm4b:s16+s3] =	stream.linear.scatter [tilespmem:s30], [sflag:$0xB], $0x2000, $0x38;
	[tilespmem:$0x1E000] =	vst v63  }
0x4c: {  	_ =	swait.ge [sflag:s18], $0x2000  }
0x4d: {  	[sflag:s18] =	ssyncset.done $0x0  }
0x4e: {  	[sflag:s18] =	ssyncadd.s32 $0xFFFFE000  }
0x4f: {  	[tilespmem:s24], [sflag:$0xB] =	stream.linear.gather [spmem:s11], $0x2000, $0x38;
	[tilespmem:$0x1E000] =	vst v63  }
0x50: {  	s13 =	sadd.s32 $0x1, s13;
	_ =	swait.ge [sflag:s18], $0x2000  }
0x51: {  	p0 =	sne.s32 s13, s17;
	[sflag:s18] =	ssyncset.done $0x0  }
.Ltmp1:
0x52: {  	s19 =	rddreg [dreg:$0x9];
	[sflag:s18] =	ssyncadd.s32 $0xFFFFE000;
	(pc) =	sbr.rel @!p0 .LBB2_9-.Ltmp1, $4  }
0x53: {  	[hbm4b:s19+s3] =	stream.linear.scatter [tilespmem:s24], [sflag:$0xB], $0x2000, $0x38;
	[tilespmem:$0x1E000] =	vst v63  }
0x54: {  	_ =	swait.ge [sflag:s18], $0x2000  }
0x55: {  	[sflag:s18] =	ssyncset.done $0x0  }
0x56: {  	[sflag:s18] =	ssyncadd.s32 $0xFFFFE000  }
.LBB2_1:
0x57: {  	s14 =	rddreg [dreg:$0x3]  }
0x58: {  	[tilespmem:s3], [sflag:$0xB] =	stream.linear.gather [hbm4b:s14+s3], $0x5000, $0x38;
	[tilespmem:$0x1E000] =	vst v63  }
0x59: {  	_ =	swait.ge [sflag:s18], $0x5000  }
0x5a: {  	[sflag:s18] =	ssyncset.done $0x0  }
0x5b: {  	s15 =	simm.s32 $0x5000;
	s19 =	rddreg [dreg:$0x4];
	[sflag:s18] =	ssyncadd.s32 $0xFFFFB000  }
0x5c: {  	[tilespmem:s15], [sflag:$0xB] =	stream.linear.gather [hbm4b:s19+s3], $0x5000, $0x38;
	[tilespmem:$0x1E000] =	vst v63  }
0x5d: {  	_ =	swait.ge [sflag:s18], $0x5000  }
0x5e: {  	[sflag:s18] =	ssyncset.done $0x0  }
0x5f: {  	s14 =	simm.s32 $0x70;
	[sflag:s18] =	ssyncadd.s32 $0xFFFFB000  }
0x60: {  	v4 =	vld [tilespmem:s14+$0xFFFFFF90]  }
0x61: {  	v6 =	vld [tilespmem:s14+$0xFFFFFFA0]  }
0x62: {  	v5 =	vld [tilespmem:s14+$0xFFFFFFB0]  }
0x63: {  	v3 =	vld [tilespmem:s14+$0xFFFFFFC0]  }
0x64: {  	v2 =	vld [tilespmem:s14+$0xFFFFFFD0]  }
0x65: {  	s19 =	simm.s32 $0x3C0;
	v7 =	vadd.s32 v0, v4;
	v4 =	vld [tilespmem:s14+$0xFFFFFFE0]  }
.LBB2_2:
0x66: {  	p0 =	sne.s32 s19, $0x13FC0;
	[tilespmem:s14+$0xFFFFFF90] =	vst v7;
	v6 =	vadd.s32 v0, v6;
	v7 =	vld [tilespmem:s14+$0x0]  }
0x67: {  	s15 =	sshra.s32 s19, $0x2;
	[tilespmem:s14+$0xFFFFFFA0] =	vst v6;
	v5 =	vadd.s32 v0, v5;
	v8 =	vld [tilespmem:s14+$0xFFFFFFF0]  }
0x68: {  	v9 =	vld [tilespmem:s15+$0xFFFFFF90];
	[tilespmem:s14+$0xFFFFFFB0] =	vst v5;
	v3 =	vadd.s32 v0, v3  }
.Ltmp2:
0x69: {  	v6 =	vld [tilespmem:s15+$0xFFFFFFA0];
	[tilespmem:s14+$0xFFFFFFC0] =	vst v3;
	v2 =	vadd.s32 v0, v2;
	(pc) =	sbr.rel @p0 .LBB2_2-.Ltmp2, $4  }
0x6a: {  	v5 =	vld [tilespmem:s15+$0xFFFFFFB0];
	[tilespmem:s14+$0xFFFFFFD0] =	vst v2;
	v2 =	vadd.s32 v0, v4  }
0x6b: {  	v3 =	vld [tilespmem:s15+$0xFFFFFFC0];
	[tilespmem:s14+$0xFFFFFFE0] =	vst v2;
	v4 =	vadd.s32 v0, v7  }
0x6c: {  	v2 =	vld [tilespmem:s15+$0xFFFFFFD0];
	v8 =	vadd.s32 v0, v8;
	[tilespmem:s14+$0x0] =	vst v4  }
0x6d: {  	s19 =	sadd.s32 $0x200, s19;
	v7 =	vadd.s32 v0, v9;
	v4 =	vld [tilespmem:s15+$0xFFFFFFE0];
	[tilespmem:s14+$0xFFFFFFF0] =	vst v8;
	s14 =	smov.u32 s15  }
0x6e: {  	[tilespmem:s14+$0xFFFFFF90] =	vst v7;
	v6 =	vadd.s32 v0, v6;
	v62 =	vld [tilespmem:s14+$0x0]  }
0x6f: {  	v63 =	vld [tilespmem:s14+$0xFFFFFFF0];
	[tilespmem:s14+$0xFFFFFFA0] =	vst v6;
	v5 =	vadd.s32 v0, v5  }
0x70: {  	[tilespmem:s14+$0xFFFFFFB0] =	vst v5;
	v3 =	vadd.s32 v0, v3  }
0x71: {  	[tilespmem:s14+$0xFFFFFFC0] =	vst v3;
	v2 =	vadd.s32 v0, v2  }
0x72: {  	[tilespmem:s14+$0xFFFFFFD0] =	vst v2;
	v2 =	vadd.s32 v0, v4  }
0x73: {  	[tilespmem:s14+$0xFFFFFFE0] =	vst v2;
	v2 =	vadd.s32 v0, v62  }
0x74: {  	v3 =	vadd.s32 v0, v63;
	[tilespmem:s14+$0x0] =	vst v2  }
0x75: {  	s19 =	simm.s32 $0x100;
	[tilespmem:s14+$0xFFFFFFF0] =	vst v3;
	s14 =	simm.s32 $0x0  }
.LBB2_4:
0x76: {  	p0 =	sne.s32 s19, $0x7F00;
	[tilespmem:s14+$0xA030] =	vst v1;
	s15 =	smov.u32 s19;
	s19 =	sadd.s32 $0x100, s19  }
.Ltmp3:
0x77: {  	[tilespmem:s14+$0xA020] =	vst v1;
	(pc) =	sbr.rel @p0 .LBB2_4-.Ltmp3, $3  }
0x78: {  	[tilespmem:s14+$0xA000] =	vst v1  }
0x79: {  	[tilespmem:s14+$0xA010] =	vst v1;
	_ =	sdelay $0x1  }
0x7a: {  	s14 =	sshra.s32 s15, $0x2  }
0x7b: {  	[tilespmem:s14+$0xA030] =	vst v1  }
0x7c: {  	[tilespmem:s14+$0xA020] =	vst v1  }
0x7d: {  	[tilespmem:s14+$0xA000] =	vst v1  }
0x7e: {  	[tilespmem:s14+$0xA010] =	vst v1  }
0x7f: {  	[spmem:s7] =	stream.linear.scatter [tilespmem:s20], [sflag:$0xB], $0x2000, $0x38;
	[tilespmem:$0x1E000] =	vst v63  }
0x80: {  	_ =	swait.ge [sflag:s18], $0x2000  }
0x81: {  	[sflag:s18] =	ssyncset.done $0x0  }
0x82: {  	[sflag:s18] =	ssyncadd.s32 $0xFFFFE000  }
0x83: {  	[spmem:s8] =	stream.linear.scatter [tilespmem:s20], [sflag:$0xB], $0x2000, $0x38;
	[tilespmem:$0x1E000] =	vst v63  }
0x84: {  	_ =	swait.ge [sflag:s18], $0x2000  }
0x85: {  	[sflag:s18] =	ssyncset.done $0x0  }
0x86: {  	[sflag:s18] =	ssyncadd.s32 $0xFFFFE000  }
0x87: {  	[spmem:s9] =	stream.linear.scatter [tilespmem:s20], [sflag:$0xB], $0x2000, $0x38;
	[tilespmem:$0x1E000] =	vst v63  }
0x88: {  	_ =	swait.ge [sflag:s18], $0x2000  }
0x89: {  	[sflag:s18] =	ssyncset.done $0x0  }
0x8a: {  	[sflag:s18] =	ssyncadd.s32 $0xFFFFE000  }
0x8b: {  	[spmem:s10] =	stream.linear.scatter [tilespmem:s20], [sflag:$0xB], $0x2000, $0x38;
	[tilespmem:$0x1E000] =	vst v63  }
0x8c: {  	_ =	swait.ge [sflag:s18], $0x2000  }
0x8d: {  	[sflag:s18] =	ssyncset.done $0x0  }
0x8e: {  	[sflag:s18] =	ssyncadd.s32 $0xFFFFE000  }
0x8f: {  	[spmem:s11] =	stream.linear.scatter [tilespmem:s20], [sflag:$0xB], $0x2000, $0x38;
	[tilespmem:$0x1E000] =	vst v63  }
0x90: {  	_ =	swait.ge [sflag:s18], $0x2000  }
0x91: {  	[sflag:s18] =	ssyncset.done $0x0  }
0x92: {  	[sflag:s18] =	ssyncadd.s32 $0xFFFFE000  }
0x93: {  	s14 =	simm.s32 $0x0;
	[bflag:$0x0] =	sbarrier.arrive $0xFFFF  }
0x94: {  	[tilespmem:s20], [sflag:$0x1] =	stream.indirect.gather [hbm4b:s4+s21], $0x40, s14, s21, $0xb8;
	[tilespmem:$0x1E000] =	vst v63  }
0x95: {  	_ = 	snop  }
0x96: {  	[tilespmem:s22], [sflag:$0x2] =	stream.indirect.gather [hbm4b:s4+s21], $0x40, s21, s21, $0xb8;
	[tilespmem:$0x1E000] =	vst v63  }
0x97: {  	_ =	swait.ge [sflag:s23], $0x2000  }
0x98: {  	[sflag:s23] =	ssyncset.done $0x0  }
0x99: {  	s15 =	simm.s32 $0x5000;
	[sflag:s23] =	ssyncadd.s32 $0xFFFFE000  }
0x9a: {  	[spmem:s2] =	stream.indirect.scatter.add.f32 [tilespmem:s20], [sflag:$0x6], $0x40, s15, s21, $0xb8;
	[tilespmem:$0x1E000] =	vst v63  }
0x9b: {  	s19 =	simm.s32 $0x100  }
0x9c: {  	[tilespmem:s25], [sflag:$0x3] =	stream.indirect.gather [hbm4b:s4+s21], $0x40, s19, s21, $0xb8;
	[tilespmem:$0x1E000] =	vst v63  }
0x9d: {  	_ =	swait.ge [sflag:s26], $0x2000  }
0x9e: {  	[sflag:s26] =	ssyncset.done $0x0  }
0x9f: {  	s16 =	simm.s32 $0x5080;
	[sflag:s26] =	ssyncadd.s32 $0xFFFFE000  }
0xa0: {  	[spmem:s2] =	stream.indirect.scatter.add.f32 [tilespmem:s22], [sflag:$0x7], $0x40, s16, s21, $0xb8;
	[tilespmem:$0x1E000] =	vst v63  }
0xa1: {  	s19 =	simm.s32 $0x180  }
0xa2: {  	[tilespmem:s30], [sflag:$0x4] =	stream.indirect.gather [hbm4b:s4+s21], $0x40, s19, s21, $0xb8;
	[tilespmem:$0x1E000] =	vst v63  }
0xa3: {  	_ =	swait.ge [sflag:s31], $0x2000  }
0xa4: {  	[sflag:s31] =	ssyncset.done $0x0  }
0xa5: {  	s16 =	simm.s32 $0x5100;
	[sflag:s31] =	ssyncadd.s32 $0xFFFFE000  }
0xa6: {  	[spmem:s2] =	stream.indirect.scatter.add.f32 [tilespmem:s25], [sflag:$0x8], $0x40, s16, s21, $0xb8;
	[tilespmem:$0x1E000] =	vst v63  }
0xa7: {  	s19 =	simm.s32 $0x200  }
0xa8: {  	[tilespmem:s24], [sflag:$0x5] =	stream.indirect.gather [hbm4b:s4+s21], $0x40, s19, s21, $0xb8;
	[tilespmem:$0x1E000] =	vst v63  }
0xa9: {  	_ =	swait.ge [sflag:s28], $0x2000  }
0xaa: {  	[sflag:s28] =	ssyncset.done $0x0  }
0xab: {  	s16 =	simm.s32 $0x5180;
	[sflag:s28] =	ssyncadd.s32 $0xFFFFE000  }
0xac: {  	[spmem:s2] =	stream.indirect.scatter.add.f32 [tilespmem:s30], [sflag:$0x9], $0x40, s16, s21, $0xb8;
	[tilespmem:$0x1E000] =	vst v63  }
0xad: {  	_ =	swait.ge [sflag:s0], $0x2000  }
0xae: {  	[sflag:s0] =	ssyncset.done $0x0  }
0xaf: {  	s19 =	simm.s32 $0x280;
	[sflag:s0] =	ssyncadd.s32 $0xFFFFE000  }
0xb0: {  	[tilespmem:s20], [sflag:$0x1] =	stream.indirect.gather [hbm4b:s4+s21], $0x40, s19, s21, $0xb8;
	[tilespmem:$0x1E000] =	vst v63  }
0xb1: {  	_ =	swait.ge [sflag:s29], $0x2000  }
0xb2: {  	[sflag:s29] =	ssyncset.done $0x0  }
0xb3: {  	s16 =	simm.s32 $0x5200;
	[sflag:s29] =	ssyncadd.s32 $0xFFFFE000  }
0xb4: {  	[spmem:s2] =	stream.indirect.scatter.add.f32 [tilespmem:s24], [sflag:$0xA], $0x40, s16, s21, $0xb8;
	[tilespmem:$0x1E000] =	vst v63  }
0xb5: {  	_ =	swait.ge [sflag:s1], $0x2000  }
0xb6: {  	[sflag:s1] =	ssyncset.done $0x0  }
0xb7: {  	s19 =	simm.s32 $0x300;
	[sflag:s1] =	ssyncadd.s32 $0xFFFFE000  }
0xb8: {  	[tilespmem:s22], [sflag:$0x2] =	stream.indirect.gather [hbm4b:s4+s21], $0x40, s19, s21, $0xb8;
	[tilespmem:$0x1E000] =	vst v63  }
.LBB2_6:
0xb9: {  	_ =	swait.ge [sflag:s23], $0x2000  }
0xba: {  	s19 =	sshra.s32 s14, $0x2;
	[sflag:s23] =	ssyncset.done $0x0  }
0xbb: {  	s15 =	sadd.s32 $0x5280, s19;
	[sflag:s23] =	ssyncadd.s32 $0xFFFFE000  }
0xbc: {  	[spmem:s2] =	stream.indirect.scatter.add.f32 [tilespmem:s20], [sflag:$0x6], $0x40, s15, s21, $0xb8;
	[tilespmem:$0x1E000] =	vst v63  }
0xbd: {  	_ =	swait.ge [sflag:s5], $0x2000  }
0xbe: {  	[sflag:s5] =	ssyncset.done $0x0  }
0xbf: {  	s16 =	sadd.s32 $0x380, s19;
	[sflag:s5] =	ssyncadd.s32 $0xFFFFE000  }
0xc0: {  	[tilespmem:s25], [sflag:$0x3] =	stream.indirect.gather [hbm4b:s4+s21], $0x40, s16, s21, $0xb8;
	[tilespmem:$0x1E000] =	vst v63  }
0xc1: {  	_ =	swait.ge [sflag:s26], $0x2000  }
0xc2: {  	[sflag:s26] =	ssyncset.done $0x0  }
0xc3: {  	s16 =	sadd.s32 $0x5300, s19;
	[sflag:s26] =	ssyncadd.s32 $0xFFFFE000  }
0xc4: {  	[spmem:s2] =	stream.indirect.scatter.add.f32 [tilespmem:s22], [sflag:$0x7], $0x40, s16, s21, $0xb8;
	[tilespmem:$0x1E000] =	vst v63  }
0xc5: {  	_ =	swait.ge [sflag:s6], $0x2000  }
0xc6: {  	[sflag:s6] =	ssyncset.done $0x0  }
0xc7: {  	s16 =	sadd.s32 $0x400, s19;
	[sflag:s6] =	ssyncadd.s32 $0xFFFFE000  }
0xc8: {  	[tilespmem:s30], [sflag:$0x4] =	stream.indirect.gather [hbm4b:s4+s21], $0x40, s16, s21, $0xb8;
	[tilespmem:$0x1E000] =	vst v63  }
0xc9: {  	_ =	swait.ge [sflag:s31], $0x2000  }
0xca: {  	[sflag:s31] =	ssyncset.done $0x0  }
0xcb: {  	s16 =	sadd.s32 $0x5380, s19;
	[sflag:s31] =	ssyncadd.s32 $0xFFFFE000  }
0xcc: {  	[spmem:s2] =	stream.indirect.scatter.add.f32 [tilespmem:s25], [sflag:$0x8], $0x40, s16, s21, $0xb8;
	[tilespmem:$0x1E000] =	vst v63  }
0xcd: {  	_ =	swait.ge [sflag:s12], $0x2000  }
0xce: {  	[sflag:s12] =	ssyncset.done $0x0  }
0xcf: {  	p0 =	seq.s32 s14, $0x12C00;
	s16 =	sadd.s32 $0x480, s19;
	[sflag:s12] =	ssyncadd.s32 $0xFFFFE000  }
0xd0: {  	[tilespmem:s24], [sflag:$0x5] =	stream.indirect.gather [hbm4b:s4+s21], $0x40, s16, s21, $0xb8;
	[tilespmem:$0x1E000] =	vst v63  }
.Ltmp4:
0xd1: {  	_ = 	snop;
	(pc) =	sbr.rel @p0 .LBB2_8-.Ltmp4, $4  }
0xd2: {  	_ =	swait.ge [sflag:s28], $0x2000  }
0xd3: {  	[sflag:s28] =	ssyncset.done $0x0  }
0xd4: {  	s15 =	sadd.s32 $0x5480, s19;
	s16 =	sadd.s32 $0x5400, s19;
	[sflag:s28] =	ssyncadd.s32 $0xFFFFE000  }
0xd5: {  	[spmem:s2] =	stream.indirect.scatter.add.f32 [tilespmem:s30], [sflag:$0x9], $0x40, s16, s21, $0xb8;
	[tilespmem:$0x1E000] =	vst v63  }
0xd6: {  	_ =	swait.ge [sflag:s0], $0x2000  }
0xd7: {  	[sflag:s0] =	ssyncset.done $0x0  }
0xd8: {  	s16 =	sadd.s32 $0x500, s19;
	[sflag:s0] =	ssyncadd.s32 $0xFFFFE000  }
0xd9: {  	[tilespmem:s20], [sflag:$0x1] =	stream.indirect.gather [hbm4b:s4+s21], $0x40, s16, s21, $0xb8;
	[tilespmem:$0x1E000] =	vst v63  }
0xda: {  	_ =	swait.ge [sflag:s29], $0x2000  }
0xdb: {  	[sflag:s29] =	ssyncset.done $0x0  }
0xdc: {  	[sflag:s29] =	ssyncadd.s32 $0xFFFFE000  }
0xdd: {  	[spmem:s2] =	stream.indirect.scatter.add.f32 [tilespmem:s24], [sflag:$0xA], $0x40, s15, s21, $0xb8;
	[tilespmem:$0x1E000] =	vst v63  }
.Ltmp5:
0xde: {  	_ = 	snop;
	(pc) =	sbr.rel .LBB2_6-.Ltmp5, $4  }
0xdf: {  	_ =	swait.ge [sflag:s1], $0x2000  }
0xe0: {  	[sflag:s1] =	ssyncset.done $0x0  }
0xe1: {  	s19 =	sadd.s32 $0x580, s19;
	s14 =	sadd.s32 $0xA00, s14;
	[sflag:s1] =	ssyncadd.s32 $0xFFFFE000  }
0xe2: {  	[tilespmem:s22], [sflag:$0x2] =	stream.indirect.gather [hbm4b:s4+s21], $0x40, s19, s21, $0xb8;
	[tilespmem:$0x1E000] =	vst v63  }
.LBB2_9:
0xe3: {  	_ =	sfence.sel $0x180000  }
0xe4: {  	[bflag:$0x0] =	sbarrier.arrive $0xFFFF  }
0xe5: {  	_ =	strace $0x9000004A  }
0xe6: {  	s0 =	stileid.u32;
	[bflag:$0x2] =	sbarrier.arrive $0xFFFF  }
0xe7: {  	p0 =	sne.s32 s0, $0x0;
	s0 =	rddreg [dreg:$0x2]  }
0xe8: {  	s0 =	sadd.s32 @!p0 $0x100000, s0  }
0xe9: {  	[sflag:s0] =	ssyncadd.tile.s32 @!p0 $0x1;
	_ =	shalt  }
.Lfunc_end2:
_tile_overlayer_lowered:
.L_overlay_start_2:
0xea: {  	(tag) =	ssettag $0x2  }
0xeb: {  	s0 =	rddreg [dreg:$0x0];
	s2 =	stileid.u32  }
0xec: {  	s1 =	rddreg [dreg:$0x1];
	p0 =	sne.s32 s2, $0x0  }
0xed: {  	s3 =	rddreg [dreg:$0x2];
	[bflag:$0x3] =	sbarrier.arrive $0xFFFF;
	s2 =	simm.s32 @!p0 $0x1C0B  }
0xee: {  	[timem:s3], [sflag:s2] =	dma.local @!p0 [hbm:s0], s1  }
0xef: {  	s0 =	simm.s32 @!p0 $0xB  }
0xf0: {  	_ =	swait.ge @!p0 [sflag:s0], s1  }
0xf1: {  	s1 =	ssub.s32 @!p0 $0x0, s1;
	[sflag:s0] =	ssyncset.done @!p0 $0x0  }
0xf2: {  	[sflag:s0] =	ssyncadd.s32 @!p0 s1  }
0xf3: {  	[bflag:$0x3] =	sbarrier.arrive $0xFFFF  }
0xf4: {  	_ =	shalt  }

// kernel: kernel.15.cloned.1.call-start
scs
__scs_entry_jumppad:
0x0: {  	(pc) =	sbr.rel $0x88, $3  }
0x1: {  	(tag) =	ssettag $0x0;
	lr =	simm.s32 $0x1  }
0x2: {  	[smem:$0x3F8C] =	sst lr;
	_ =	strace $0xD0000000  }
0x3: {  	_ = 	snop  }
0x4: {  	_ = 	snop  }
0x5: {  	_ = 	snop  }
0x6: {  	_ = 	snop  }
0x7: {  	_ = 	snop  }
__scs_overlays_trampoline_lowered:
0x8: {  	[smem:$0x3F9B] =	sst s0  }
0x9: {  	[smem:$0x3F9C] =	sst s1  }
0xa: {  	[smem:$0x3F9D] =	sst s2  }
0xb: {  	[smem:$0x3F9E] =	sst s3  }
0xc: {  	[smem:$0x3F9F] =	sst s4  }
0xd: {  	[smem:$0x3FA0] =	sst s5  }
0xe: {  	[smem:$0x3FA1] =	sst s6  }
0xf: {  	[smem:$0x3FA2] =	sst s7  }
0x10: {  	[smem:$0x3FA3] =	sst s8  }
0x11: {  	[smem:$0x3FA4] =	sst s9;
	s0 =	simm.s32 @!p0 $0x0  }
0x12: {  	s1 =	sld [smem:$0x3F8A];
	s0 =	simm.s32 @p0 $0x1  }
0x13: {  	[smem:$0x3FA5] =	sst s0;
	s0 =	simm.s32 @!p1 $0x0  }
0x14: {  	s2 =	sld [smem:$0x3F89];
	s0 =	simm.s32 @p1 $0x1  }
0x15: {  	[smem:$0x3FA6] =	sst s0;
	s0 =	simm.s32 @!p2 $0x0  }
0x16: {  	s3 =	sld [smem:$0x3FDB];
	s0 =	simm.s32 @p2 $0x1  }
0x17: {  	s4 =	simm.s32 $0x1BF5;
	[smem:$0x3FA8] =	sst s0  }
0x18: {  	s0 =	sld [smem:$0x3F8B];
	_ =	swait.ge [sflag:s4], $0x0  }
0x19: {  	s7 =	sld [smem:$0x3F8C]  }
0x1a: {  	s8 =	sadd.s32 $0xFFFFE003, lr  }
0x1b: {  	s9 =	sadd.s32 $0xFFFFFEF7, lr;
	s5 =	simm.s32 $0xFFFFFFFF;
	p2 =	slt.u32 s8, $0xFFFFF086  }
0x1c: {  	p1 =	slt.u32 s9, $0xF7A;
	s5 =	simm.s32 @!p2 $0x0  }
0x1d: {  	s5 =	simm.s32 @p1 $0x1;
	p0 =	seq.s32 s7, s2  }
0x1e: {  	s7 =	smul.u32 @!p0 $0xF7A, s2;
	p2 =	seq.s32 @!p0 s5, $0x0  }
0x1f: {  	s9 =	smul.u32 $0xF7A, s1;
	s8 =	simm.s32 @!p0 $0x1BF5;
	p2 =	por !p2, p0  }
0x20: {  	[sflag:s8] =	ssyncset.s32 @!p0 $0xFFFFF086;
	s6 =	sadd.s32 @!p0 s3, s7;
	s7 =	simm.s32 @!p0 $0x108  }
0x21: {  	s3 =	sadd.s32 s3, s9;
	s6 =	sadd.s32 @!p0 $0x88, s6;
	s7 =	simm.s32 @p2 $0x1082  }
0x22: {  	[simem:s7], [sflag:s8] =	dma.local @!p0 [hbm:s6], $0xF7A  }
0x23: {  	s9 =	sor.u32 $0xD0000000, s2;
	s6 =	simm.s32 $0x108;
	_ =	swait.ge @!p0 [sflag:s8], $0x0  }
0x24: {  	s3 =	sadd.s32 $0x88, s3;
	s6 =	simm.s32 @!p1 $0x1082;
	[sflag:s4] =	ssyncset.s32 $0xFFFFF086  }
0x25: {  	[simem:s6], [sflag:s4] =	dma.local [hbm:s3], $0xF7A  }
0x26: {  	[smem:$0x3F8C] =	sst s1;
	(tag) =	ssettag s2;
	_ =	strace s9  }
0x27: {  	s1 =	sld [smem:$0x3F9C]  }
0x28: {  	s2 =	sld [smem:$0x3F9D]  }
0x29: {  	s4 =	sld [smem:$0x3F9F]  }
0x2a: {  	p0 =	seq.s32 s5, $0x0;
	s5 =	sld [smem:$0x3FA0]  }
0x2b: {  	s6 =	sld [smem:$0x3FA1]  }
0x2c: {  	s7 =	sld [smem:$0x3FA2]  }
0x2d: {  	s3 =	simm.s32 $0x108;
	s8 =	sld [smem:$0x3FA3]  }
0x2e: {  	s3 =	simm.s32 @!p0 $0x1082;
	s9 =	sld [smem:$0x3FA4]  }
0x2f: {  	lr =	sadd.s32 s0, s3;
	s0 =	sld [smem:$0x3F9B]  }
0x30: {  	s3 =	sld [smem:$0x3F9E]  }
0x31: {  	[smem:$0x3FA7] =	sst s10  }
0x32: {  	s10 =	sld [smem:$0x3FA5];
	_ =	sdelay $0x3  }
0x33: {  	p0 =	seq.s32 s10, $0x1;
	s10 =	sld [smem:$0x3FA7];
	_ =	sdelay $0x3  }
0x34: {  	[smem:$0x3FA7] =	sst s10  }
0x35: {  	s10 =	sld [smem:$0x3FA6];
	_ =	sdelay $0x3  }
0x36: {  	p1 =	seq.s32 s10, $0x1;
	s10 =	sld [smem:$0x3FA7];
	_ =	sdelay $0x3  }
0x37: {  	[smem:$0x3FA7] =	sst s10  }
0x38: {  	s10 =	sld [smem:$0x3FA8]  }
0x39: {  	_ = 	snop;
	(pc) =	sbr.ind lr, $3  }
0x3a: {  	_ = 	snop  }
0x3b: {  	_ = 	snop  }
0x3c: {  	p2 =	seq.s32 s10, $0x1;
	s10 =	sld [smem:$0x3FA7]  }
0x3d: {  	_ =	shalt  }
0x3e: {  	_ =	shalt  }
0x3f: {  	_ =	shalt  }
0x40: {  	_ =	shalt  }
0x41: {  	_ =	shalt  }
0x42: {  	_ =	shalt  }
0x43: {  	_ =	shalt  }
0x44: {  	_ =	shalt  }
0x45: {  	_ =	shalt  }
0x46: {  	_ =	shalt  }
0x47: {  	_ =	shalt  }
0x48: {  	_ =	shalt  }
0x49: {  	_ =	shalt  }
0x4a: {  	_ =	shalt  }
0x4b: {  	_ =	shalt  }
0x4c: {  	_ =	shalt  }
0x4d: {  	_ =	shalt  }
0x4e: {  	_ =	shalt  }
0x4f: {  	_ =	shalt  }
0x50: {  	_ =	shalt  }
0x51: {  	_ =	shalt  }
0x52: {  	_ =	shalt  }
0x53: {  	_ =	shalt  }
0x54: {  	_ =	shalt  }
0x55: {  	_ =	shalt  }
0x56: {  	_ =	shalt  }
0x57: {  	_ =	shalt  }
0x58: {  	_ =	shalt  }
0x59: {  	_ =	shalt  }
0x5a: {  	_ =	shalt  }
0x5b: {  	_ =	shalt  }
0x5c: {  	_ =	shalt  }
0x5d: {  	_ =	shalt  }
0x5e: {  	_ =	shalt  }
0x5f: {  	_ =	shalt  }
0x60: {  	_ =	shalt  }
0x61: {  	_ =	shalt  }
0x62: {  	_ =	shalt  }
0x63: {  	_ =	shalt  }
0x64: {  	_ =	shalt  }
0x65: {  	_ =	shalt  }
0x66: {  	_ =	shalt  }
0x67: {  	_ =	shalt  }
0x68: {  	_ =	shalt  }
0x69: {  	_ =	shalt  }
0x6a: {  	_ =	shalt  }
0x6b: {  	_ =	shalt  }
0x6c: {  	_ =	shalt  }
0x6d: {  	_ =	shalt  }
0x6e: {  	_ =	shalt  }
0x6f: {  	_ =	shalt  }
0x70: {  	_ =	shalt  }
0x71: {  	_ =	shalt  }
0x72: {  	_ =	shalt  }
0x73: {  	_ =	shalt  }
0x74: {  	_ =	shalt  }
0x75: {  	_ =	shalt  }
0x76: {  	_ =	shalt  }
0x77: {  	_ =	shalt  }
0x78: {  	_ =	shalt  }
0x79: {  	_ =	shalt  }
0x7a: {  	_ =	shalt  }
0x7b: {  	_ =	shalt  }
0x7c: {  	_ =	shalt  }
0x7d: {  	_ =	shalt  }
0x7e: {  	_ =	shalt  }
0x7f: {  	_ =	shalt  }
0x80: {  	_ =	shalt  }
0x81: {  	_ =	shalt  }
0x82: {  	_ =	shalt  }
0x83: {  	_ =	shalt  }
0x84: {  	_ =	shalt  }
0x85: {  	_ =	shalt  }
0x86: {  	_ =	shalt  }
0x87: {  	_ =	shalt  }
.Lfunc_end0:
.L_simem_size_0:
called_computation.2_lowered:
.L_overlay_start_0:
0x88: {  	s2 =	sld [smem:$0x3FD9]  }
0x89: {  	s3 =	sld [smem:$0x3FFE];
	_ =	sdelay $0x1  }
0x8a: {  	s1 =	srdreg.scid  }
0x8b: {  	s0 =	sand.u32 $0x1, s1  }
0x8c: {  	s16 =	sshll.u32 s0, $0xA;
	s2 =	sadd.s32 s3, s2  }
0x8d: {  	s2 =	sadd.s32 s2, s16  }
0x8e: {  	[smem:$0x3FB3] =	sst s2  }
0x8f: {  	_ = 	snop  }
0x90: {  	(tm) =	ssettm $0x1  }
0x91: {  	s17 =	sld [smem:$0x3FFB];
	_ =	sdelay $0x3  }
0x92: {  	_ =	strace s17  }
0x93: {  	s2 =	sld [smem:$0x3FFC];
	_ =	sdelay $0x3  }
0x94: {  	_ =	strace s2  }
0x95: {  	s2 =	sld [smem:$0x3FFD];
	_ =	sdelay $0x3  }
0x96: {  	_ =	strace s2  }
0x97: {  	_ =	strace $0x8FFFFFFF  }
0x98: {  	s18 =	sld [smem:$0x3FDB];
	_ =	sdelay $0x1  }
0x99: {  	s19 =	simm.s32 $_scs_section_size  }
0x9a: {  	s4 =	simm.s32 $_size__tile_overlayer_lowered;
	s5 =	simm.s32 $_tile_overlayer_lowered  }
0x9b: {  	s22 =	simm.s32 $0x1BFF;
	s21 =	sshll.u32 s5, $0x1;
	s2 =	sadd.s32 s19, s18  }
0x9c: {  	s6 =	simm.s32 $0x0;
	s20 =	sshll.u32 s4, $0x1;
	s4 =	sadd.s32 s21, s2  }
0x9d: {  	[timem:s6], [sflag:s22] =	dma.local [hbm:s4], s20  }
0x9e: {  	_ =	swait.ge [sflag:s22], s20  }
0x9f: {  	s3 =	ssub.s32 $0x0, s20;
	[sflag:s22] =	ssyncset.done $0x0  }
0xa0: {  	[sflag:s22] =	ssyncadd.s32 s3;
	_ =	sdelay $0x1  }
0xa1: {  	s23 =	simm.s32 $0x1B8B  }
0xa2: {  	_ =	swait.ge [sflag:s23], $0x1  }
0xa3: {  	[sflag:s23] =	ssyncset.done $0x0  }
0xa4: {  	s25 =	simm.s32 $0x1B8E;
	s24 =	sld [smem:$0x3FFE];
	[sflag:s23] =	ssyncadd.s32 $0xFFFFFFFF  }
0xa5: {  	s26 =	simm.s32 $execute0_lowered;
	[smem:$0x3FD2] =	sst s25  }
0xa6: {  	s4 =	sshll.u32 s26, $0x1;
	_ =	strace $0x8000004C;
	[dreg:$0x1] =	wrdreg $0xFFFFFFFF  }
0xa7: {  	s28 =	simm.s32 $_size_execute0_lowered;
	s2 =	sadd.s32 s2, s4;
	[dreg:$0x0] =	wrdreg $0x0  }
0xa8: {  	s4 =	sshll.u32 s28, $0x1;
	[dreg:$0x2] =	wrdreg s2  }
0xa9: {  	[dreg:$0x3] =	wrdreg s4  }
0xaa: {  	[dreg:$0x4] =	wrdreg $0xC0  }
0xab: {  	_ =	task [dreg:s6], $0x5FFFF  }
0xac: {  	[dreg:$0x1] =	wrdreg $0xFFFFFFFF  }
0xad: {  	[dreg:$0x0] =	wrdreg $0x60  }
0xae: {  	[dreg:$0x2] =	wrdreg s24  }
0xaf: {  	[dreg:$0x3] =	wrdreg $0x140000  }
0xb0: {  	[dreg:$0x4] =	wrdreg $0x9  }
0xb1: {  	_ =	task.clear_ibuf [dreg:s6], $0x5FFFF;
	_ =	strace $0x9000004C  }
0xb2: {  	s29 =	simm.s32 $0x9;
	_ =	strace $0x8000004E  }
0xb3: {  	_ =	swait.ge [sflag:s29], $0x1  }
0xb4: {  	[sflag:s29] =	ssyncadd.s32 $0xFFFFFFFF  }
0xb5: {  	_ =	strace $0x9000004E  }
0xb6: {  	_ =	sfence  }
0xb7: {  	s30 =	sld [smem:$0x0];
	_ =	sdelay $0x2  }
0xb8: {  	s31 =	sshll.u32 s1, $0xD;
	s1 =	sshrl.u32 s1, $0x2  }
0xb9: {  	s3 =	sand.u32 $0x4000, s31;
	s1 =	sadd.s32 s1, s30  }
0xba: {  	s0 =	sor.u32 s3, s0;
	s1 =	sshll.u32 s1, $0x11  }
0xbb: {  	s0 =	sor.u32 s1, s0  }
0xbc: {  	s0 =	sadd.s32 $0x8F2B, s0  }
0xbd: {  	[sflag:s0] =	ssyncadd.remote.s32 $0x1  }
0xbe: {  	_ =	sfence.sel $0xFFFF  }
0xbf: {  	[dreg:$0x0] =	wrdreg $0xFFFFFFFF;
	(pc) =	sbr.abs _section_cstart, $3  }
0xc0: {  	[dreg:$0x1] =	wrdreg $0xFFFFFFFF  }
0xc1: {  	_ =	task.clear_ibuf [dreg:s6], $0x2FFFF;
	_ =	strace $0x9FFFFFFF  }
0xc2: {  	(tm) =	ssettm $0x7FFFFFFF  }
0xc3: {  	_ =	shalt  }
tec
execute0_lowered:
.L_overlay_start_1:
0x0: {  	(tag) =	ssettag $0x1  }
0x1: {  	s0 =	rddreg [dreg:$0x0]  }
0x2: {  	s2 =	rddreg [dreg:$0x1];
	s3 =	simm.s32 $0x0;
	s9 =	stileid.u32  }
0x3: {  	s1 =	srdreg.scid;
	s30 =	simm.s32 $0x10000;
	s31 =	simm.s32 $0x3  }
0x4: {  	s28 =	simm.s32 $0x4;
	s29 =	simm.s32 $0x5;
	s5 =	smul.u32 $0xA00, s9  }
0x5: {  	[smem:$0x7FF] =	sst s3;
	s1 =	sand.u32 $0x1, s1;
	s8 =	smul.u32 $0x28000, s9  }
0x6: {  	s4 =	sadd.s32 $0x21C00, s0;
	s11 =	smul.u32 $0x280, s9;
	_ =	strace $0x8000004D  }
0x7: {  	s7 =	ssub.s32 $0x2, s1;
	s6 =	smul.u32 $0x2800, s1;
	s14 =	sadd.s32 s5, s0  }
0x8: {  	s15 =	sshrl.u32 s7, $0x1;
	s0 =	sadd.s32 $0x49C00, s0;
	s17 =	sshrl.u32 s8, $0x2  }
0x9: {  	s18 =	sadd.s32 $0x80, s11;
	s12 =	sadd.s32 $0x100, s11;
	s13 =	sadd.s32 $0x180, s11  }
0xa: {  	s5 =	ssub.s32 s7, s15;
	s16 =	sadd.s32 $0x17C00, s14;
	s1 =	sadd.s32 $0x3C00, s14  }
0xb: {  	s7 =	sadd.s32 s17, s2;
	s19 =	sshll.u32 s18, $0x6;
	s20 =	sshll.u32 s12, $0x6  }
0xc: {  	s10 =	sshll.u32 s13, $0x6;
	s14 =	sadd.s32 $0x200, s11;
	s11 =	sadd.s32 s11, s6  }
0xd: {  	s22 =	sadd.s32 s6, s12;
	s23 =	sadd.s32 s6, s13;
	[dreg:$0x3] =	wrdreg s16  }
0xe: {  	s13 =	simm.s32 $0x0;
	[dreg:$0x4] =	wrdreg s1;
	s8 =	sadd.s32 s19, s2  }
0xf: {  	s9 =	sadd.s32 s20, s2;
	s10 =	sadd.s32 s10, s2;
	s15 =	sshll.u32 s14, $0x6  }
0x10: {  	s16 =	sshll.u32 s11, $0x3;
	s1 =	sadd.s32 s6, s18;
	s12 =	sshll.u32 s23, $0x3  }
0x11: {  	s24 =	sadd.s32 s6, s14;
	s17 =	smax.u32 s5, $0x1;
	s18 =	simm.s32 $0xB  }
0x12: {  	s20 =	simm.s32 $0xA000;
	s23 =	simm.s32 $0x1;
	s5 =	simm.s32 $0x8  }
0x13: {  	v0 =	vmov s6;
	s6 =	simm.s32 $0x9;
	s11 =	sadd.s32 s15, s2;
	s21 =	sadd.s32 s0, s16  }
0x14: {  	s1 =	sshll.u32 s1, $0x3;
	s25 =	sadd.s32 s0, s12;
	s26 =	sshll.u32 s24, $0x3  }
0x15: {  	s24 =	simm.s32 $0x12000;
	s12 =	simm.s32 $0xA;
	[dreg:$0x5] =	wrdreg s21  }
.Ltmp0:
0x16: {  	s1 =	sadd.s32 s0, s1;
	[dreg:$0x8] =	wrdreg s25;
	(pc) =	sbr.rel .LBB2_1-.Ltmp0, $4  }
0x17: {  	s21 =	simm.s32 $0x80;
	[dreg:$0x6] =	wrdreg s1;
	s1 =	sshll.u32 s22, $0x3  }
0x18: {  	s25 =	simm.s32 $0xE000;
	s22 =	simm.s32 $0xC000;
	s1 =	sadd.s32 s0, s1  }
0x19: {  	s0 =	sadd.s32 s0, s26;
	s26 =	simm.s32 $0x2;
	[dreg:$0x7] =	wrdreg s1  }
0x1a: {  	v1 =	vimm.f32 $0.0e+00;
	[dreg:$0x9] =	wrdreg s0;
	s0 =	simm.s32 $0x6;
	s1 =	simm.s32 $0x7  }
.LBB2_8:
0x1b: {  	_ =	swait.ge [sflag:s29], $0x2000  }
0x1c: {  	[sflag:s29] =	ssyncset.done $0x0  }
0x1d: {  	[sflag:s29] =	ssyncadd.s32 $0xFFFFE000  }
0x1e: {  	[spmem:s2] =	stream.indirect.scatter.add.f32 [tilespmem:s24], [sflag:$0xA], $0x40, s15, s21, $0xb8;
	[tilespmem:$0x1E000] =	vst v63  }
0x1f: {  	_ =	swait.ge [sflag:s0], $0x2000  }
0x20: {  	[sflag:s0] =	ssyncset.done $0x0  }
0x21: {  	[sflag:s0] =	ssyncadd.s32 $0xFFFFE000  }
0x22: {  	_ =	swait.ge [sflag:s1], $0x2000  }
0x23: {  	[sflag:s1] =	ssyncset.done $0x0  }
0x24: {  	[sflag:s1] =	ssyncadd.s32 $0xFFFFE000  }
0x25: {  	_ =	swait.ge [sflag:s5], $0x2000  }
0x26: {  	[sflag:s5] =	ssyncset.done $0x0  }
0x27: {  	[sflag:s5] =	ssyncadd.s32 $0xFFFFE000  }
0x28: {  	_ =	swait.ge [sflag:s6], $0x2000  }
0x29: {  	[sflag:s6] =	ssyncset.done $0x0  }
0x2a: {  	[sflag:s6] =	ssyncadd.s32 $0xFFFFE000  }
0x2b: {  	_ =	swait.ge [sflag:s12], $0x2000  }
0x2c: {  	[sflag:s12] =	ssyncset.done $0x0  }
0x2d: {  	[sflag:s12] =	ssyncadd.s32 $0xFFFFE000  }
0x2e: {  	[bflag:$0x0] =	sbarrier.arrive $0xFFFF  }
0x2f: {  	[tilespmem:s20], [sflag:$0xB] =	stream.linear.gather [spmem:s7], $0x2000, $0x38;
	[tilespmem:$0x1E000] =	vst v63  }
0x30: {  	_ =	swait.ge [sflag:s18], $0x2000  }
0x31: {  	[sflag:s18] =	ssyncset.done $0x0  }
0x32: {  	s14 =	rddreg [dreg:$0x5];
	[sflag:s18] =	ssyncadd.s32 $0xFFFFE000  }
0x33: {  	[hbm4b:s14+s3] =	stream.linear.scatter [tilespmem:s20], [sflag:$0xB], $0x2000, $0x38;
	[tilespmem:$0x1E000] =	vst v63  }
0x34: {  	_ =	swait.ge [sflag:s18], $0x2000  }
0x35: {  	[sflag:s18] =	ssyncset.done $0x0  }
0x36: {  	[sflag:s18] =	ssyncadd.s32 $0xFFFFE000  }
0x37: {  	[tilespmem:s22], [sflag:$0xB] =	stream.linear.gather [spmem:s8], $0x2000, $0x38;
	[tilespmem:$0x1E000] =	vst v63  }
0x38: {  	_ =	swait.ge [sflag:s18], $0x2000  }
0x39: {  	[sflag:s18] =	ssyncset.done $0x0  }
0x3a: {  	s19 =	rddreg [dreg:$0x6];
	[sflag:s18] =	ssyncadd.s32 $0xFFFFE000  }
0x3b: {  	[hbm4b:s19+s3] =	stream.linear.scatter [tilespmem:s22], [sflag:$0xB], $0x2000, $0x38;
	[tilespmem:$0x1E000] =	vst v63  }
0x3c: {  	_ =	swait.ge [sflag:s18], $0x2000  }
0x3d: {  	[sflag:s18] =	ssyncset.done $0x0  }
0x3e: {  	[sflag:s18] =	ssyncadd.s32 $0xFFFFE000  }
0x3f: {  	[tilespmem:s25], [sflag:$0xB] =	stream.linear.gather [spmem:s9], $0x2000, $0x38;
	[tilespmem:$0x1E000] =	vst v63  }
0x40: {  	_ =	swait.ge [sflag:s18], $0x2000  }
0x41: {  	[sflag:s18] =	ssyncset.done $0x0  }
0x42: {  	s15 =	rddreg [dreg:$0x7];
	[sflag:s18] =	ssyncadd.s32 $0xFFFFE000  }
0x43: {  	[hbm4b:s15+s3] =	stream.linear.scatter [tilespmem:s25], [sflag:$0xB], $0x2000, $0x38;
	[tilespmem:$0x1E000] =	vst v63  }
0x44: {  	_ =	swait.ge [sflag:s18], $0x2000  }
0x45: {  	[sflag:s18] =	ssyncset.done $0x0  }
0x46: {  	[sflag:s18] =	ssyncadd.s32 $0xFFFFE000  }
0x47: {  	[tilespmem:s30], [sflag:$0xB] =	stream.linear.gather [spmem:s10], $0x2000, $0x38;
	[tilespmem:$0x1E000] =	vst v63  }
0x48: {  	_ =	swait.ge [sflag:s18], $0x2000  }
0x49: {  	[sflag:s18] =	ssyncset.done $0x0  }
0x4a: {  	s16 =	rddreg [dreg:$0x8];
	[sflag:s18] =	ssyncadd.s32 $0xFFFFE000  }
0x4b: {  	[hbm4b:s16+s3] =	stream.linear.scatter [tilespmem:s30], [sflag:$0xB], $0x2000, $0x38;
	[tilespmem:$0x1E000] =	vst v63  }
0x4c: {  	_ =	swait.ge [sflag:s18], $0x2000  }
0x4d: {  	[sflag:s18] =	ssyncset.done $0x0  }
0x4e: {  	[sflag:s18] =	ssyncadd.s32 $0xFFFFE000  }
0x4f: {  	[tilespmem:s24], [sflag:$0xB] =	stream.linear.gather [spmem:s11], $0x2000, $0x38;
	[tilespmem:$0x1E000] =	vst v63  }
0x50: {  	s13 =	sadd.s32 $0x1, s13;
	_ =	swait.ge [sflag:s18], $0x2000  }
0x51: {  	p0 =	sne.s32 s13, s17;
	[sflag:s18] =	ssyncset.done $0x0  }
.Ltmp1:
0x52: {  	s19 =	rddreg [dreg:$0x9];
	[sflag:s18] =	ssyncadd.s32 $0xFFFFE000;
	(pc) =	sbr.rel @!p0 .LBB2_9-.Ltmp1, $4  }
0x53: {  	[hbm4b:s19+s3] =	stream.linear.scatter [tilespmem:s24], [sflag:$0xB], $0x2000, $0x38;
	[tilespmem:$0x1E000] =	vst v63  }
0x54: {  	_ =	swait.ge [sflag:s18], $0x2000  }
0x55: {  	[sflag:s18] =	ssyncset.done $0x0  }
0x56: {  	[sflag:s18] =	ssyncadd.s32 $0xFFFFE000  }
.LBB2_1:
0x57: {  	s14 =	rddreg [dreg:$0x3]  }
0x58: {  	[tilespmem:s3], [sflag:$0xB] =	stream.linear.gather [hbm4b:s14+s3], $0x5000, $0x38;
	[tilespmem:$0x1E000] =	vst v63  }
0x59: {  	_ =	swait.ge [sflag:s18], $0x5000  }
0x5a: {  	[sflag:s18] =	ssyncset.done $0x0  }
0x5b: {  	s15 =	simm.s32 $0x5000;
	s19 =	rddreg [dreg:$0x4];
	[sflag:s18] =	ssyncadd.s32 $0xFFFFB000  }
0x5c: {  	[tilespmem:s15], [sflag:$0xB] =	stream.linear.gather [hbm4b:s19+s3], $0x5000, $0x38;
	[tilespmem:$0x1E000] =	vst v63  }
0x5d: {  	_ =	swait.ge [sflag:s18], $0x5000  }
0x5e: {  	[sflag:s18] =	ssyncset.done $0x0  }
0x5f: {  	s14 =	simm.s32 $0x70;
	[sflag:s18] =	ssyncadd.s32 $0xFFFFB000  }
0x60: {  	v4 =	vld [tilespmem:s14+$0xFFFFFF90]  }
0x61: {  	v6 =	vld [tilespmem:s14+$0xFFFFFFA0]  }
0x62: {  	v5 =	vld [tilespmem:s14+$0xFFFFFFB0]  }
0x63: {  	v3 =	vld [tilespmem:s14+$0xFFFFFFC0]  }
0x64: {  	v2 =	vld [tilespmem:s14+$0xFFFFFFD0]  }
0x65: {  	s19 =	simm.s32 $0x3C0;
	v7 =	vadd.s32 v0, v4;
	v4 =	vld [tilespmem:s14+$0xFFFFFFE0]  }
.LBB2_2:
0x66: {  	p0 =	sne.s32 s19, $0x13FC0;
	[tilespmem:s14+$0xFFFFFF90] =	vst v7;
	v6 =	vadd.s32 v0, v6;
	v7 =	vld [tilespmem:s14+$0x0]  }
0x67: {  	s15 =	sshra.s32 s19, $0x2;
	[tilespmem:s14+$0xFFFFFFA0] =	vst v6;
	v5 =	vadd.s32 v0, v5;
	v8 =	vld [tilespmem:s14+$0xFFFFFFF0]  }
0x68: {  	v9 =	vld [tilespmem:s15+$0xFFFFFF90];
	[tilespmem:s14+$0xFFFFFFB0] =	vst v5;
	v3 =	vadd.s32 v0, v3  }
.Ltmp2:
0x69: {  	v6 =	vld [tilespmem:s15+$0xFFFFFFA0];
	[tilespmem:s14+$0xFFFFFFC0] =	vst v3;
	v2 =	vadd.s32 v0, v2;
	(pc) =	sbr.rel @p0 .LBB2_2-.Ltmp2, $4  }
0x6a: {  	v5 =	vld [tilespmem:s15+$0xFFFFFFB0];
	[tilespmem:s14+$0xFFFFFFD0] =	vst v2;
	v2 =	vadd.s32 v0, v4  }
0x6b: {  	v3 =	vld [tilespmem:s15+$0xFFFFFFC0];
	[tilespmem:s14+$0xFFFFFFE0] =	vst v2;
	v4 =	vadd.s32 v0, v7  }
0x6c: {  	v2 =	vld [tilespmem:s15+$0xFFFFFFD0];
	v8 =	vadd.s32 v0, v8;
	[tilespmem:s14+$0x0] =	vst v4  }
0x6d: {  	s19 =	sadd.s32 $0x200, s19;
	v7 =	vadd.s32 v0, v9;
	v4 =	vld [tilespmem:s15+$0xFFFFFFE0];
	[tilespmem:s14+$0xFFFFFFF0] =	vst v8;
	s14 =	smov.u32 s15  }
0x6e: {  	[tilespmem:s14+$0xFFFFFF90] =	vst v7;
	v6 =	vadd.s32 v0, v6;
	v62 =	vld [tilespmem:s14+$0x0]  }
0x6f: {  	v63 =	vld [tilespmem:s14+$0xFFFFFFF0];
	[tilespmem:s14+$0xFFFFFFA0] =	vst v6;
	v5 =	vadd.s32 v0, v5  }
0x70: {  	[tilespmem:s14+$0xFFFFFFB0] =	vst v5;
	v3 =	vadd.s32 v0, v3  }
0x71: {  	[tilespmem:s14+$0xFFFFFFC0] =	vst v3;
	v2 =	vadd.s32 v0, v2  }
0x72: {  	[tilespmem:s14+$0xFFFFFFD0] =	vst v2;
	v2 =	vadd.s32 v0, v4  }
0x73: {  	[tilespmem:s14+$0xFFFFFFE0] =	vst v2;
	v2 =	vadd.s32 v0, v62  }
0x74: {  	v3 =	vadd.s32 v0, v63;
	[tilespmem:s14+$0x0] =	vst v2  }
0x75: {  	s19 =	simm.s32 $0x100;
	[tilespmem:s14+$0xFFFFFFF0] =	vst v3;
	s14 =	simm.s32 $0x0  }
.LBB2_4:
0x76: {  	p0 =	sne.s32 s19, $0x7F00;
	[tilespmem:s14+$0xA030] =	vst v1;
	s15 =	smov.u32 s19;
	s19 =	sadd.s32 $0x100, s19  }
.Ltmp3:
0x77: {  	[tilespmem:s14+$0xA020] =	vst v1;
	(pc) =	sbr.rel @p0 .LBB2_4-.Ltmp3, $3  }
0x78: {  	[tilespmem:s14+$0xA000] =	vst v1  }
0x79: {  	[tilespmem:s14+$0xA010] =	vst v1;
	_ =	sdelay $0x1  }
0x7a: {  	s14 =	sshra.s32 s15, $0x2  }
0x7b: {  	[tilespmem:s14+$0xA030] =	vst v1  }
0x7c: {  	[tilespmem:s14+$0xA020] =	vst v1  }
0x7d: {  	[tilespmem:s14+$0xA000] =	vst v1  }
0x7e: {  	[tilespmem:s14+$0xA010] =	vst v1  }
0x7f: {  	[spmem:s7] =	stream.linear.scatter [tilespmem:s20], [sflag:$0xB], $0x2000, $0x38;
	[tilespmem:$0x1E000] =	vst v63  }
0x80: {  	_ =	swait.ge [sflag:s18], $0x2000  }
0x81: {  	[sflag:s18] =	ssyncset.done $0x0  }
0x82: {  	[sflag:s18] =	ssyncadd.s32 $0xFFFFE000  }
0x83: {  	[spmem:s8] =	stream.linear.scatter [tilespmem:s20], [sflag:$0xB], $0x2000, $0x38;
	[tilespmem:$0x1E000] =	vst v63  }
0x84: {  	_ =	swait.ge [sflag:s18], $0x2000  }
0x85: {  	[sflag:s18] =	ssyncset.done $0x0  }
0x86: {  	[sflag:s18] =	ssyncadd.s32 $0xFFFFE000  }
0x87: {  	[spmem:s9] =	stream.linear.scatter [tilespmem:s20], [sflag:$0xB], $0x2000, $0x38;
	[tilespmem:$0x1E000] =	vst v63  }
0x88: {  	_ =	swait.ge [sflag:s18], $0x2000  }
0x89: {  	[sflag:s18] =	ssyncset.done $0x0  }
0x8a: {  	[sflag:s18] =	ssyncadd.s32 $0xFFFFE000  }
0x8b: {  	[spmem:s10] =	stream.linear.scatter [tilespmem:s20], [sflag:$0xB], $0x2000, $0x38;
	[tilespmem:$0x1E000] =	vst v63  }
0x8c: {  	_ =	swait.ge [sflag:s18], $0x2000  }
0x8d: {  	[sflag:s18] =	ssyncset.done $0x0  }
0x8e: {  	[sflag:s18] =	ssyncadd.s32 $0xFFFFE000  }
0x8f: {  	[spmem:s11] =	stream.linear.scatter [tilespmem:s20], [sflag:$0xB], $0x2000, $0x38;
	[tilespmem:$0x1E000] =	vst v63  }
0x90: {  	_ =	swait.ge [sflag:s18], $0x2000  }
0x91: {  	[sflag:s18] =	ssyncset.done $0x0  }
0x92: {  	[sflag:s18] =	ssyncadd.s32 $0xFFFFE000  }
0x93: {  	s14 =	simm.s32 $0x0;
	[bflag:$0x0] =	sbarrier.arrive $0xFFFF  }
0x94: {  	[tilespmem:s20], [sflag:$0x1] =	stream.indirect.gather [hbm4b:s4+s21], $0x40, s14, s21, $0xb8;
	[tilespmem:$0x1E000] =	vst v63  }
0x95: {  	_ = 	snop  }
0x96: {  	[tilespmem:s22], [sflag:$0x2] =	stream.indirect.gather [hbm4b:s4+s21], $0x40, s21, s21, $0xb8;
	[tilespmem:$0x1E000] =	vst v63  }
0x97: {  	_ =	swait.ge [sflag:s23], $0x2000  }
0x98: {  	[sflag:s23] =	ssyncset.done $0x0  }
0x99: {  	s15 =	simm.s32 $0x5000;
	[sflag:s23] =	ssyncadd.s32 $0xFFFFE000  }
0x9a: {  	[spmem:s2] =	stream.indirect.scatter.add.f32 [tilespmem:s20], [sflag:$0x6], $0x40, s15, s21, $0xb8;
	[tilespmem:$0x1E000] =	vst v63  }
0x9b: {  	s19 =	simm.s32 $0x100  }
0x9c: {  	[tilespmem:s25], [sflag:$0x3] =	stream.indirect.gather [hbm4b:s4+s21], $0x40, s19, s21, $0xb8;
	[tilespmem:$0x1E000] =	vst v63  }
0x9d: {  	_ =	swait.ge [sflag:s26], $0x2000  }
0x9e: {  	[sflag:s26] =	ssyncset.done $0x0  }
0x9f: {  	s16 =	simm.s32 $0x5080;
	[sflag:s26] =	ssyncadd.s32 $0xFFFFE000  }
0xa0: {  	[spmem:s2] =	stream.indirect.scatter.add.f32 [tilespmem:s22], [sflag:$0x7], $0x40, s16, s21, $0xb8;
	[tilespmem:$0x1E000] =	vst v63  }
0xa1: {  	s19 =	simm.s32 $0x180  }
0xa2: {  	[tilespmem:s30], [sflag:$0x4] =	stream.indirect.gather [hbm4b:s4+s21], $0x40, s19, s21, $0xb8;
	[tilespmem:$0x1E000] =	vst v63  }
0xa3: {  	_ =	swait.ge [sflag:s31], $0x2000  }
0xa4: {  	[sflag:s31] =	ssyncset.done $0x0  }
0xa5: {  	s16 =	simm.s32 $0x5100;
	[sflag:s31] =	ssyncadd.s32 $0xFFFFE000  }
0xa6: {  	[spmem:s2] =	stream.indirect.scatter.add.f32 [tilespmem:s25], [sflag:$0x8], $0x40, s16, s21, $0xb8;
	[tilespmem:$0x1E000] =	vst v63  }
0xa7: {  	s19 =	simm.s32 $0x200  }
0xa8: {  	[tilespmem:s24], [sflag:$0x5] =	stream.indirect.gather [hbm4b:s4+s21], $0x40, s19, s21, $0xb8;
	[tilespmem:$0x1E000] =	vst v63  }
0xa9: {  	_ =	swait.ge [sflag:s28], $0x2000  }
0xaa: {  	[sflag:s28] =	ssyncset.done $0x0  }
0xab: {  	s16 =	simm.s32 $0x5180;
	[sflag:s28] =	ssyncadd.s32 $0xFFFFE000  }
0xac: {  	[spmem:s2] =	stream.indirect.scatter.add.f32 [tilespmem:s30], [sflag:$0x9], $0x40, s16, s21, $0xb8;
	[tilespmem:$0x1E000] =	vst v63  }
0xad: {  	_ =	swait.ge [sflag:s0], $0x2000  }
0xae: {  	[sflag:s0] =	ssyncset.done $0x0  }
0xaf: {  	s19 =	simm.s32 $0x280;
	[sflag:s0] =	ssyncadd.s32 $0xFFFFE000  }
0xb0: {  	[tilespmem:s20], [sflag:$0x1] =	stream.indirect.gather [hbm4b:s4+s21], $0x40, s19, s21, $0xb8;
	[tilespmem:$0x1E000] =	vst v63  }
0xb1: {  	_ =	swait.ge [sflag:s29], $0x2000  }
0xb2: {  	[sflag:s29] =	ssyncset.done $0x0  }
0xb3: {  	s16 =	simm.s32 $0x5200;
	[sflag:s29] =	ssyncadd.s32 $0xFFFFE000  }
0xb4: {  	[spmem:s2] =	stream.indirect.scatter.add.f32 [tilespmem:s24], [sflag:$0xA], $0x40, s16, s21, $0xb8;
	[tilespmem:$0x1E000] =	vst v63  }
0xb5: {  	_ =	swait.ge [sflag:s1], $0x2000  }
0xb6: {  	[sflag:s1] =	ssyncset.done $0x0  }
0xb7: {  	s19 =	simm.s32 $0x300;
	[sflag:s1] =	ssyncadd.s32 $0xFFFFE000  }
0xb8: {  	[tilespmem:s22], [sflag:$0x2] =	stream.indirect.gather [hbm4b:s4+s21], $0x40, s19, s21, $0xb8;
	[tilespmem:$0x1E000] =	vst v63  }
.LBB2_6:
0xb9: {  	_ =	swait.ge [sflag:s23], $0x2000  }
0xba: {  	s19 =	sshra.s32 s14, $0x2;
	[sflag:s23] =	ssyncset.done $0x0  }
0xbb: {  	s15 =	sadd.s32 $0x5280, s19;
	[sflag:s23] =	ssyncadd.s32 $0xFFFFE000  }
0xbc: {  	[spmem:s2] =	stream.indirect.scatter.add.f32 [tilespmem:s20], [sflag:$0x6], $0x40, s15, s21, $0xb8;
	[tilespmem:$0x1E000] =	vst v63  }
0xbd: {  	_ =	swait.ge [sflag:s5], $0x2000  }
0xbe: {  	[sflag:s5] =	ssyncset.done $0x0  }
0xbf: {  	s16 =	sadd.s32 $0x380, s19;
	[sflag:s5] =	ssyncadd.s32 $0xFFFFE000  }
0xc0: {  	[tilespmem:s25], [sflag:$0x3] =	stream.indirect.gather [hbm4b:s4+s21], $0x40, s16, s21, $0xb8;
	[tilespmem:$0x1E000] =	vst v63  }
0xc1: {  	_ =	swait.ge [sflag:s26], $0x2000  }
0xc2: {  	[sflag:s26] =	ssyncset.done $0x0  }
0xc3: {  	s16 =	sadd.s32 $0x5300, s19;
	[sflag:s26] =	ssyncadd.s32 $0xFFFFE000  }
0xc4: {  	[spmem:s2] =	stream.indirect.scatter.add.f32 [tilespmem:s22], [sflag:$0x7], $0x40, s16, s21, $0xb8;
	[tilespmem:$0x1E000] =	vst v63  }
0xc5: {  	_ =	swait.ge [sflag:s6], $0x2000  }
0xc6: {  	[sflag:s6] =	ssyncset.done $0x0  }
0xc7: {  	s16 =	sadd.s32 $0x400, s19;
	[sflag:s6] =	ssyncadd.s32 $0xFFFFE000  }
0xc8: {  	[tilespmem:s30], [sflag:$0x4] =	stream.indirect.gather [hbm4b:s4+s21], $0x40, s16, s21, $0xb8;
	[tilespmem:$0x1E000] =	vst v63  }
0xc9: {  	_ =	swait.ge [sflag:s31], $0x2000  }
0xca: {  	[sflag:s31] =	ssyncset.done $0x0  }
0xcb: {  	s16 =	sadd.s32 $0x5380, s19;
	[sflag:s31] =	ssyncadd.s32 $0xFFFFE000  }
0xcc: {  	[spmem:s2] =	stream.indirect.scatter.add.f32 [tilespmem:s25], [sflag:$0x8], $0x40, s16, s21, $0xb8;
	[tilespmem:$0x1E000] =	vst v63  }
0xcd: {  	_ =	swait.ge [sflag:s12], $0x2000  }
0xce: {  	[sflag:s12] =	ssyncset.done $0x0  }
0xcf: {  	p0 =	seq.s32 s14, $0x12C00;
	s16 =	sadd.s32 $0x480, s19;
	[sflag:s12] =	ssyncadd.s32 $0xFFFFE000  }
0xd0: {  	[tilespmem:s24], [sflag:$0x5] =	stream.indirect.gather [hbm4b:s4+s21], $0x40, s16, s21, $0xb8;
	[tilespmem:$0x1E000] =	vst v63  }
.Ltmp4:
0xd1: {  	_ = 	snop;
	(pc) =	sbr.rel @p0 .LBB2_8-.Ltmp4, $4  }
0xd2: {  	_ =	swait.ge [sflag:s28], $0x2000  }
0xd3: {  	[sflag:s28] =	ssyncset.done $0x0  }
0xd4: {  	s15 =	sadd.s32 $0x5480, s19;
	s16 =	sadd.s32 $0x5400, s19;
	[sflag:s28] =	ssyncadd.s32 $0xFFFFE000  }
0xd5: {  	[spmem:s2] =	stream.indirect.scatter.add.f32 [tilespmem:s30], [sflag:$0x9], $0x40, s16, s21, $0xb8;
	[tilespmem:$0x1E000] =	vst v63  }
0xd6: {  	_ =	swait.ge [sflag:s0], $0x2000  }
0xd7: {  	[sflag:s0] =	ssyncset.done $0x0  }
0xd8: {  	s16 =	sadd.s32 $0x500, s19;
	[sflag:s0] =	ssyncadd.s32 $0xFFFFE000  }
0xd9: {  	[tilespmem:s20], [sflag:$0x1] =	stream.indirect.gather [hbm4b:s4+s21], $0x40, s16, s21, $0xb8;
	[tilespmem:$0x1E000] =	vst v63  }
0xda: {  	_ =	swait.ge [sflag:s29], $0x2000  }
0xdb: {  	[sflag:s29] =	ssyncset.done $0x0  }
0xdc: {  	[sflag:s29] =	ssyncadd.s32 $0xFFFFE000  }
0xdd: {  	[spmem:s2] =	stream.indirect.scatter.add.f32 [tilespmem:s24], [sflag:$0xA], $0x40, s15, s21, $0xb8;
	[tilespmem:$0x1E000] =	vst v63  }
.Ltmp5:
0xde: {  	_ = 	snop;
	(pc) =	sbr.rel .LBB2_6-.Ltmp5, $4  }
0xdf: {  	_ =	swait.ge [sflag:s1], $0x2000  }
0xe0: {  	[sflag:s1] =	ssyncset.done $0x0  }
0xe1: {  	s19 =	sadd.s32 $0x580, s19;
	s14 =	sadd.s32 $0xA00, s14;
	[sflag:s1] =	ssyncadd.s32 $0xFFFFE000  }
0xe2: {  	[tilespmem:s22], [sflag:$0x2] =	stream.indirect.gather [hbm4b:s4+s21], $0x40, s19, s21, $0xb8;
	[tilespmem:$0x1E000] =	vst v63  }
.LBB2_9:
0xe3: {  	_ =	sfence.sel $0x180000  }
0xe4: {  	[bflag:$0x0] =	sbarrier.arrive $0xFFFF  }
0xe5: {  	_ =	strace $0x9000004D  }
0xe6: {  	s0 =	stileid.u32;
	[bflag:$0x2] =	sbarrier.arrive $0xFFFF  }
0xe7: {  	p0 =	sne.s32 s0, $0x0;
	s0 =	rddreg [dreg:$0x2]  }
0xe8: {  	s0 =	sadd.s32 @!p0 $0x100000, s0  }
0xe9: {  	[sflag:s0] =	ssyncadd.tile.s32 @!p0 $0x1;
	_ =	shalt  }
.Lfunc_end2:
_tile_overlayer_lowered:
.L_overlay_start_2:
0xea: {  	(tag) =	ssettag $0x2  }
0xeb: {  	s0 =	rddreg [dreg:$0x0];
	s2 =	stileid.u32  }
0xec: {  	s1 =	rddreg [dreg:$0x1];
	p0 =	sne.s32 s2, $0x0  }
0xed: {  	s3 =	rddreg [dreg:$0x2];
	[bflag:$0x3] =	sbarrier.arrive $0xFFFF;
	s2 =	simm.s32 @!p0 $0x1C0B  }
0xee: {  	[timem:s3], [sflag:s2] =	dma.local @!p0 [hbm:s0], s1  }
0xef: {  	s0 =	simm.s32 @!p0 $0xB  }
0xf0: {  	_ =	swait.ge @!p0 [sflag:s0], s1  }
0xf1: {  	s1 =	ssub.s32 @!p0 $0x0, s1;
	[sflag:s0] =	ssyncset.done @!p0 $0x0  }
0xf2: {  	[sflag:s0] =	ssyncadd.s32 @!p0 s1  }
0xf3: {  	[bflag:$0x3] =	sbarrier.arrive $0xFFFF  }
0xf4: {  	_ =	shalt  }

// kernel: kernel.9.cloned.1.call-start
scs
__scs_entry_jumppad:
0x0: {  	(pc) =	sbr.rel $0x88, $3  }
0x1: {  	(tag) =	ssettag $0x0;
	lr =	simm.s32 $0x1  }
0x2: {  	[smem:$0x3F8C] =	sst lr;
	_ =	strace $0xD0000000  }
0x3: {  	_ = 	snop  }
0x4: {  	_ = 	snop  }
0x5: {  	_ = 	snop  }
0x6: {  	_ = 	snop  }
0x7: {  	_ = 	snop  }
__scs_overlays_trampoline_lowered:
0x8: {  	[smem:$0x3F9B] =	sst s0  }
0x9: {  	[smem:$0x3F9C] =	sst s1  }
0xa: {  	[smem:$0x3F9D] =	sst s2  }
0xb: {  	[smem:$0x3F9E] =	sst s3  }
0xc: {  	[smem:$0x3F9F] =	sst s4  }
0xd: {  	[smem:$0x3FA0] =	sst s5  }
0xe: {  	[smem:$0x3FA1] =	sst s6  }
0xf: {  	[smem:$0x3FA2] =	sst s7  }
0x10: {  	[smem:$0x3FA3] =	sst s8  }
0x11: {  	[smem:$0x3FA4] =	sst s9;
	s0 =	simm.s32 @!p0 $0x0  }
0x12: {  	s1 =	sld [smem:$0x3F8A];
	s0 =	simm.s32 @p0 $0x1  }
0x13: {  	[smem:$0x3FA5] =	sst s0;
	s0 =	simm.s32 @!p1 $0x0  }
0x14: {  	s2 =	sld [smem:$0x3F89];
	s0 =	simm.s32 @p1 $0x1  }
0x15: {  	[smem:$0x3FA6] =	sst s0;
	s0 =	simm.s32 @!p2 $0x0  }
0x16: {  	s3 =	sld [smem:$0x3FDB];
	s0 =	simm.s32 @p2 $0x1  }
0x17: {  	s4 =	simm.s32 $0x1BF5;
	[smem:$0x3FA8] =	sst s0  }
0x18: {  	s0 =	sld [smem:$0x3F8B];
	_ =	swait.ge [sflag:s4], $0x0  }
0x19: {  	s7 =	sld [smem:$0x3F8C]  }
0x1a: {  	s8 =	sadd.s32 $0xFFFFE003, lr  }
0x1b: {  	s9 =	sadd.s32 $0xFFFFFEF7, lr;
	s5 =	simm.s32 $0xFFFFFFFF;
	p2 =	slt.u32 s8, $0xFFFFF086  }
0x1c: {  	p1 =	slt.u32 s9, $0xF7A;
	s5 =	simm.s32 @!p2 $0x0  }
0x1d: {  	s5 =	simm.s32 @p1 $0x1;
	p0 =	seq.s32 s7, s2  }
0x1e: {  	s7 =	smul.u32 @!p0 $0xF7A, s2;
	p2 =	seq.s32 @!p0 s5, $0x0  }
0x1f: {  	s9 =	smul.u32 $0xF7A, s1;
	s8 =	simm.s32 @!p0 $0x1BF5;
	p2 =	por !p2, p0  }
0x20: {  	[sflag:s8] =	ssyncset.s32 @!p0 $0xFFFFF086;
	s6 =	sadd.s32 @!p0 s3, s7;
	s7 =	simm.s32 @!p0 $0x108  }
0x21: {  	s3 =	sadd.s32 s3, s9;
	s6 =	sadd.s32 @!p0 $0x88, s6;
	s7 =	simm.s32 @p2 $0x1082  }
0x22: {  	[simem:s7], [sflag:s8] =	dma.local @!p0 [hbm:s6], $0xF7A  }
0x23: {  	s9 =	sor.u32 $0xD0000000, s2;
	s6 =	simm.s32 $0x108;
	_ =	swait.ge @!p0 [sflag:s8], $0x0  }
0x24: {  	s3 =	sadd.s32 $0x88, s3;
	s6 =	simm.s32 @!p1 $0x1082;
	[sflag:s4] =	ssyncset.s32 $0xFFFFF086  }
0x25: {  	[simem:s6], [sflag:s4] =	dma.local [hbm:s3], $0xF7A  }
0x26: {  	[smem:$0x3F8C] =	sst s1;
	(tag) =	ssettag s2;
	_ =	strace s9  }
0x27: {  	s1 =	sld [smem:$0x3F9C]  }
0x28: {  	s2 =	sld [smem:$0x3F9D]  }
0x29: {  	s4 =	sld [smem:$0x3F9F]  }
0x2a: {  	p0 =	seq.s32 s5, $0x0;
	s5 =	sld [smem:$0x3FA0]  }
0x2b: {  	s6 =	sld [smem:$0x3FA1]  }
0x2c: {  	s7 =	sld [smem:$0x3FA2]  }
0x2d: {  	s3 =	simm.s32 $0x108;
	s8 =	sld [smem:$0x3FA3]  }
0x2e: {  	s3 =	simm.s32 @!p0 $0x1082;
	s9 =	sld [smem:$0x3FA4]  }
0x2f: {  	lr =	sadd.s32 s0, s3;
	s0 =	sld [smem:$0x3F9B]  }
0x30: {  	s3 =	sld [smem:$0x3F9E]  }
0x31: {  	[smem:$0x3FA7] =	sst s10  }
0x32: {  	s10 =	sld [smem:$0x3FA5];
	_ =	sdelay $0x3  }
0x33: {  	p0 =	seq.s32 s10, $0x1;
	s10 =	sld [smem:$0x3FA7];
	_ =	sdelay $0x3  }
0x34: {  	[smem:$0x3FA7] =	sst s10  }
0x35: {  	s10 =	sld [smem:$0x3FA6];
	_ =	sdelay $0x3  }
0x36: {  	p1 =	seq.s32 s10, $0x1;
	s10 =	sld [smem:$0x3FA7];
	_ =	sdelay $0x3  }
0x37: {  	[smem:$0x3FA7] =	sst s10  }
0x38: {  	s10 =	sld [smem:$0x3FA8]  }
0x39: {  	_ = 	snop;
	(pc) =	sbr.ind lr, $3  }
0x3a: {  	_ = 	snop  }
0x3b: {  	_ = 	snop  }
0x3c: {  	p2 =	seq.s32 s10, $0x1;
	s10 =	sld [smem:$0x3FA7]  }
0x3d: {  	_ =	shalt  }
0x3e: {  	_ =	shalt  }
0x3f: {  	_ =	shalt  }
0x40: {  	_ =	shalt  }
0x41: {  	_ =	shalt  }
0x42: {  	_ =	shalt  }
0x43: {  	_ =	shalt  }
0x44: {  	_ =	shalt  }
0x45: {  	_ =	shalt  }
0x46: {  	_ =	shalt  }
0x47: {  	_ =	shalt  }
0x48: {  	_ =	shalt  }
0x49: {  	_ =	shalt  }
0x4a: {  	_ =	shalt  }
0x4b: {  	_ =	shalt  }
0x4c: {  	_ =	shalt  }
0x4d: {  	_ =	shalt  }
0x4e: {  	_ =	shalt  }
0x4f: {  	_ =	shalt  }
0x50: {  	_ =	shalt  }
0x51: {  	_ =	shalt  }
0x52: {  	_ =	shalt  }
0x53: {  	_ =	shalt  }
0x54: {  	_ =	shalt  }
0x55: {  	_ =	shalt  }
0x56: {  	_ =	shalt  }
0x57: {  	_ =	shalt  }
0x58: {  	_ =	shalt  }
0x59: {  	_ =	shalt  }
0x5a: {  	_ =	shalt  }
0x5b: {  	_ =	shalt  }
0x5c: {  	_ =	shalt  }
0x5d: {  	_ =	shalt  }
0x5e: {  	_ =	shalt  }
0x5f: {  	_ =	shalt  }
0x60: {  	_ =	shalt  }
0x61: {  	_ =	shalt  }
0x62: {  	_ =	shalt  }
0x63: {  	_ =	shalt  }
0x64: {  	_ =	shalt  }
0x65: {  	_ =	shalt  }
0x66: {  	_ =	shalt  }
0x67: {  	_ =	shalt  }
0x68: {  	_ =	shalt  }
0x69: {  	_ =	shalt  }
0x6a: {  	_ =	shalt  }
0x6b: {  	_ =	shalt  }
0x6c: {  	_ =	shalt  }
0x6d: {  	_ =	shalt  }
0x6e: {  	_ =	shalt  }
0x6f: {  	_ =	shalt  }
0x70: {  	_ =	shalt  }
0x71: {  	_ =	shalt  }
0x72: {  	_ =	shalt  }
0x73: {  	_ =	shalt  }
0x74: {  	_ =	shalt  }
0x75: {  	_ =	shalt  }
0x76: {  	_ =	shalt  }
0x77: {  	_ =	shalt  }
0x78: {  	_ =	shalt  }
0x79: {  	_ =	shalt  }
0x7a: {  	_ =	shalt  }
0x7b: {  	_ =	shalt  }
0x7c: {  	_ =	shalt  }
0x7d: {  	_ =	shalt  }
0x7e: {  	_ =	shalt  }
0x7f: {  	_ =	shalt  }
0x80: {  	_ =	shalt  }
0x81: {  	_ =	shalt  }
0x82: {  	_ =	shalt  }
0x83: {  	_ =	shalt  }
0x84: {  	_ =	shalt  }
0x85: {  	_ =	shalt  }
0x86: {  	_ =	shalt  }
0x87: {  	_ =	shalt  }
.Lfunc_end0:
.L_simem_size_0:
called_computation_lowered:
.L_overlay_start_0:
0x88: {  	s2 =	sld [smem:$0x3FD9]  }
0x89: {  	s3 =	sld [smem:$0x3FFE];
	_ =	sdelay $0x1  }
0x8a: {  	s1 =	srdreg.scid  }
0x8b: {  	s0 =	sand.u32 $0x1, s1  }
0x8c: {  	s16 =	sshll.u32 s0, $0xA;
	s2 =	sadd.s32 s3, s2  }
0x8d: {  	s2 =	sadd.s32 s2, s16  }
0x8e: {  	[smem:$0x3FB3] =	sst s2  }
0x8f: {  	_ = 	snop  }
0x90: {  	(tm) =	ssettm $0x1  }
0x91: {  	s17 =	sld [smem:$0x3FFB];
	_ =	sdelay $0x3  }
0x92: {  	_ =	strace s17  }
0x93: {  	s2 =	sld [smem:$0x3FFC];
	_ =	sdelay $0x3  }
0x94: {  	_ =	strace s2  }
0x95: {  	s2 =	sld [smem:$0x3FFD];
	_ =	sdelay $0x3  }
0x96: {  	_ =	strace s2  }
0x97: {  	_ =	strace $0x8FFFFFFF  }
0x98: {  	s18 =	sld [smem:$0x3FDB];
	_ =	sdelay $0x1  }
0x99: {  	s19 =	simm.s32 $_scs_section_size  }
0x9a: {  	s4 =	simm.s32 $_size__tile_overlayer_lowered;
	s5 =	simm.s32 $_tile_overlayer_lowered  }
0x9b: {  	s22 =	simm.s32 $0x1BFF;
	s21 =	sshll.u32 s5, $0x1;
	s2 =	sadd.s32 s19, s18  }
0x9c: {  	s6 =	simm.s32 $0x0;
	s20 =	sshll.u32 s4, $0x1;
	s4 =	sadd.s32 s21, s2  }
0x9d: {  	[timem:s6], [sflag:s22] =	dma.local [hbm:s4], s20  }
0x9e: {  	_ =	swait.ge [sflag:s22], s20  }
0x9f: {  	s3 =	ssub.s32 $0x0, s20;
	[sflag:s22] =	ssyncset.done $0x0  }
0xa0: {  	[sflag:s22] =	ssyncadd.s32 s3;
	_ =	sdelay $0x1  }
0xa1: {  	s23 =	simm.s32 $0x1B8B  }
0xa2: {  	_ =	swait.ge [sflag:s23], $0x1  }
0xa3: {  	[sflag:s23] =	ssyncset.done $0x0  }
0xa4: {  	s25 =	simm.s32 $0x1B8E;
	s24 =	sld [smem:$0x3FFE];
	[sflag:s23] =	ssyncadd.s32 $0xFFFFFFFF  }
0xa5: {  	s26 =	simm.s32 $execute0_lowered;
	[smem:$0x3FD2] =	sst s25  }
0xa6: {  	s4 =	sshll.u32 s26, $0x1;
	_ =	strace $0x80000046;
	[dreg:$0x1] =	wrdreg $0xFFFFFFFF  }
0xa7: {  	s28 =	simm.s32 $_size_execute0_lowered;
	s2 =	sadd.s32 s2, s4;
	[dreg:$0x0] =	wrdreg $0x0  }
0xa8: {  	s4 =	sshll.u32 s28, $0x1;
	[dreg:$0x2] =	wrdreg s2  }
0xa9: {  	[dreg:$0x3] =	wrdreg s4  }
0xaa: {  	[dreg:$0x4] =	wrdreg $0xC0  }
0xab: {  	_ =	task [dreg:s6], $0x5FFFF  }
0xac: {  	[dreg:$0x1] =	wrdreg $0xFFFFFFFF  }
0xad: {  	[dreg:$0x0] =	wrdreg $0x60  }
0xae: {  	[dreg:$0x2] =	wrdreg s24  }
0xaf: {  	[dreg:$0x3] =	wrdreg $0x58000  }
0xb0: {  	[dreg:$0x4] =	wrdreg $0x9  }
0xb1: {  	_ =	task.clear_ibuf [dreg:s6], $0x5FFFF;
	_ =	strace $0x90000046  }
0xb2: {  	s29 =	simm.s32 $0x9;
	_ =	strace $0x80000048  }
0xb3: {  	_ =	swait.ge [sflag:s29], $0x1  }
0xb4: {  	[sflag:s29] =	ssyncadd.s32 $0xFFFFFFFF  }
0xb5: {  	_ =	strace $0x90000048  }
0xb6: {  	_ =	sfence  }
0xb7: {  	s30 =	sld [smem:$0x0];
	_ =	sdelay $0x2  }
0xb8: {  	s31 =	sshll.u32 s1, $0xD;
	s1 =	sshrl.u32 s1, $0x2  }
0xb9: {  	s3 =	sand.u32 $0x4000, s31;
	s1 =	sadd.s32 s1, s30  }
0xba: {  	s0 =	sor.u32 s3, s0;
	s1 =	sshll.u32 s1, $0x11  }
0xbb: {  	s0 =	sor.u32 s1, s0  }
0xbc: {  	s0 =	sadd.s32 $0x8F2B, s0  }
0xbd: {  	[sflag:s0] =	ssyncadd.remote.s32 $0x1  }
0xbe: {  	_ =	sfence.sel $0xFFFF  }
0xbf: {  	[dreg:$0x0] =	wrdreg $0xFFFFFFFF;
	(pc) =	sbr.abs _section_cstart, $3  }
0xc0: {  	[dreg:$0x1] =	wrdreg $0xFFFFFFFF  }
0xc1: {  	_ =	task.clear_ibuf [dreg:s6], $0x2FFFF;
	_ =	strace $0x9FFFFFFF  }
0xc2: {  	(tm) =	ssettm $0x7FFFFFFF  }
0xc3: {  	_ =	shalt  }
tec
execute0_lowered:
.L_overlay_start_1:
0x0: {  	(tag) =	ssettag $0x1  }
0x1: {  	s4 =	rddreg [dreg:$0x0]  }
0x2: {  	s2 =	rddreg [dreg:$0x1];
	s3 =	srdreg.scid  }
0x3: {  	s0 =	rddreg [dreg:$0x2];
	s1 =	stileid.u32  }
0x4: {  	s10 =	simm.s32 $0x80;
	s11 =	simm.s32 $0x2800;
	s12 =	simm.s32 $0x1  }
0x5: {  	s13 =	simm.s32 $0x0;
	s5 =	sand.u32 $0x1, s3;
	s7 =	smul.u32 $0x500, s1  }
0x6: {  	s3 =	simm.s32 $0x0;
	s29 =	smul.u32 $0xA000, s1;
	s6 =	sshll.u32 s5, $0x4  }
0x7: {  	[smem:$0x7FF] =	sst s3;
	s8 =	smul.u32 $0x5000, s5;
	s6 =	sor.u32 s1, s6  }
0x8: {  	s5 =	ssub.s32 $0x2, s5;
	_ =	strace $0x80000047;
	s6 =	smul.u32 $0x500, s6  }
0x9: {  	s30 =	sshrl.u32 s5, $0x1;
	s31 =	sshrl.u32 s29, $0x2;
	s7 =	sadd.s32 s7, s8  }
0xa: {  	s9 =	ssub.s32 s5, s30;
	s5 =	sadd.s32 s31, s2;
	s6 =	sadd.s32 s6, s4  }
0xb: {  	v0 =	vimm.f32 $0.0e+00;
	vm0 =	vcmask $0x300;
	s8 =	simm.s32 $0x2;
	s7 =	sadd.s32 s7, s4;
	s4 =	sadd.s32 $0x3C00, s6  }
0xc: {  	v1 =	vsel vm0, $0x3F800000, v0;
	s6 =	sadd.s32 $0xDC00, s7;
	s7 =	smax.u32 s9, $0x1;
	s9 =	simm.s32 $0x3000  }
.LBB2_1:
0xd: {  	[tilespmem:s3], [sflag:$0x2] =	stream.linear.gather [hbm4b:s4+s3], $0x2800, $0x38;
	[tilespmem:$0x8000] =	vst v63  }
0xe: {  	_ =	swait.ge [sflag:s8], $0x2800  }
0xf: {  	[sflag:s8] =	ssyncset.done $0x0  }
0x10: {  	s14 =	simm.s32 $0x0;
	[sflag:s8] =	ssyncadd.s32 $0xFFFFD800  }
.LBB2_2:
0x11: {  	p0 =	sne.s32 s14, $0x1FC0  }
.Ltmp0:
0x12: {  	_ = 	snop;
	(pc) =	sbr.rel @p0 .LBB2_2-.Ltmp0, $3  }
0x13: {  	_ =	sdelay $0x1  }
0x14: {  	s15 =	sshra.s32 s14, $0x2  }
0x15: {  	s14 =	sadd.s32 $0x40, s14;
	[tilespmem:s15+$0x2800] =	vst v1  }
0x16: {  	s14 =	simm.s32 $0x40;
	s15 =	simm.s32 $0x0  }
.LBB2_4:
0x17: {  	p0 =	sne.s32 s14, $0x9FC0;
	[tilespmem:s15+$0x3000] =	vst v0;
	s15 =	smov.u32 s14;
	s14 =	sadd.s32 $0x40, s14  }
.Ltmp1:
0x18: {  	(pc) =	sbr.rel @p0 .LBB2_4-.Ltmp1, $2  }
0x19: {  	_ =	sdelay $0x2  }
0x1a: {  	s15 =	sshra.s32 s15, $0x2  }
0x1b: {  	[tilespmem:s15+$0x3000] =	vst v0  }
0x1c: {  	[spmem:s5] =	stream.linear.scatter [tilespmem:s9], [sflag:$0x2], $0x2800, $0x38;
	[tilespmem:$0x8000] =	vst v63  }
0x1d: {  	_ =	swait.ge [sflag:s8], $0x2800  }
0x1e: {  	[sflag:s8] =	ssyncset.done $0x0  }
0x1f: {  	[sflag:s8] =	ssyncadd.s32 $0xFFFFD800  }
0x20: {  	s14 =	simm.s32 $0x0;
	[bflag:$0x0] =	sbarrier.arrive $0xFFFF  }
.LBB2_6:
0x21: {  	p0 =	sne.s32 s14, $0x9E00  }
.Ltmp2:
0x22: {  	_ = 	snop;
	(pc) =	sbr.rel @p0 .LBB2_6-.Ltmp2, $3  }
0x23: {  	_ =	sdelay $0x1  }
0x24: {  	s15 =	sshra.s32 s14, $0x2;
	s14 =	sadd.s32 $0x200, s14  }
0x25: {  	[spmem:s2] =	stream.indirect.scatter.add.f32 [tilespmem:s11], [sflag:$0x1], $0x10, s15, s10, $0xb8;
	[tilespmem:$0x8000] =	vst v63  }
0x26: {  	_ =	swait.ge [sflag:s12], $0x800  }
0x27: {  	s14 =	simm.s32 $0x4F;
	[sflag:s12] =	ssyncset.done $0x0  }
.LBB2_8:
0x28: {  	p0 =	sne.s32 s14, $0x1;
	s14 =	sadd.s32 $0xFFFFFFFF, s14;
	[sflag:s12] =	ssyncadd.s32 $0xFFFFF800  }
.Ltmp3:
0x29: {  	(pc) =	sbr.rel @p0 .LBB2_8-.Ltmp3, $3  }
0x2a: {  	_ =	sdelay $0x1  }
0x2b: {  	_ =	swait.ge [sflag:s12], $0x800  }
0x2c: {  	[sflag:s12] =	ssyncset.done $0x0  }
0x2d: {  	[sflag:s12] =	ssyncadd.s32 $0xFFFFF800  }
0x2e: {  	[bflag:$0x0] =	sbarrier.arrive $0xFFFF  }
0x2f: {  	[tilespmem:s9], [sflag:$0x2] =	stream.linear.gather [spmem:s5], $0x2800, $0x38;
	[tilespmem:$0x8000] =	vst v63  }
0x30: {  	s13 =	sadd.s32 $0x1, s13;
	_ =	swait.ge [sflag:s8], $0x2800  }
0x31: {  	p0 =	sne.s32 s13, s7;
	[sflag:s8] =	ssyncset.done $0x0  }
.Ltmp4:
0x32: {  	[sflag:s8] =	ssyncadd.s32 $0xFFFFD800;
	(pc) =	sbr.rel @p0 .LBB2_1-.Ltmp4, $4  }
0x33: {  	[hbm4b:s6+s3] =	stream.linear.scatter [tilespmem:s9], [sflag:$0x2], $0x2800, $0x38;
	[tilespmem:$0x8000] =	vst v63  }
0x34: {  	_ =	swait.ge [sflag:s8], $0x2800  }
0x35: {  	[sflag:s8] =	ssyncset.done $0x0  }
0x36: {  	[sflag:s8] =	ssyncadd.s32 $0xFFFFD800  }
0x37: {  	_ =	sfence.sel $0x180000  }
0x38: {  	[bflag:$0x0] =	sbarrier.arrive $0xFFFF  }
0x39: {  	p0 =	sne.s32 s1, $0x0;
	_ =	strace $0x90000047  }
0x3a: {  	s0 =	sadd.s32 @!p0 $0x100000, s0;
	[bflag:$0x2] =	sbarrier.arrive $0xFFFF  }
0x3b: {  	[sflag:s0] =	ssyncadd.tile.s32 @!p0 $0x1;
	_ =	shalt  }
.Lfunc_end2:
_tile_overlayer_lowered:
.L_overlay_start_2:
0x3c: {  	(tag) =	ssettag $0x2  }
0x3d: {  	s0 =	rddreg [dreg:$0x0];
	s2 =	stileid.u32  }
0x3e: {  	s1 =	rddreg [dreg:$0x1];
	p0 =	sne.s32 s2, $0x0  }
0x3f: {  	s3 =	rddreg [dreg:$0x2];
	[bflag:$0x3] =	sbarrier.arrive $0xFFFF;
	s2 =	simm.s32 @!p0 $0x1C02  }
0x40: {  	[timem:s3], [sflag:s2] =	dma.local @!p0 [hbm:s0], s1  }
0x41: {  	s0 =	simm.s32 @!p0 $0x2  }
0x42: {  	_ =	swait.ge @!p0 [sflag:s0], s1  }
0x43: {  	s1 =	ssub.s32 @!p0 $0x0, s1;
	[sflag:s0] =	ssyncset.done @!p0 $0x0  }
0x44: {  	[sflag:s0] =	ssyncadd.s32 @!p0 s1  }
0x45: {  	[bflag:$0x3] =	sbarrier.arrive $0xFFFF  }
0x46: {  	_ =	shalt  }

</sc_bundles>
